<compile_context>
chip_gen: v7x
topology: tpu7x:2x2x1
jax: 0.10.2.dev20260603
libtpu: 0.0.44.dev20260713+nightly
codegen_flags: <defaults>
</compile_context>

<pallas_src>
import functools

import jax
import jax.numpy as jnp
from jax import lax
from jax.experimental import pallas as pl
from jax.experimental.pallas import tpu as pltpu
from jax.experimental.pallas import tpu_sc as plsc

D = 1024
F = 512
NE = 64
K = 2
T = 2048
A = T * K
BT = 128
NT = A // BT + NE
P = NT * BT
TS = 256
CH = 32

_f32 = jnp.float32
_i32 = jnp.int32
_bf16 = jnp.bfloat16


def _gate_body(x_ref, gw_ref, idx_ref, wgt_ref):
    s = jnp.dot(x_ref[...], gw_ref[...].T, preferred_element_type=_f32)
    m = jnp.max(s, axis=-1, keepdims=True)
    e = jnp.exp(s - m)
    p = e / jnp.sum(e, axis=-1, keepdims=True)
    i0 = jnp.argmax(p, axis=-1).astype(_i32)
    v0 = jnp.max(p, axis=-1)
    cols = lax.broadcasted_iota(_i32, p.shape, 1)
    p2 = jnp.where(cols == i0[:, None], -1.0, p)
    i1 = jnp.argmax(p2, axis=-1).astype(_i32)
    v1 = jnp.max(p2, axis=-1)
    idx_ref[...] = jnp.stack([i0, i1], axis=0)
    wgt_ref[...] = jnp.stack([v0, v1], axis=0)


def _gate(xf, gate_w):
    return pl.pallas_call(
        _gate_body,
        out_shape=[
            jax.ShapeDtypeStruct((K, T), _i32),
            jax.ShapeDtypeStruct((K, T), _f32),
        ],
    )(xf, gate_w)


def _route(idx2, wgt2):
    eid = idx2.reshape(-1)
    oh = (eid[:, None] == jnp.arange(NE, dtype=_i32)[None, :]).astype(_i32)
    cum = jnp.cumsum(oh, axis=0)
    counts = cum[-1]
    rank = jnp.take_along_axis(cum, eid[:, None], axis=1)[:, 0] - 1
    tiles_pe = (counts + BT - 1) // BT
    pad_start = jnp.concatenate(
        [jnp.zeros((1,), _i32), (jnp.cumsum(tiles_pe)[:-1] * BT).astype(_i32)])
    dst = pad_start[eid] + rank
    ar = jnp.arange(A, dtype=_i32)
    gtok = (jnp.arange(P, dtype=_i32) % T).at[dst].set(ar % T)
    rwgt = jnp.zeros((P,), _f32).at[dst].set(wgt2.reshape(-1))
    p0 = dst[:T]
    p1 = dst[T:]
    bounds = jnp.cumsum(tiles_pe).astype(_i32)
    total = bounds[-1]
    tj = jnp.minimum(jnp.arange(NT, dtype=_i32), total - 1)
    te = jnp.searchsorted(bounds, tj, side='right').astype(_i32)
    te = jnp.concatenate([te, total[None]])
    return gtok, rwgt.reshape(NT, 1, BT), te, p0, p1


_NC, _NS = 2, 16
_NW = _NC * _NS


_NB = 3


def _gather_pipeline(table_hbm, idx_v, bufs, gsems, ssems, seq):
    n = len(seq)
    gh = [None] * n
    sh = [None] * n
    for j in range(n + 1):
        if j < n:
            b = j % _NB
            if j >= _NB:
                sh[j - _NB].wait()
            io, _, _ = seq[j]
            gh[j] = pltpu.async_copy(
                table_hbm.at[idx_v.at[pl.ds(io, CH)]], bufs[b], gsems[b])
        if j >= 1:
            jp = j - 1
            _, oref, oo = seq[jp]
            gh[jp].wait()
            sh[jp] = pltpu.async_copy(
                bufs[jp % _NB], oref.at[pl.ds(oo, CH)], ssems[jp % _NB])
    for j in range(max(0, n - _NB), n):
        sh[j].wait()


@functools.lru_cache(maxsize=None)
def _sc_kernels():
    mesh = plsc.VectorSubcoreMesh(core_axis_name="c", subcore_axis_name="s")
    rows_w = P // _NW
    tok_w = T // _NW

    @functools.partial(
        pl.kernel,
        out_type=jax.ShapeDtypeStruct((P, D), _f32),
        mesh=mesh,
        scratch_types=[
            pltpu.VMEM((rows_w,), _i32),
            [pltpu.VMEM((CH, D), _f32)] * _NB,
            [pltpu.SemaphoreType.DMA] * _NB,
            [pltpu.SemaphoreType.DMA] * _NB,
        ],
    )
    def dispatch_sc(x_hbm, gtok_hbm, xg_hbm, idx_v, bufs, gsems, ssems):
        wid = lax.axis_index("s") * _NC + lax.axis_index("c")
        base0 = wid * rows_w
        pltpu.sync_copy(gtok_hbm.at[pl.ds(base0, rows_w)], idx_v)
        seq = [(j * CH, xg_hbm, base0 + j * CH) for j in range(rows_w // CH)]
        _gather_pipeline(x_hbm, idx_v, bufs, gsems, ssems, seq)

    @functools.partial(
        pl.kernel,
        out_type=[
            jax.ShapeDtypeStruct((T, D), _f32),
            jax.ShapeDtypeStruct((T, D), _f32),
        ],
        mesh=mesh,
        scratch_types=[
            pltpu.VMEM((2 * tok_w,), _i32),
            [pltpu.VMEM((CH, D), _f32)] * _NB,
            [pltpu.SemaphoreType.DMA] * _NB,
            [pltpu.SemaphoreType.DMA] * _NB,
        ],
    )
    def combine_sc(og_hbm, p0_hbm, p1_hbm, a_hbm, b_hbm,
                   idx_v, bufs, gsems, ssems):
        wid = lax.axis_index("s") * _NC + lax.axis_index("c")
        base0 = wid * tok_w
        pltpu.sync_copy(p0_hbm.at[pl.ds(base0, tok_w)],
                        idx_v.at[pl.ds(0, tok_w)])
        pltpu.sync_copy(p1_hbm.at[pl.ds(base0, tok_w)],
                        idx_v.at[pl.ds(tok_w, tok_w)])
        seq = []
        for j in range(tok_w // CH):
            seq.append((j * CH, a_hbm, base0 + j * CH))
            seq.append((tok_w + j * CH, b_hbm, base0 + j * CH))
        _gather_pipeline(og_hbm, idx_v, bufs, gsems, ssems, seq)

    return dispatch_sc, combine_sc


def _dispatch(xf, gtok):
    return _sc_kernels()[0](xf, gtok)


def _expert_body(te_ref, xg_ref, w1_ref, w3_ref, w2_ref, wr_ref, og_ref):
    t = pl.program_id(0)

    @pl.when(t < te_ref[NT])
    def _():
        xt = xg_ref[...].astype(_bf16)
        a = jnp.dot(xt, w1_ref[0].astype(_bf16).T, preferred_element_type=_f32)
        c = jnp.dot(xt, w3_ref[0].astype(_bf16).T, preferred_element_type=_f32)
        h = (a * lax.logistic(a) * c).astype(_bf16)
        o = jnp.dot(h, w2_ref[0].astype(_bf16).T, preferred_element_type=_f32)
        og_ref[...] = o * wr_ref[0, 0, :][:, None]


def _experts(te, xg, w1, w3, w2, wr3):
    grid_spec = pltpu.PrefetchScalarGridSpec(
        num_scalar_prefetch=1,
        grid=(NT,),
        in_specs=[
            pl.BlockSpec((BT, D), lambda t, te: (t, 0)),
            pl.BlockSpec((1, F, D), lambda t, te: (te[t], 0, 0)),
            pl.BlockSpec((1, F, D), lambda t, te: (te[t], 0, 0)),
            pl.BlockSpec((1, D, F), lambda t, te: (te[t], 0, 0)),
            pl.BlockSpec((1, 1, BT), lambda t, te: (t, 0, 0)),
        ],
        out_specs=pl.BlockSpec((BT, D), lambda t, te: (t, 0)),
    )
    return pl.pallas_call(
        _expert_body,
        grid_spec=grid_spec,
        out_shape=jax.ShapeDtypeStruct((P, D), _f32),
    )(te, xg, w1, w3, w2, wr3)


def _combine(og, p0, p1):
    return _sc_kernels()[1](og, p0, p1)


def _shared_body(x_ref, ws1_ref, ws3_ref, ws2_ref, y_ref):
    xt = x_ref[...].astype(_bf16)
    u = jnp.dot(xt, ws1_ref[...].astype(_bf16).T, preferred_element_type=_f32)
    v = jnp.dot(xt, ws3_ref[...].astype(_bf16).T, preferred_element_type=_f32)
    h = (u * lax.logistic(u) * v).astype(_bf16)
    z = jnp.dot(h, ws2_ref[...].astype(_bf16).T, preferred_element_type=_f32)
    y_ref[...] = z


def _shared(xf, ws1, ws3, ws2):
    si = ws1.shape[0]
    return pl.pallas_call(
        _shared_body,
        grid=(T // TS,),
        in_specs=[
            pl.BlockSpec((TS, D), lambda t: (t, 0)),
            pl.BlockSpec((si, D), lambda t: (0, 0)),
            pl.BlockSpec((si, D), lambda t: (0, 0)),
            pl.BlockSpec((D, si), lambda t: (0, 0)),
        ],
        out_specs=pl.BlockSpec((TS, D), lambda t: (t, 0)),
        out_shape=jax.ShapeDtypeStruct((T, D), _f32),
    )(xf, ws1, ws3, ws2)


def _add3_body(z_ref, a_ref, b_ref, y_ref):
    y_ref[...] = z_ref[...] + a_ref[...] + b_ref[...]


def _add3(z, a, b):
    return pl.pallas_call(
        _add3_body,
        grid=(T // 512,),
        in_specs=[pl.BlockSpec((512, D), lambda t: (t, 0))] * 3,
        out_specs=pl.BlockSpec((512, D), lambda t: (t, 0)),
        out_shape=jax.ShapeDtypeStruct((T, D), _f32),
    )(z, a, b)


def kernel(x, gate_w, w1, w2, w3, ws1, ws2, ws3):
    shape = x.shape
    xf = x.reshape(-1, D)
    idx2, wgt2 = _gate(xf, gate_w)
    gtok, wr3, te, p0, p1 = _route(idx2, wgt2)
    xg = _dispatch(xf, gtok)
    ysh = _shared(xf, ws1, ws3, ws2)
    og = _experts(te, xg, w1, w3, w2, wr3)
    acc_a, acc_b = _combine(og, p0, p1)
    y = _add3(ysh, acc_a, acc_b)
    return y.reshape(shape)

# --- scband reference (transcript-rebuilt; emitter-appended) ---
"""Pipeline reference for scband-mo-e-5523327943231 (READ-ONLY COPY).

The authoritative reference and input builder live on the scoring server;
editing this copy changes nothing except your own understanding.
"""

import jax, jax.numpy as jnp
import numpy as np

DIM = 1024
INTER = 512
E = 64
TOPK = 2
N_SHARED = 2
ROUTE_SCALE = 1.0


def setup_inputs(seed: int = 0) -> dict:
    key = jax.random.key(seed)
    ks = jax.random.split(key, 8)
    x = jax.random.normal(ks[0], (1, 2048, DIM), dtype=jnp.float32)
    gate_w = jax.random.normal(ks[1], (E, DIM), dtype=jnp.float32) / np.sqrt(DIM)
    w1 = jax.random.normal(ks[2], (E, INTER, DIM), dtype=jnp.float32) / np.sqrt(DIM)
    w2 = jax.random.normal(ks[3], (E, DIM, INTER), dtype=jnp.float32) / np.sqrt(INTER)
    w3 = jax.random.normal(ks[4], (E, INTER, DIM), dtype=jnp.float32) / np.sqrt(DIM)
    SI = N_SHARED * INTER
    ws1 = jax.random.normal(ks[5], (SI, DIM), dtype=jnp.float32) / np.sqrt(DIM)
    ws2 = jax.random.normal(ks[6], (DIM, SI), dtype=jnp.float32) / np.sqrt(SI)
    ws3 = jax.random.normal(ks[7], (SI, DIM), dtype=jnp.float32) / np.sqrt(DIM)
    return {"x": x, "gate_w": gate_w, "w1": w1, "w2": w2, "w3": w3,
            "ws1": ws1, "ws2": ws2, "ws3": ws3}


def _routing_indices(xf, gate_w):
    # Gate: linear scores -> softmax (fp32) -> top-k expert indices
    scores = jax.nn.softmax((xf @ gate_w.T).astype(jnp.float32), axis=-1)
    _, indices = jax.lax.top_k(scores, TOPK)
    return indices  # [T, TOPK] int


def _moe_core(xf, gate_w, w1, w2, w3, ws1, ws2, ws3, idx):
    # recompute gate scores (differentiable path)
    scores = jax.nn.softmax((xf @ gate_w.T).astype(jnp.float32), axis=-1)
    weights = (jnp.take_along_axis(scores, idx, axis=1) * ROUTE_SCALE).astype(xf.dtype)

    def body(e, y):
        # top-k indices per token are distinct, so at most one slot matches
        w_e = jnp.sum(jnp.where(idx == e, weights, jnp.zeros_like(weights)), axis=1)
        h = jax.nn.silu(xf @ w1[e].T) * (xf @ w3[e].T)
        oe = h @ w2[e].T
        return y + oe * w_e[:, None]

    y = jax.lax.fori_loop(0, E, body, jnp.zeros_like(xf))
    # shared experts MLP (silu-gated)
    z = (jax.nn.silu(xf @ ws1.T) * (xf @ ws3.T)) @ ws2.T
    return y + z


def reference(x, gate_w, w1, w2, w3, ws1, ws2, ws3):
    shape = x.shape
    xf = x.reshape(-1, DIM)
    idx = _routing_indices(xf, gate_w)
    y = _moe_core(xf, gate_w, w1, w2, w3, ws1, ws2, ws3, idx)
    return y.reshape(shape)

if __name__ == "__main__":
    import jax
    _d = setup_inputs()
    print(jax.jit(kernel)(*tuple(_d.values())))

</pallas_src>

<mosaic_0001>
#map = affine_map<(d0, d1) -> (0, 0)>
#map1 = affine_map<(d0, d1) -> (0)>
module attributes {stable_mosaic.version = 14 : i64} {
  func.func @combine_sc(%arg0: i32, %arg1: i32, %arg2: memref<12288x1024xf32, #tpu.memory_space<hbm>>, %arg3: memref<2048xi32, #tpu.memory_space<hbm>>, %arg4: memref<2048xi32, #tpu.memory_space<hbm>>, %arg5: memref<2048x1024xf32, #tpu.memory_space<hbm>>, %arg6: memref<2048x1024xf32, #tpu.memory_space<hbm>>, %arg7: memref<128xi32, #tpu.memory_space<vmem>>, %arg8: memref<32x1024xf32, #tpu.memory_space<vmem>>, %arg9: memref<32x1024xf32, #tpu.memory_space<vmem>>, %arg10: memref<32x1024xf32, #tpu.memory_space<vmem>>, %arg11: memref<!tpu.dma_semaphore, #tpu.memory_space<semaphore_mem>>, %arg12: memref<!tpu.dma_semaphore, #tpu.memory_space<semaphore_mem>>, %arg13: memref<!tpu.dma_semaphore, #tpu.memory_space<semaphore_mem>>, %arg14: memref<!tpu.dma_semaphore, #tpu.memory_space<semaphore_mem>>, %arg15: memref<!tpu.dma_semaphore, #tpu.memory_space<semaphore_mem>>, %arg16: memref<!tpu.dma_semaphore, #tpu.memory_space<semaphore_mem>>) attributes {dimension_semantics = [#tpu.dimension_semantics<core_parallel>, #tpu.dimension_semantics<subcore_parallel>], iteration_bounds = array<i64: 2, 16>, scalar_prefetch = 0 : i64, scratch_operands = 10 : i64, tpu.core_type = #tpu.core_type<sc_vector_subcore>, window_params = [{transform_indices = #map}, {transform_indices = #map1}, {transform_indices = #map1}, {transform_indices = #map}, {transform_indices = #map}]} {
    %mul3A = arith.constant 2 : i32
    %mul3A_0 = arith.muli %arg1, %mul3A : i32
    %add3A = arith.addi %mul3A_0, %arg0 : i32
    %mul3A_1 = arith.constant 64 : i32
    %mul3A_2 = arith.muli %add3A, %mul3A_1 : i32
    "tpu.region"() ({
      %run_scoped3A = tpu.sem_alloc : memref<!tpu.dma_semaphore, #tpu.memory_space<semaphore_mem>>
      %dma_start3A_81 = arith.constant 0 : i32
      %dma_start3A_82 = tpu.memref_slice %arg7[%dma_start3A_81] : memref<128xi32, #tpu.memory_space<vmem>> -> memref<64xi32, #tpu.memory_space<vmem>>
      %dma_start3A_83 = tpu.memref_slice %arg3[%mul3A_2] : memref<2048xi32, #tpu.memory_space<hbm>> -> memref<64xi32, #tpu.memory_space<hbm>>
      %dma_start3A_84 = arith.constant 0 : i32
      %dma_start3A_85 = tpu.memref_slice %arg7[%dma_start3A_84] : memref<128xi32, #tpu.memory_space<vmem>> -> memref<64xi32, #tpu.memory_space<vmem>>
      %dma_start3A_86 = tpu.memref_slice %arg3[%mul3A_2] : memref<2048xi32, #tpu.memory_space<hbm>> -> memref<64xi32, #tpu.memory_space<hbm>>
      tpu.enqueue_dma source(%dma_start3A_86 : memref<64xi32, #tpu.memory_space<hbm>>) target(%dma_start3A_85 : memref<64xi32, #tpu.memory_space<vmem>>) target_semaphore(%run_scoped3A : memref<!tpu.dma_semaphore, #tpu.memory_space<semaphore_mem>>)
      %dma_wait3A_87 = arith.constant 0 : i32
      %dma_wait3A_88 = tpu.memref_slice %arg7[%dma_wait3A_87] : memref<128xi32, #tpu.memory_space<vmem>> -> memref<64xi32, #tpu.memory_space<vmem>>
      %dma_wait3A_89 = tpu.memref_slice %arg3[%mul3A_2] : memref<2048xi32, #tpu.memory_space<hbm>> -> memref<64xi32, #tpu.memory_space<hbm>>
      %dma_wait3A_90 = arith.constant 0 : i32
      %dma_wait3A_91 = tpu.memref_slice %arg7[%dma_wait3A_90] : memref<128xi32, #tpu.memory_space<vmem>> -> memref<64xi32, #tpu.memory_space<vmem>>
      %dma_wait3A_92 = tpu.memref_slice %arg3[%mul3A_2] : memref<2048xi32, #tpu.memory_space<hbm>> -> memref<64xi32, #tpu.memory_space<hbm>>
      tpu.wait_dma2 semaphore(%run_scoped3A : memref<!tpu.dma_semaphore, #tpu.memory_space<semaphore_mem>>) src(%dma_wait3A_92 : memref<64xi32, #tpu.memory_space<hbm>>) dst(%dma_wait3A_91 : memref<64xi32, #tpu.memory_space<vmem>>)
      tpu.yield
    }) : () -> ()
    "tpu.region"() ({
      %run_scoped3A = tpu.sem_alloc : memref<!tpu.dma_semaphore, #tpu.memory_space<semaphore_mem>>
      %dma_start3A_81 = arith.constant 64 : i32
      %dma_start3A_82 = tpu.memref_slice %arg7[%dma_start3A_81] : memref<128xi32, #tpu.memory_space<vmem>> -> memref<64xi32, #tpu.memory_space<vmem>>
      %dma_start3A_83 = tpu.memref_slice %arg4[%mul3A_2] : memref<2048xi32, #tpu.memory_space<hbm>> -> memref<64xi32, #tpu.memory_space<hbm>>
      %dma_start3A_84 = arith.constant 64 : i32
      %dma_start3A_85 = tpu.memref_slice %arg7[%dma_start3A_84] : memref<128xi32, #tpu.memory_space<vmem>> -> memref<64xi32, #tpu.memory_space<vmem>>
      %dma_start3A_86 = tpu.memref_slice %arg4[%mul3A_2] : memref<2048xi32, #tpu.memory_space<hbm>> -> memref<64xi32, #tpu.memory_space<hbm>>
      tpu.enqueue_dma source(%dma_start3A_86 : memref<64xi32, #tpu.memory_space<hbm>>) target(%dma_start3A_85 : memref<64xi32, #tpu.memory_space<vmem>>) target_semaphore(%run_scoped3A : memref<!tpu.dma_semaphore, #tpu.memory_space<semaphore_mem>>)
      %dma_wait3A_87 = arith.constant 64 : i32
      %dma_wait3A_88 = tpu.memref_slice %arg7[%dma_wait3A_87] : memref<128xi32, #tpu.memory_space<vmem>> -> memref<64xi32, #tpu.memory_space<vmem>>
      %dma_wait3A_89 = tpu.memref_slice %arg4[%mul3A_2] : memref<2048xi32, #tpu.memory_space<hbm>> -> memref<64xi32, #tpu.memory_space<hbm>>
      %dma_wait3A_90 = arith.constant 64 : i32
      %dma_wait3A_91 = tpu.memref_slice %arg7[%dma_wait3A_90] : memref<128xi32, #tpu.memory_space<vmem>> -> memref<64xi32, #tpu.memory_space<vmem>>
      %dma_wait3A_92 = tpu.memref_slice %arg4[%mul3A_2] : memref<2048xi32, #tpu.memory_space<hbm>> -> memref<64xi32, #tpu.memory_space<hbm>>
      tpu.wait_dma2 semaphore(%run_scoped3A : memref<!tpu.dma_semaphore, #tpu.memory_space<semaphore_mem>>) src(%dma_wait3A_92 : memref<64xi32, #tpu.memory_space<hbm>>) dst(%dma_wait3A_91 : memref<64xi32, #tpu.memory_space<vmem>>)
      tpu.yield
    }) : () -> ()
    %add3A_3 = arith.constant 0 : i32
    %add3A_4 = arith.addi %mul3A_2, %add3A_3 : i32
    %add3A_5 = arith.constant 0 : i32
    %add3A_6 = arith.addi %mul3A_2, %add3A_5 : i32
    %add3A_7 = arith.constant 32 : i32
    %add3A_8 = arith.addi %mul3A_2, %add3A_7 : i32
    %add3A_9 = arith.constant 32 : i32
    %add3A_10 = arith.addi %mul3A_2, %add3A_9 : i32
    %dma_start3A = arith.constant 0 : i32
    %dma_start3A_11 = tpu.memref_slice %arg7[%dma_start3A] : memref<128xi32, #tpu.memory_space<vmem>> -> memref<32xi32, #tpu.memory_space<vmem>>
    %dma_start3A_12 = arith.constant 0 : i32
    %dma_start3A_13 = arith.constant 0 : i32
    %dma_start3A_14 = tpu.memref_slice %arg2[%dma_start3A_12, %dma_start3A_13] : memref<12288x1024xf32, #tpu.memory_space<hbm>> -> memref<12288x1024xf32, #tpu.memory_space<hbm>>
    tpu.enqueue_indirect_dma source(%dma_start3A_14 : memref<12288x1024xf32, #tpu.memory_space<hbm>>) target(%arg8 : memref<32x1024xf32, #tpu.memory_space<vmem>>) offsets(%dma_start3A_11 : memref<32xi32, #tpu.memory_space<vmem>>) semaphore(%arg11 : memref<!tpu.dma_semaphore, #tpu.memory_space<semaphore_mem>>)
    %dma_start3A_15 = arith.constant 64 : i32
    %dma_start3A_16 = tpu.memref_slice %arg7[%dma_start3A_15] : memref<128xi32, #tpu.memory_space<vmem>> -> memref<32xi32, #tpu.memory_space<vmem>>
    %dma_start3A_17 = arith.constant 0 : i32
    %dma_start3A_18 = arith.constant 0 : i32
    %dma_start3A_19 = tpu.memref_slice %arg2[%dma_start3A_17, %dma_start3A_18] : memref<12288x1024xf32, #tpu.memory_space<hbm>> -> memref<12288x1024xf32, #tpu.memory_space<hbm>>
    tpu.enqueue_indirect_dma source(%dma_start3A_19 : memref<12288x1024xf32, #tpu.memory_space<hbm>>) target(%arg9 : memref<32x1024xf32, #tpu.memory_space<vmem>>) offsets(%dma_start3A_16 : memref<32xi32, #tpu.memory_space<vmem>>) semaphore(%arg12 : memref<!tpu.dma_semaphore, #tpu.memory_space<semaphore_mem>>)
    %dma_wait3A = arith.constant 0 : i32
    %dma_wait3A_20 = tpu.memref_slice %arg7[%dma_wait3A] : memref<128xi32, #tpu.memory_space<vmem>> -> memref<32xi32, #tpu.memory_space<vmem>>
    %dma_wait3A_21 = arith.constant 0 : i32
    %dma_wait3A_22 = arith.constant 0 : i32
    %dma_wait3A_23 = tpu.memref_slice %arg2[%dma_wait3A_21, %dma_wait3A_22] : memref<12288x1024xf32, #tpu.memory_space<hbm>> -> memref<12288x1024xf32, #tpu.memory_space<hbm>>
    tpu.wait_indirect_dma semaphore(%arg11 : memref<!tpu.dma_semaphore, #tpu.memory_space<semaphore_mem>>) src(%dma_wait3A_23 : memref<12288x1024xf32, #tpu.memory_space<hbm>>) dst(%arg8 : memref<32x1024xf32, #tpu.memory_space<vmem>>)
    %dma_start3A_24 = arith.constant 0 : i32
    %dma_start3A_25 = tpu.memref_slice %arg5[%add3A_4, %dma_start3A_24] : memref<2048x1024xf32, #tpu.memory_space<hbm>> -> memref<32x1024xf32, #tpu.memory_space<hbm>>
    %dma_start3A_26 = arith.constant 0 : i32
    %dma_start3A_27 = tpu.memref_slice %arg5[%add3A_4, %dma_start3A_26] : memref<2048x1024xf32, #tpu.memory_space<hbm>> -> memref<32x1024xf32, #tpu.memory_space<hbm>>
    tpu.enqueue_dma source(%arg8 : memref<32x1024xf32, #tpu.memory_space<vmem>>) target(%dma_start3A_27 : memref<32x1024xf32, #tpu.memory_space<hbm>>) target_semaphore(%arg14 : memref<!tpu.dma_semaphore, #tpu.memory_space<semaphore_mem>>)
    %dma_start3A_28 = arith.constant 32 : i32
    %dma_start3A_29 = tpu.memref_slice %arg7[%dma_start3A_28] : memref<128xi32, #tpu.memory_space<vmem>> -> memref<32xi32, #tpu.memory_space<vmem>>
    %dma_start3A_30 = arith.constant 0 : i32
    %dma_start3A_31 = arith.constant 0 : i32
    %dma_start3A_32 = tpu.memref_slice %arg2[%dma_start3A_30, %dma_start3A_31] : memref<12288x1024xf32, #tpu.memory_space<hbm>> -> memref<12288x1024xf32, #tpu.memory_space<hbm>>
    tpu.enqueue_indirect_dma source(%dma_start3A_32 : memref<12288x1024xf32, #tpu.memory_space<hbm>>) target(%arg10 : memref<32x1024xf32, #tpu.memory_space<vmem>>) offsets(%dma_start3A_29 : memref<32xi32, #tpu.memory_space<vmem>>) semaphore(%arg13 : memref<!tpu.dma_semaphore, #tpu.memory_space<semaphore_mem>>)
    %dma_wait3A_33 = arith.constant 64 : i32
    %dma_wait3A_34 = tpu.memref_slice %arg7[%dma_wait3A_33] : memref<128xi32, #tpu.memory_space<vmem>> -> memref<32xi32, #tpu.memory_space<vmem>>
    %dma_wait3A_35 = arith.constant 0 : i32
    %dma_wait3A_36 = arith.constant 0 : i32
    %dma_wait3A_37 = tpu.memref_slice %arg2[%dma_wait3A_35, %dma_wait3A_36] : memref<12288x1024xf32, #tpu.memory_space<hbm>> -> memref<12288x1024xf32, #tpu.memory_space<hbm>>
    tpu.wait_indirect_dma semaphore(%arg12 : memref<!tpu.dma_semaphore, #tpu.memory_space<semaphore_mem>>) src(%dma_wait3A_37 : memref<12288x1024xf32, #tpu.memory_space<hbm>>) dst(%arg9 : memref<32x1024xf32, #tpu.memory_space<vmem>>)
    %dma_start3A_38 = arith.constant 0 : i32
    %dma_start3A_39 = tpu.memref_slice %arg6[%add3A_6, %dma_start3A_38] : memref<2048x1024xf32, #tpu.memory_space<hbm>> -> memref<32x1024xf32, #tpu.memory_space<hbm>>
    %dma_start3A_40 = arith.constant 0 : i32
    %dma_start3A_41 = tpu.memref_slice %arg6[%add3A_6, %dma_start3A_40] : memref<2048x1024xf32, #tpu.memory_space<hbm>> -> memref<32x1024xf32, #tpu.memory_space<hbm>>
    tpu.enqueue_dma source(%arg9 : memref<32x1024xf32, #tpu.memory_space<vmem>>) target(%dma_start3A_41 : memref<32x1024xf32, #tpu.memory_space<hbm>>) target_semaphore(%arg15 : memref<!tpu.dma_semaphore, #tpu.memory_space<semaphore_mem>>)
    %dma_wait3A_42 = arith.constant 0 : i32
    %dma_wait3A_43 = tpu.memref_slice %arg5[%add3A_4, %dma_wait3A_42] : memref<2048x1024xf32, #tpu.memory_space<hbm>> -> memref<32x1024xf32, #tpu.memory_space<hbm>>
    %dma_wait3A_44 = arith.constant 0 : i32
    %dma_wait3A_45 = tpu.memref_slice %arg5[%add3A_4, %dma_wait3A_44] : memref<2048x1024xf32, #tpu.memory_space<hbm>> -> memref<32x1024xf32, #tpu.memory_space<hbm>>
    tpu.wait_dma2 semaphore(%arg14 : memref<!tpu.dma_semaphore, #tpu.memory_space<semaphore_mem>>) src(%arg8 : memref<32x1024xf32, #tpu.memory_space<vmem>>) dst(%dma_wait3A_45 : memref<32x1024xf32, #tpu.memory_space<hbm>>)
    %dma_start3A_46 = arith.constant 96 : i32
    %dma_start3A_47 = tpu.memref_slice %arg7[%dma_start3A_46] : memref<128xi32, #tpu.memory_space<vmem>> -> memref<32xi32, #tpu.memory_space<vmem>>
    %dma_start3A_48 = arith.constant 0 : i32
    %dma_start3A_49 = arith.constant 0 : i32
    %dma_start3A_50 = tpu.memref_slice %arg2[%dma_start3A_48, %dma_start3A_49] : memref<12288x1024xf32, #tpu.memory_space<hbm>> -> memref<12288x1024xf32, #tpu.memory_space<hbm>>
    tpu.enqueue_indirect_dma source(%dma_start3A_50 : memref<12288x1024xf32, #tpu.memory_space<hbm>>) target(%arg8 : memref<32x1024xf32, #tpu.memory_space<vmem>>) offsets(%dma_start3A_47 : memref<32xi32, #tpu.memory_space<vmem>>) semaphore(%arg11 : memref<!tpu.dma_semaphore, #tpu.memory_space<semaphore_mem>>)
    %dma_wait3A_51 = arith.constant 32 : i32
    %dma_wait3A_52 = tpu.memref_slice %arg7[%dma_wait3A_51] : memref<128xi32, #tpu.memory_space<vmem>> -> memref<32xi32, #tpu.memory_space<vmem>>
    %dma_wait3A_53 = arith.constant 0 : i32
    %dma_wait3A_54 = arith.constant 0 : i32
    %dma_wait3A_55 = tpu.memref_slice %arg2[%dma_wait3A_53, %dma_wait3A_54] : memref<12288x1024xf32, #tpu.memory_space<hbm>> -> memref<12288x1024xf32, #tpu.memory_space<hbm>>
    tpu.wait_indirect_dma semaphore(%arg13 : memref<!tpu.dma_semaphore, #tpu.memory_space<semaphore_mem>>) src(%dma_wait3A_55 : memref<12288x1024xf32, #tpu.memory_space<hbm>>) dst(%arg10 : memref<32x1024xf32, #tpu.memory_space<vmem>>)
    %dma_start3A_56 = arith.constant 0 : i32
    %dma_start3A_57 = tpu.memref_slice %arg5[%add3A_8, %dma_start3A_56] : memref<2048x1024xf32, #tpu.memory_space<hbm>> -> memref<32x1024xf32, #tpu.memory_space<hbm>>
    %dma_start3A_58 = arith.constant 0 : i32
    %dma_start3A_59 = tpu.memref_slice %arg5[%add3A_8, %dma_start3A_58] : memref<2048x1024xf32, #tpu.memory_space<hbm>> -> memref<32x1024xf32, #tpu.memory_space<hbm>>
    tpu.enqueue_dma source(%arg10 : memref<32x1024xf32, #tpu.memory_space<vmem>>) target(%dma_start3A_59 : memref<32x1024xf32, #tpu.memory_space<hbm>>) target_semaphore(%arg16 : memref<!tpu.dma_semaphore, #tpu.memory_space<semaphore_mem>>)
    %dma_wait3A_60 = arith.constant 96 : i32
    %dma_wait3A_61 = tpu.memref_slice %arg7[%dma_wait3A_60] : memref<128xi32, #tpu.memory_space<vmem>> -> memref<32xi32, #tpu.memory_space<vmem>>
    %dma_wait3A_62 = arith.constant 0 : i32
    %dma_wait3A_63 = arith.constant 0 : i32
    %dma_wait3A_64 = tpu.memref_slice %arg2[%dma_wait3A_62, %dma_wait3A_63] : memref<12288x1024xf32, #tpu.memory_space<hbm>> -> memref<12288x1024xf32, #tpu.memory_space<hbm>>
    tpu.wait_indirect_dma semaphore(%arg11 : memref<!tpu.dma_semaphore, #tpu.memory_space<semaphore_mem>>) src(%dma_wait3A_64 : memref<12288x1024xf32, #tpu.memory_space<hbm>>) dst(%arg8 : memref<32x1024xf32, #tpu.memory_space<vmem>>)
    %dma_start3A_65 = arith.constant 0 : i32
    %dma_start3A_66 = tpu.memref_slice %arg6[%add3A_10, %dma_start3A_65] : memref<2048x1024xf32, #tpu.memory_space<hbm>> -> memref<32x1024xf32, #tpu.memory_space<hbm>>
    %dma_start3A_67 = arith.constant 0 : i32
    %dma_start3A_68 = tpu.memref_slice %arg6[%add3A_10, %dma_start3A_67] : memref<2048x1024xf32, #tpu.memory_space<hbm>> -> memref<32x1024xf32, #tpu.memory_space<hbm>>
    tpu.enqueue_dma source(%arg8 : memref<32x1024xf32, #tpu.memory_space<vmem>>) target(%dma_start3A_68 : memref<32x1024xf32, #tpu.memory_space<hbm>>) target_semaphore(%arg14 : memref<!tpu.dma_semaphore, #tpu.memory_space<semaphore_mem>>)
    %dma_wait3A_69 = arith.constant 0 : i32
    %dma_wait3A_70 = tpu.memref_slice %arg6[%add3A_6, %dma_wait3A_69] : memref<2048x1024xf32, #tpu.memory_space<hbm>> -> memref<32x1024xf32, #tpu.memory_space<hbm>>
    %dma_wait3A_71 = arith.constant 0 : i32
    %dma_wait3A_72 = tpu.memref_slice %arg6[%add3A_6, %dma_wait3A_71] : memref<2048x1024xf32, #tpu.memory_space<hbm>> -> memref<32x1024xf32, #tpu.memory_space<hbm>>
    tpu.wait_dma2 semaphore(%arg15 : memref<!tpu.dma_semaphore, #tpu.memory_space<semaphore_mem>>) src(%arg9 : memref<32x1024xf32, #tpu.memory_space<vmem>>) dst(%dma_wait3A_72 : memref<32x1024xf32, #tpu.memory_space<hbm>>)
    %dma_wait3A_73 = arith.constant 0 : i32
    %dma_wait3A_74 = tpu.memref_slice %arg5[%add3A_8, %dma_wait3A_73] : memref<2048x1024xf32, #tpu.memory_space<hbm>> -> memref<32x1024xf32, #tpu.memory_space<hbm>>
    %dma_wait3A_75 = arith.constant 0 : i32
    %dma_wait3A_76 = tpu.memref_slice %arg5[%add3A_8, %dma_wait3A_75] : memref<2048x1024xf32, #tpu.memory_space<hbm>> -> memref<32x1024xf32, #tpu.memory_space<hbm>>
    tpu.wait_dma2 semaphore(%arg16 : memref<!tpu.dma_semaphore, #tpu.memory_space<semaphore_mem>>) src(%arg10 : memref<32x1024xf32, #tpu.memory_space<vmem>>) dst(%dma_wait3A_76 : memref<32x1024xf32, #tpu.memory_space<hbm>>)
    %dma_wait3A_77 = arith.constant 0 : i32
    %dma_wait3A_78 = tpu.memref_slice %arg6[%add3A_10, %dma_wait3A_77] : memref<2048x1024xf32, #tpu.memory_space<hbm>> -> memref<32x1024xf32, #tpu.memory_space<hbm>>
    %dma_wait3A_79 = arith.constant 0 : i32
    %dma_wait3A_80 = tpu.memref_slice %arg6[%add3A_10, %dma_wait3A_79] : memref<2048x1024xf32, #tpu.memory_space<hbm>> -> memref<32x1024xf32, #tpu.memory_space<hbm>>
    tpu.wait_dma2 semaphore(%arg14 : memref<!tpu.dma_semaphore, #tpu.memory_space<semaphore_mem>>) src(%arg8 : memref<32x1024xf32, #tpu.memory_space<vmem>>) dst(%dma_wait3A_80 : memref<32x1024xf32, #tpu.memory_space<hbm>>)
    return
  }
}

#map = affine_map<(d0, d1) -> (0, 0)>
#map1 = affine_map<(d0, d1) -> (0)>
module attributes {stable_mosaic.version = 14 : i64} {
  func.func @dispatch_sc(%arg0: i32, %arg1: i32, %arg2: memref<2048x1024xf32, #tpu.memory_space<hbm>>, %arg3: memref<12288xi32, #tpu.memory_space<hbm>>, %arg4: memref<12288x1024xf32, #tpu.memory_space<hbm>>, %arg5: memref<384xi32, #tpu.memory_space<vmem>>, %arg6: memref<32x1024xf32, #tpu.memory_space<vmem>>, %arg7: memref<32x1024xf32, #tpu.memory_space<vmem>>, %arg8: memref<32x1024xf32, #tpu.memory_space<vmem>>, %arg9: memref<!tpu.dma_semaphore, #tpu.memory_space<semaphore_mem>>, %arg10: memref<!tpu.dma_semaphore, #tpu.memory_space<semaphore_mem>>, %arg11: memref<!tpu.dma_semaphore, #tpu.memory_space<semaphore_mem>>, %arg12: memref<!tpu.dma_semaphore, #tpu.memory_space<semaphore_mem>>, %arg13: memref<!tpu.dma_semaphore, #tpu.memory_space<semaphore_mem>>, %arg14: memref<!tpu.dma_semaphore, #tpu.memory_space<semaphore_mem>>) attributes {dimension_semantics = [#tpu.dimension_semantics<core_parallel>, #tpu.dimension_semantics<subcore_parallel>], iteration_bounds = array<i64: 2, 16>, scalar_prefetch = 0 : i64, scratch_operands = 10 : i64, tpu.core_type = #tpu.core_type<sc_vector_subcore>, window_params = [{transform_indices = #map}, {transform_indices = #map1}, {transform_indices = #map}]} {
    %mul3A = arith.constant 2 : i32
    %mul3A_0 = arith.muli %arg1, %mul3A : i32
    %add3A = arith.addi %mul3A_0, %arg0 : i32
    %mul3A_1 = arith.constant 384 : i32
    %mul3A_2 = arith.muli %add3A, %mul3A_1 : i32
    "tpu.region"() ({
      %run_scoped3A = tpu.sem_alloc : memref<!tpu.dma_semaphore, #tpu.memory_space<semaphore_mem>>
      %dma_start3A_241 = tpu.memref_slice %arg3[%mul3A_2] : memref<12288xi32, #tpu.memory_space<hbm>> -> memref<384xi32, #tpu.memory_space<hbm>>
      %dma_start3A_242 = tpu.memref_slice %arg3[%mul3A_2] : memref<12288xi32, #tpu.memory_space<hbm>> -> memref<384xi32, #tpu.memory_space<hbm>>
      tpu.enqueue_dma source(%dma_start3A_242 : memref<384xi32, #tpu.memory_space<hbm>>) target(%arg5 : memref<384xi32, #tpu.memory_space<vmem>>) target_semaphore(%run_scoped3A : memref<!tpu.dma_semaphore, #tpu.memory_space<semaphore_mem>>)
      %dma_wait3A_243 = tpu.memref_slice %arg3[%mul3A_2] : memref<12288xi32, #tpu.memory_space<hbm>> -> memref<384xi32, #tpu.memory_space<hbm>>
      %dma_wait3A_244 = tpu.memref_slice %arg3[%mul3A_2] : memref<12288xi32, #tpu.memory_space<hbm>> -> memref<384xi32, #tpu.memory_space<hbm>>
      tpu.wait_dma2 semaphore(%run_scoped3A : memref<!tpu.dma_semaphore, #tpu.memory_space<semaphore_mem>>) src(%dma_wait3A_244 : memref<384xi32, #tpu.memory_space<hbm>>) dst(%arg5 : memref<384xi32, #tpu.memory_space<vmem>>)
      tpu.yield
    }) : () -> ()
    %add3A_3 = arith.constant 0 : i32
    %add3A_4 = arith.addi %mul3A_2, %add3A_3 : i32
    %add3A_5 = arith.constant 32 : i32
    %add3A_6 = arith.addi %mul3A_2, %add3A_5 : i32
    %add3A_7 = arith.constant 64 : i32
    %add3A_8 = arith.addi %mul3A_2, %add3A_7 : i32
    %add3A_9 = arith.constant 96 : i32
    %add3A_10 = arith.addi %mul3A_2, %add3A_9 : i32
    %add3A_11 = arith.constant 128 : i32
    %add3A_12 = arith.addi %mul3A_2, %add3A_11 : i32
    %add3A_13 = arith.constant 160 : i32
    %add3A_14 = arith.addi %mul3A_2, %add3A_13 : i32
    %add3A_15 = arith.constant 192 : i32
    %add3A_16 = arith.addi %mul3A_2, %add3A_15 : i32
    %add3A_17 = arith.constant 224 : i32
    %add3A_18 = arith.addi %mul3A_2, %add3A_17 : i32
    %add3A_19 = arith.constant 256 : i32
    %add3A_20 = arith.addi %mul3A_2, %add3A_19 : i32
    %add3A_21 = arith.constant 288 : i32
    %add3A_22 = arith.addi %mul3A_2, %add3A_21 : i32
    %add3A_23 = arith.constant 320 : i32
    %add3A_24 = arith.addi %mul3A_2, %add3A_23 : i32
    %add3A_25 = arith.constant 352 : i32
    %add3A_26 = arith.addi %mul3A_2, %add3A_25 : i32
    %dma_start3A = arith.constant 0 : i32
    %dma_start3A_27 = tpu.memref_slice %arg5[%dma_start3A] : memref<384xi32, #tpu.memory_space<vmem>> -> memref<32xi32, #tpu.memory_space<vmem>>
    %dma_start3A_28 = arith.constant 0 : i32
    %dma_start3A_29 = arith.constant 0 : i32
    %dma_start3A_30 = tpu.memref_slice %arg2[%dma_start3A_28, %dma_start3A_29] : memref<2048x1024xf32, #tpu.memory_space<hbm>> -> memref<2048x1024xf32, #tpu.memory_space<hbm>>
    tpu.enqueue_indirect_dma source(%dma_start3A_30 : memref<2048x1024xf32, #tpu.memory_space<hbm>>) target(%arg6 : memref<32x1024xf32, #tpu.memory_space<vmem>>) offsets(%dma_start3A_27 : memref<32xi32, #tpu.memory_space<vmem>>) semaphore(%arg9 : memref<!tpu.dma_semaphore, #tpu.memory_space<semaphore_mem>>)
    %dma_start3A_31 = arith.constant 32 : i32
    %dma_start3A_32 = tpu.memref_slice %arg5[%dma_start3A_31] : memref<384xi32, #tpu.memory_space<vmem>> -> memref<32xi32, #tpu.memory_space<vmem>>
    %dma_start3A_33 = arith.constant 0 : i32
    %dma_start3A_34 = arith.constant 0 : i32
    %dma_start3A_35 = tpu.memref_slice %arg2[%dma_start3A_33, %dma_start3A_34] : memref<2048x1024xf32, #tpu.memory_space<hbm>> -> memref<2048x1024xf32, #tpu.memory_space<hbm>>
    tpu.enqueue_indirect_dma source(%dma_start3A_35 : memref<2048x1024xf32, #tpu.memory_space<hbm>>) target(%arg7 : memref<32x1024xf32, #tpu.memory_space<vmem>>) offsets(%dma_start3A_32 : memref<32xi32, #tpu.memory_space<vmem>>) semaphore(%arg10 : memref<!tpu.dma_semaphore, #tpu.memory_space<semaphore_mem>>)
    %dma_wait3A = arith.constant 0 : i32
    %dma_wait3A_36 = tpu.memref_slice %arg5[%dma_wait3A] : memref<384xi32, #tpu.memory_space<vmem>> -> memref<32xi32, #tpu.memory_space<vmem>>
    %dma_wait3A_37 = arith.constant 0 : i32
    %dma_wait3A_38 = arith.constant 0 : i32
    %dma_wait3A_39 = tpu.memref_slice %arg2[%dma_wait3A_37, %dma_wait3A_38] : memref<2048x1024xf32, #tpu.memory_space<hbm>> -> memref<2048x1024xf32, #tpu.memory_space<hbm>>
    tpu.wait_indirect_dma semaphore(%arg9 : memref<!tpu.dma_semaphore, #tpu.memory_space<semaphore_mem>>) src(%dma_wait3A_39 : memref<2048x1024xf32, #tpu.memory_space<hbm>>) dst(%arg6 : memref<32x1024xf32, #tpu.memory_space<vmem>>)
    %dma_start3A_40 = arith.constant 0 : i32
    %dma_start3A_41 = tpu.memref_slice %arg4[%add3A_4, %dma_start3A_40] : memref<12288x1024xf32, #tpu.memory_space<hbm>> -> memref<32x1024xf32, #tpu.memory_space<hbm>>
    %dma_start3A_42 = arith.constant 0 : i32
    %dma_start3A_43 = tpu.memref_slice %arg4[%add3A_4, %dma_start3A_42] : memref<12288x1024xf32, #tpu.memory_space<hbm>> -> memref<32x1024xf32, #tpu.memory_space<hbm>>
    tpu.enqueue_dma source(%arg6 : memref<32x1024xf32, #tpu.memory_space<vmem>>) target(%dma_start3A_43 : memref<32x1024xf32, #tpu.memory_space<hbm>>) target_semaphore(%arg12 : memref<!tpu.dma_semaphore, #tpu.memory_space<semaphore_mem>>)
    %dma_start3A_44 = arith.constant 64 : i32
    %dma_start3A_45 = tpu.memref_slice %arg5[%dma_start3A_44] : memref<384xi32, #tpu.memory_space<vmem>> -> memref<32xi32, #tpu.memory_space<vmem>>
    %dma_start3A_46 = arith.constant 0 : i32
    %dma_start3A_47 = arith.constant 0 : i32
    %dma_start3A_48 = tpu.memref_slice %arg2[%dma_start3A_46, %dma_start3A_47] : memref<2048x1024xf32, #tpu.memory_space<hbm>> -> memref<2048x1024xf32, #tpu.memory_space<hbm>>
    tpu.enqueue_indirect_dma source(%dma_start3A_48 : memref<2048x1024xf32, #tpu.memory_space<hbm>>) target(%arg8 : memref<32x1024xf32, #tpu.memory_space<vmem>>) offsets(%dma_start3A_45 : memref<32xi32, #tpu.memory_space<vmem>>) semaphore(%arg11 : memref<!tpu.dma_semaphore, #tpu.memory_space<semaphore_mem>>)
    %dma_wait3A_49 = arith.constant 32 : i32
    %dma_wait3A_50 = tpu.memref_slice %arg5[%dma_wait3A_49] : memref<384xi32, #tpu.memory_space<vmem>> -> memref<32xi32, #tpu.memory_space<vmem>>
    %dma_wait3A_51 = arith.constant 0 : i32
    %dma_wait3A_52 = arith.constant 0 : i32
    %dma_wait3A_53 = tpu.memref_slice %arg2[%dma_wait3A_51, %dma_wait3A_52] : memref<2048x1024xf32, #tpu.memory_space<hbm>> -> memref<2048x1024xf32, #tpu.memory_space<hbm>>
    tpu.wait_indirect_dma semaphore(%arg10 : memref<!tpu.dma_semaphore, #tpu.memory_space<semaphore_mem>>) src(%dma_wait3A_53 : memref<2048x1024xf32, #tpu.memory_space<hbm>>) dst(%arg7 : memref<32x1024xf32, #tpu.memory_space<vmem>>)
    %dma_start3A_54 = arith.constant 0 : i32
    %dma_start3A_55 = tpu.memref_slice %arg4[%add3A_6, %dma_start3A_54] : memref<12288x1024xf32, #tpu.memory_space<hbm>> -> memref<32x1024xf32, #tpu.memory_space<hbm>>
    %dma_start3A_56 = arith.constant 0 : i32
    %dma_start3A_57 = tpu.memref_slice %arg4[%add3A_6, %dma_start3A_56] : memref<12288x1024xf32, #tpu.memory_space<hbm>> -> memref<32x1024xf32, #tpu.memory_space<hbm>>
    tpu.enqueue_dma source(%arg7 : memref<32x1024xf32, #tpu.memory_space<vmem>>) target(%dma_start3A_57 : memref<32x1024xf32, #tpu.memory_space<hbm>>) target_semaphore(%arg13 : memref<!tpu.dma_semaphore, #tpu.memory_space<semaphore_mem>>)
    %dma_wait3A_58 = arith.constant 0 : i32
    %dma_wait3A_59 = tpu.memref_slice %arg4[%add3A_4, %dma_wait3A_58] : memref<12288x1024xf32, #tpu.memory_space<hbm>> -> memref<32x1024xf32, #tpu.memory_space<hbm>>
    %dma_wait3A_60 = arith.constant 0 : i32
    %dma_wait3A_61 = tpu.memref_slice %arg4[%add3A_4, %dma_wait3A_60] : memref<12288x1024xf32, #tpu.memory_space<hbm>> -> memref<32x1024xf32, #tpu.memory_space<hbm>>
    tpu.wait_dma2 semaphore(%arg12 : memref<!tpu.dma_semaphore, #tpu.memory_space<semaphore_mem>>) src(%arg6 : memref<32x1024xf32, #tpu.memory_space<vmem>>) dst(%dma_wait3A_61 : memref<32x1024xf32, #tpu.memory_space<hbm>>)
    %dma_start3A_62 = arith.constant 96 : i32
    %dma_start3A_63 = tpu.memref_slice %arg5[%dma_start3A_62] : memref<384xi32, #tpu.memory_space<vmem>> -> memref<32xi32, #tpu.memory_space<vmem>>
    %dma_start3A_64 = arith.constant 0 : i32
    %dma_start3A_65 = arith.constant 0 : i32
    %dma_start3A_66 = tpu.memref_slice %arg2[%dma_start3A_64, %dma_start3A_65] : memref<2048x1024xf32, #tpu.memory_space<hbm>> -> memref<2048x1024xf32, #tpu.memory_space<hbm>>
    tpu.enqueue_indirect_dma source(%dma_start3A_66 : memref<2048x1024xf32, #tpu.memory_space<hbm>>) target(%arg6 : memref<32x1024xf32, #tpu.memory_space<vmem>>) offsets(%dma_start3A_63 : memref<32xi32, #tpu.memory_space<vmem>>) semaphore(%arg9 : memref<!tpu.dma_semaphore, #tpu.memory_space<semaphore_mem>>)
    %dma_wait3A_67 = arith.constant 64 : i32
    %dma_wait3A_68 = tpu.memref_slice %arg5[%dma_wait3A_67] : memref<384xi32, #tpu.memory_space<vmem>> -> memref<32xi32, #tpu.memory_space<vmem>>
    %dma_wait3A_69 = arith.constant 0 : i32
    %dma_wait3A_70 = arith.constant 0 : i32
    %dma_wait3A_71 = tpu.memref_slice %arg2[%dma_wait3A_69, %dma_wait3A_70] : memref<2048x1024xf32, #tpu.memory_space<hbm>> -> memref<2048x1024xf32, #tpu.memory_space<hbm>>
    tpu.wait_indirect_dma semaphore(%arg11 : memref<!tpu.dma_semaphore, #tpu.memory_space<semaphore_mem>>) src(%dma_wait3A_71 : memref<2048x1024xf32, #tpu.memory_space<hbm>>) dst(%arg8 : memref<32x1024xf32, #tpu.memory_space<vmem>>)
    %dma_start3A_72 = arith.constant 0 : i32
    %dma_start3A_73 = tpu.memref_slice %arg4[%add3A_8, %dma_start3A_72] : memref<12288x1024xf32, #tpu.memory_space<hbm>> -> memref<32x1024xf32, #tpu.memory_space<hbm>>
    %dma_start3A_74 = arith.constant 0 : i32
    %dma_start3A_75 = tpu.memref_slice %arg4[%add3A_8, %dma_start3A_74] : memref<12288x1024xf32, #tpu.memory_space<hbm>> -> memref<32x1024xf32, #tpu.memory_space<hbm>>
    tpu.enqueue_dma source(%arg8 : memref<32x1024xf32, #tpu.memory_space<vmem>>) target(%dma_start3A_75 : memref<32x1024xf32, #tpu.memory_space<hbm>>) target_semaphore(%arg14 : memref<!tpu.dma_semaphore, #tpu.memory_space<semaphore_mem>>)
    %dma_wait3A_76 = arith.constant 0 : i32
    %dma_wait3A_77 = tpu.memref_slice %arg4[%add3A_6, %dma_wait3A_76] : memref<12288x1024xf32, #tpu.memory_space<hbm>> -> memref<32x1024xf32, #tpu.memory_space<hbm>>
    %dma_wait3A_78 = arith.constant 0 : i32
    %dma_wait3A_79 = tpu.memref_slice %arg4[%add3A_6, %dma_wait3A_78] : memref<12288x1024xf32, #tpu.memory_space<hbm>> -> memref<32x1024xf32, #tpu.memory_space<hbm>>
    tpu.wait_dma2 semaphore(%arg13 : memref<!tpu.dma_semaphore, #tpu.memory_space<semaphore_mem>>) src(%arg7 : memref<32x1024xf32, #tpu.memory_space<vmem>>) dst(%dma_wait3A_79 : memref<32x1024xf32, #tpu.memory_space<hbm>>)
    %dma_start3A_80 = arith.constant 128 : i32
    %dma_start3A_81 = tpu.memref_slice %arg5[%dma_start3A_80] : memref<384xi32, #tpu.memory_space<vmem>> -> memref<32xi32, #tpu.memory_space<vmem>>
    %dma_start3A_82 = arith.constant 0 : i32
    %dma_start3A_83 = arith.constant 0 : i32
    %dma_start3A_84 = tpu.memref_slice %arg2[%dma_start3A_82, %dma_start3A_83] : memref<2048x1024xf32, #tpu.memory_space<hbm>> -> memref<2048x1024xf32, #tpu.memory_space<hbm>>
    tpu.enqueue_indirect_dma source(%dma_start3A_84 : memref<2048x1024xf32, #tpu.memory_space<hbm>>) target(%arg7 : memref<32x1024xf32, #tpu.memory_space<vmem>>) offsets(%dma_start3A_81 : memref<32xi32, #tpu.memory_space<vmem>>) semaphore(%arg10 : memref<!tpu.dma_semaphore, #tpu.memory_space<semaphore_mem>>)
    %dma_wait3A_85 = arith.constant 96 : i32
    %dma_wait3A_86 = tpu.memref_slice %arg5[%dma_wait3A_85] : memref<384xi32, #tpu.memory_space<vmem>> -> memref<32xi32, #tpu.memory_space<vmem>>
    %dma_wait3A_87 = arith.constant 0 : i32
    %dma_wait3A_88 = arith.constant 0 : i32
    %dma_wait3A_89 = tpu.memref_slice %arg2[%dma_wait3A_87, %dma_wait3A_88] : memref<2048x1024xf32, #tpu.memory_space<hbm>> -> memref<2048x1024xf32, #tpu.memory_space<hbm>>
    tpu.wait_indirect_dma semaphore(%arg9 : memref<!tpu.dma_semaphore, #tpu.memory_space<semaphore_mem>>) src(%dma_wait3A_89 : memref<2048x1024xf32, #tpu.memory_space<hbm>>) dst(%arg6 : memref<32x1024xf32, #tpu.memory_space<vmem>>)
    %dma_start3A_90 = arith.constant 0 : i32
    %dma_start3A_91 = tpu.memref_slice %arg4[%add3A_10, %dma_start3A_90] : memref<12288x1024xf32, #tpu.memory_space<hbm>> -> memref<32x1024xf32, #tpu.memory_space<hbm>>
    %dma_start3A_92 = arith.constant 0 : i32
    %dma_start3A_93 = tpu.memref_slice %arg4[%add3A_10, %dma_start3A_92] : memref<12288x1024xf32, #tpu.memory_space<hbm>> -> memref<32x1024xf32, #tpu.memory_space<hbm>>
    tpu.enqueue_dma source(%arg6 : memref<32x1024xf32, #tpu.memory_space<vmem>>) target(%dma_start3A_93 : memref<32x1024xf32, #tpu.memory_space<hbm>>) target_semaphore(%arg12 : memref<!tpu.dma_semaphore, #tpu.memory_space<semaphore_mem>>)
    %dma_wait3A_94 = arith.constant 0 : i32
    %dma_wait3A_95 = tpu.memref_slice %arg4[%add3A_8, %dma_wait3A_94] : memref<12288x1024xf32, #tpu.memory_space<hbm>> -> memref<32x1024xf32, #tpu.memory_space<hbm>>
    %dma_wait3A_96 = arith.constant 0 : i32
    %dma_wait3A_97 = tpu.memref_slice %arg4[%add3A_8, %dma_wait3A_96] : memref<12288x1024xf32, #tpu.memory_space<hbm>> -> memref<32x1024xf32, #tpu.memory_space<hbm>>
    tpu.wait_dma2 semaphore(%arg14 : memref<!tpu.dma_semaphore, #tpu.memory_space<semaphore_mem>>) src(%arg8 : memref<32x1024xf32, #tpu.memory_space<vmem>>) dst(%dma_wait3A_97 : memref<32x1024xf32, #tpu.memory_space<hbm>>)
    %dma_start3A_98 = arith.constant 160 : i32
    %dma_start3A_99 = tpu.memref_slice %arg5[%dma_start3A_98] : memref<384xi32, #tpu.memory_space<vmem>> -> memref<32xi32, #tpu.memory_space<vmem>>
    %dma_start3A_100 = arith.constant 0 : i32
    %dma_start3A_101 = arith.constant 0 : i32
    %dma_start3A_102 = tpu.memref_slice %arg2[%dma_start3A_100, %dma_start3A_101] : memref<2048x1024xf32, #tpu.memory_space<hbm>> -> memref<2048x1024xf32, #tpu.memory_space<hbm>>
    tpu.enqueue_indirect_dma source(%dma_start3A_102 : memref<2048x1024xf32, #tpu.memory_space<hbm>>) target(%arg8 : memref<32x1024xf32, #tpu.memory_space<vmem>>) offsets(%dma_start3A_99 : memref<32xi32, #tpu.memory_space<vmem>>) semaphore(%arg11 : memref<!tpu.dma_semaphore, #tpu.memory_space<semaphore_mem>>)
    %dma_wait3A_103 = arith.constant 128 : i32
    %dma_wait3A_104 = tpu.memref_slice %arg5[%dma_wait3A_103] : memref<384xi32, #tpu.memory_space<vmem>> -> memref<32xi32, #tpu.memory_space<vmem>>
    %dma_wait3A_105 = arith.constant 0 : i32
    %dma_wait3A_106 = arith.constant 0 : i32
    %dma_wait3A_107 = tpu.memref_slice %arg2[%dma_wait3A_105, %dma_wait3A_106] : memref<2048x1024xf32, #tpu.memory_space<hbm>> -> memref<2048x1024xf32, #tpu.memory_space<hbm>>
    tpu.wait_indirect_dma semaphore(%arg10 : memref<!tpu.dma_semaphore, #tpu.memory_space<semaphore_mem>>) src(%dma_wait3A_107 : memref<2048x1024xf32, #tpu.memory_space<hbm>>) dst(%arg7 : memref<32x1024xf32, #tpu.memory_space<vmem>>)
    %dma_start3A_108 = arith.constant 0 : i32
    %dma_start3A_109 = tpu.memref_slice %arg4[%add3A_12, %dma_start3A_108] : memref<12288x1024xf32, #tpu.memory_space<hbm>> -> memref<32x1024xf32, #tpu.memory_space<hbm>>
    %dma_start3A_110 = arith.constant 0 : i32
    %dma_start3A_111 = tpu.memref_slice %arg4[%add3A_12, %dma_start3A_110] : memref<12288x1024xf32, #tpu.memory_space<hbm>> -> memref<32x1024xf32, #tpu.memory_space<hbm>>
    tpu.enqueue_dma source(%arg7 : memref<32x1024xf32, #tpu.memory_space<vmem>>) target(%dma_start3A_111 : memref<32x1024xf32, #tpu.memory_space<hbm>>) target_semaphore(%arg13 : memref<!tpu.dma_semaphore, #tpu.memory_space<semaphore_mem>>)
    %dma_wait3A_112 = arith.constant 0 : i32
    %dma_wait3A_113 = tpu.memref_slice %arg4[%add3A_10, %dma_wait3A_112] : memref<12288x1024xf32, #tpu.memory_space<hbm>> -> memref<32x1024xf32, #tpu.memory_space<hbm>>
    %dma_wait3A_114 = arith.constant 0 : i32
    %dma_wait3A_115 = tpu.memref_slice %arg4[%add3A_10, %dma_wait3A_114] : memref<12288x1024xf32, #tpu.memory_space<hbm>> -> memref<32x1024xf32, #tpu.memory_space<hbm>>
    tpu.wait_dma2 semaphore(%arg12 : memref<!tpu.dma_semaphore, #tpu.memory_space<semaphore_mem>>) src(%arg6 : memref<32x1024xf32, #tpu.memory_space<vmem>>) dst(%dma_wait3A_115 : memref<32x1024xf32, #tpu.memory_space<hbm>>)
    %dma_start3A_116 = arith.constant 192 : i32
    %dma_start3A_117 = tpu.memref_slice %arg5[%dma_start3A_116] : memref<384xi32, #tpu.memory_space<vmem>> -> memref<32xi32, #tpu.memory_space<vmem>>
    %dma_start3A_118 = arith.constant 0 : i32
    %dma_start3A_119 = arith.constant 0 : i32
    %dma_start3A_120 = tpu.memref_slice %arg2[%dma_start3A_118, %dma_start3A_119] : memref<2048x1024xf32, #tpu.memory_space<hbm>> -> memref<2048x1024xf32, #tpu.memory_space<hbm>>
    tpu.enqueue_indirect_dma source(%dma_start3A_120 : memref<2048x1024xf32, #tpu.memory_space<hbm>>) target(%arg6 : memref<32x1024xf32, #tpu.memory_space<vmem>>) offsets(%dma_start3A_117 : memref<32xi32, #tpu.memory_space<vmem>>) semaphore(%arg9 : memref<!tpu.dma_semaphore, #tpu.memory_space<semaphore_mem>>)
    %dma_wait3A_121 = arith.constant 160 : i32
    %dma_wait3A_122 = tpu.memref_slice %arg5[%dma_wait3A_121] : memref<384xi32, #tpu.memory_space<vmem>> -> memref<32xi32, #tpu.memory_space<vmem>>
    %dma_wait3A_123 = arith.constant 0 : i32
    %dma_wait3A_124 = arith.constant 0 : i32
    %dma_wait3A_125 = tpu.memref_slice %arg2[%dma_wait3A_123, %dma_wait3A_124] : memref<2048x1024xf32, #tpu.memory_space<hbm>> -> memref<2048x1024xf32, #tpu.memory_space<hbm>>
    tpu.wait_indirect_dma semaphore(%arg11 : memref<!tpu.dma_semaphore, #tpu.memory_space<semaphore_mem>>) src(%dma_wait3A_125 : memref<2048x1024xf32, #tpu.memory_space<hbm>>) dst(%arg8 : memref<32x1024xf32, #tpu.memory_space<vmem>>)
    %dma_start3A_126 = arith.constant 0 : i32
    %dma_start3A_127 = tpu.memref_slice %arg4[%add3A_14, %dma_start3A_126] : memref<12288x1024xf32, #tpu.memory_space<hbm>> -> memref<32x1024xf32, #tpu.memory_space<hbm>>
    %dma_start3A_128 = arith.constant 0 : i32
    %dma_start3A_129 = tpu.memref_slice %arg4[%add3A_14, %dma_start3A_128] : memref<12288x1024xf32, #tpu.memory_space<hbm>> -> memref<32x1024xf32, #tpu.memory_space<hbm>>
    tpu.enqueue_dma source(%arg8 : memref<32x1024xf32, #tpu.memory_space<vmem>>) target(%dma_start3A_129 : memref<32x1024xf32, #tpu.memory_space<hbm>>) target_semaphore(%arg14 : memref<!tpu.dma_semaphore, #tpu.memory_space<semaphore_mem>>)
    %dma_wait3A_130 = arith.constant 0 : i32
    %dma_wait3A_131 = tpu.memref_slice %arg4[%add3A_12, %dma_wait3A_130] : memref<12288x1024xf32, #tpu.memory_space<hbm>> -> memref<32x1024xf32, #tpu.memory_space<hbm>>
    %dma_wait3A_132 = arith.constant 0 : i32
    %dma_wait3A_133 = tpu.memref_slice %arg4[%add3A_12, %dma_wait3A_132] : memref<12288x1024xf32, #tpu.memory_space<hbm>> -> memref<32x1024xf32, #tpu.memory_space<hbm>>
    tpu.wait_dma2 semaphore(%arg13 : memref<!tpu.dma_semaphore, #tpu.memory_space<semaphore_mem>>) src(%arg7 : memref<32x1024xf32, #tpu.memory_space<vmem>>) dst(%dma_wait3A_133 : memref<32x1024xf32, #tpu.memory_space<hbm>>)
    %dma_start3A_134 = arith.constant 224 : i32
    %dma_start3A_135 = tpu.memref_slice %arg5[%dma_start3A_134] : memref<384xi32, #tpu.memory_space<vmem>> -> memref<32xi32, #tpu.memory_space<vmem>>
    %dma_start3A_136 = arith.constant 0 : i32
    %dma_start3A_137 = arith.constant 0 : i32
    %dma_start3A_138 = tpu.memref_slice %arg2[%dma_start3A_136, %dma_start3A_137] : memref<2048x1024xf32, #tpu.memory_space<hbm>> -> memref<2048x1024xf32, #tpu.memory_space<hbm>>
    tpu.enqueue_indirect_dma source(%dma_start3A_138 : memref<2048x1024xf32, #tpu.memory_space<hbm>>) target(%arg7 : memref<32x1024xf32, #tpu.memory_space<vmem>>) offsets(%dma_start3A_135 : memref<32xi32, #tpu.memory_space<vmem>>) semaphore(%arg10 : memref<!tpu.dma_semaphore, #tpu.memory_space<semaphore_mem>>)
    %dma_wait3A_139 = arith.constant 192 : i32
    %dma_wait3A_140 = tpu.memref_slice %arg5[%dma_wait3A_139] : memref<384xi32, #tpu.memory_space<vmem>> -> memref<32xi32, #tpu.memory_space<vmem>>
    %dma_wait3A_141 = arith.constant 0 : i32
    %dma_wait3A_142 = arith.constant 0 : i32
    %dma_wait3A_143 = tpu.memref_slice %arg2[%dma_wait3A_141, %dma_wait3A_142] : memref<2048x1024xf32, #tpu.memory_space<hbm>> -> memref<2048x1024xf32, #tpu.memory_space<hbm>>
    tpu.wait_indirect_dma semaphore(%arg9 : memref<!tpu.dma_semaphore, #tpu.memory_space<semaphore_mem>>) src(%dma_wait3A_143 : memref<2048x1024xf32, #tpu.memory_space<hbm>>) dst(%arg6 : memref<32x1024xf32, #tpu.memory_space<vmem>>)
    %dma_start3A_144 = arith.constant 0 : i32
    %dma_start3A_145 = tpu.memref_slice %arg4[%add3A_16, %dma_start3A_144] : memref<12288x1024xf32, #tpu.memory_space<hbm>> -> memref<32x1024xf32, #tpu.memory_space<hbm>>
    %dma_start3A_146 = arith.constant 0 : i32
    %dma_start3A_147 = tpu.memref_slice %arg4[%add3A_16, %dma_start3A_146] : memref<12288x1024xf32, #tpu.memory_space<hbm>> -> memref<32x1024xf32, #tpu.memory_space<hbm>>
    tpu.enqueue_dma source(%arg6 : memref<32x1024xf32, #tpu.memory_space<vmem>>) target(%dma_start3A_147 : memref<32x1024xf32, #tpu.memory_space<hbm>>) target_semaphore(%arg12 : memref<!tpu.dma_semaphore, #tpu.memory_space<semaphore_mem>>)
    %dma_wait3A_148 = arith.constant 0 : i32
    %dma_wait3A_149 = tpu.memref_slice %arg4[%add3A_14, %dma_wait3A_148] : memref<12288x1024xf32, #tpu.memory_space<hbm>> -> memref<32x1024xf32, #tpu.memory_space<hbm>>
    %dma_wait3A_150 = arith.constant 0 : i32
    %dma_wait3A_151 = tpu.memref_slice %arg4[%add3A_14, %dma_wait3A_150] : memref<12288x1024xf32, #tpu.memory_space<hbm>> -> memref<32x1024xf32, #tpu.memory_space<hbm>>
    tpu.wait_dma2 semaphore(%arg14 : memref<!tpu.dma_semaphore, #tpu.memory_space<semaphore_mem>>) src(%arg8 : memref<32x1024xf32, #tpu.memory_space<vmem>>) dst(%dma_wait3A_151 : memref<32x1024xf32, #tpu.memory_space<hbm>>)
    %dma_start3A_152 = arith.constant 256 : i32
    %dma_start3A_153 = tpu.memref_slice %arg5[%dma_start3A_152] : memref<384xi32, #tpu.memory_space<vmem>> -> memref<32xi32, #tpu.memory_space<vmem>>
    %dma_start3A_154 = arith.constant 0 : i32
    %dma_start3A_155 = arith.constant 0 : i32
    %dma_start3A_156 = tpu.memref_slice %arg2[%dma_start3A_154, %dma_start3A_155] : memref<2048x1024xf32, #tpu.memory_space<hbm>> -> memref<2048x1024xf32, #tpu.memory_space<hbm>>
    tpu.enqueue_indirect_dma source(%dma_start3A_156 : memref<2048x1024xf32, #tpu.memory_space<hbm>>) target(%arg8 : memref<32x1024xf32, #tpu.memory_space<vmem>>) offsets(%dma_start3A_153 : memref<32xi32, #tpu.memory_space<vmem>>) semaphore(%arg11 : memref<!tpu.dma_semaphore, #tpu.memory_space<semaphore_mem>>)
    %dma_wait3A_157 = arith.constant 224 : i32
    %dma_wait3A_158 = tpu.memref_slice %arg5[%dma_wait3A_157] : memref<384xi32, #tpu.memory_space<vmem>> -> memref<32xi32, #tpu.memory_space<vmem>>
    %dma_wait3A_159 = arith.constant 0 : i32
    %dma_wait3A_160 = arith.constant 0 : i32
    %dma_wait3A_161 = tpu.memref_slice %arg2[%dma_wait3A_159, %dma_wait3A_160] : memref<2048x1024xf32, #tpu.memory_space<hbm>> -> memref<2048x1024xf32, #tpu.memory_space<hbm>>
    tpu.wait_indirect_dma semaphore(%arg10 : memref<!tpu.dma_semaphore, #tpu.memory_space<semaphore_mem>>) src(%dma_wait3A_161 : memref<2048x1024xf32, #tpu.memory_space<hbm>>) dst(%arg7 : memref<32x1024xf32, #tpu.memory_space<vmem>>)
    %dma_start3A_162 = arith.constant 0 : i32
    %dma_start3A_163 = tpu.memref_slice %arg4[%add3A_18, %dma_start3A_162] : memref<12288x1024xf32, #tpu.memory_space<hbm>> -> memref<32x1024xf32, #tpu.memory_space<hbm>>
    %dma_start3A_164 = arith.constant 0 : i32
    %dma_start3A_165 = tpu.memref_slice %arg4[%add3A_18, %dma_start3A_164] : memref<12288x1024xf32, #tpu.memory_space<hbm>> -> memref<32x1024xf32, #tpu.memory_space<hbm>>
    tpu.enqueue_dma source(%arg7 : memref<32x1024xf32, #tpu.memory_space<vmem>>) target(%dma_start3A_165 : memref<32x1024xf32, #tpu.memory_space<hbm>>) target_semaphore(%arg13 : memref<!tpu.dma_semaphore, #tpu.memory_space<semaphore_mem>>)
    %dma_wait3A_166 = arith.constant 0 : i32
    %dma_wait3A_167 = tpu.memref_slice %arg4[%add3A_16, %dma_wait3A_166] : memref<12288x1024xf32, #tpu.memory_space<hbm>> -> memref<32x1024xf32, #tpu.memory_space<hbm>>
    %dma_wait3A_168 = arith.constant 0 : i32
    %dma_wait3A_169 = tpu.memref_slice %arg4[%add3A_16, %dma_wait3A_168] : memref<12288x1024xf32, #tpu.memory_space<hbm>> -> memref<32x1024xf32, #tpu.memory_space<hbm>>
    tpu.wait_dma2 semaphore(%arg12 : memref<!tpu.dma_semaphore, #tpu.memory_space<semaphore_mem>>) src(%arg6 : memref<32x1024xf32, #tpu.memory_space<vmem>>) dst(%dma_wait3A_169 : memref<32x1024xf32, #tpu.memory_space<hbm>>)
    %dma_start3A_170 = arith.constant 288 : i32
    %dma_start3A_171 = tpu.memref_slice %arg5[%dma_start3A_170] : memref<384xi32, #tpu.memory_space<vmem>> -> memref<32xi32, #tpu.memory_space<vmem>>
    %dma_start3A_172 = arith.constant 0 : i32
    %dma_start3A_173 = arith.constant 0 : i32
    %dma_start3A_174 = tpu.memref_slice %arg2[%dma_start3A_172, %dma_start3A_173] : memref<2048x1024xf32, #tpu.memory_space<hbm>> -> memref<2048x1024xf32, #tpu.memory_space<hbm>>
    tpu.enqueue_indirect_dma source(%dma_start3A_174 : memref<2048x1024xf32, #tpu.memory_space<hbm>>) target(%arg6 : memref<32x1024xf32, #tpu.memory_space<vmem>>) offsets(%dma_start3A_171 : memref<32xi32, #tpu.memory_space<vmem>>) semaphore(%arg9 : memref<!tpu.dma_semaphore, #tpu.memory_space<semaphore_mem>>)
    %dma_wait3A_175 = arith.constant 256 : i32
    %dma_wait3A_176 = tpu.memref_slice %arg5[%dma_wait3A_175] : memref<384xi32, #tpu.memory_space<vmem>> -> memref<32xi32, #tpu.memory_space<vmem>>
    %dma_wait3A_177 = arith.constant 0 : i32
    %dma_wait3A_178 = arith.constant 0 : i32
    %dma_wait3A_179 = tpu.memref_slice %arg2[%dma_wait3A_177, %dma_wait3A_178] : memref<2048x1024xf32, #tpu.memory_space<hbm>> -> memref<2048x1024xf32, #tpu.memory_space<hbm>>
    tpu.wait_indirect_dma semaphore(%arg11 : memref<!tpu.dma_semaphore, #tpu.memory_space<semaphore_mem>>) src(%dma_wait3A_179 : memref<2048x1024xf32, #tpu.memory_space<hbm>>) dst(%arg8 : memref<32x1024xf32, #tpu.memory_space<vmem>>)
    %dma_start3A_180 = arith.constant 0 : i32
    %dma_start3A_181 = tpu.memref_slice %arg4[%add3A_20, %dma_start3A_180] : memref<12288x1024xf32, #tpu.memory_space<hbm>> -> memref<32x1024xf32, #tpu.memory_space<hbm>>
    %dma_start3A_182 = arith.constant 0 : i32
    %dma_start3A_183 = tpu.memref_slice %arg4[%add3A_20, %dma_start3A_182] : memref<12288x1024xf32, #tpu.memory_space<hbm>> -> memref<32x1024xf32, #tpu.memory_space<hbm>>
    tpu.enqueue_dma source(%arg8 : memref<32x1024xf32, #tpu.memory_space<vmem>>) target(%dma_start3A_183 : memref<32x1024xf32, #tpu.memory_space<hbm>>) target_semaphore(%arg14 : memref<!tpu.dma_semaphore, #tpu.memory_space<semaphore_mem>>)
    %dma_wait3A_184 = arith.constant 0 : i32
    %dma_wait3A_185 = tpu.memref_slice %arg4[%add3A_18, %dma_wait3A_184] : memref<12288x1024xf32, #tpu.memory_space<hbm>> -> memref<32x1024xf32, #tpu.memory_space<hbm>>
    %dma_wait3A_186 = arith.constant 0 : i32
    %dma_wait3A_187 = tpu.memref_slice %arg4[%add3A_18, %dma_wait3A_186] : memref<12288x1024xf32, #tpu.memory_space<hbm>> -> memref<32x1024xf32, #tpu.memory_space<hbm>>
    tpu.wait_dma2 semaphore(%arg13 : memref<!tpu.dma_semaphore, #tpu.memory_space<semaphore_mem>>) src(%arg7 : memref<32x1024xf32, #tpu.memory_space<vmem>>) dst(%dma_wait3A_187 : memref<32x1024xf32, #tpu.memory_space<hbm>>)
    %dma_start3A_188 = arith.constant 320 : i32
    %dma_start3A_189 = tpu.memref_slice %arg5[%dma_start3A_188] : memref<384xi32, #tpu.memory_space<vmem>> -> memref<32xi32, #tpu.memory_space<vmem>>
    %dma_start3A_190 = arith.constant 0 : i32
    %dma_start3A_191 = arith.constant 0 : i32
    %dma_start3A_192 = tpu.memref_slice %arg2[%dma_start3A_190, %dma_start3A_191] : memref<2048x1024xf32, #tpu.memory_space<hbm>> -> memref<2048x1024xf32, #tpu.memory_space<hbm>>
    tpu.enqueue_indirect_dma source(%dma_start3A_192 : memref<2048x1024xf32, #tpu.memory_space<hbm>>) target(%arg7 : memref<32x1024xf32, #tpu.memory_space<vmem>>) offsets(%dma_start3A_189 : memref<32xi32, #tpu.memory_space<vmem>>) semaphore(%arg10 : memref<!tpu.dma_semaphore, #tpu.memory_space<semaphore_mem>>)
    %dma_wait3A_193 = arith.constant 288 : i32
    %dma_wait3A_194 = tpu.memref_slice %arg5[%dma_wait3A_193] : memref<384xi32, #tpu.memory_space<vmem>> -> memref<32xi32, #tpu.memory_space<vmem>>
    %dma_wait3A_195 = arith.constant 0 : i32
    %dma_wait3A_196 = arith.constant 0 : i32
    %dma_wait3A_197 = tpu.memref_slice %arg2[%dma_wait3A_195, %dma_wait3A_196] : memref<2048x1024xf32, #tpu.memory_space<hbm>> -> memref<2048x1024xf32, #tpu.memory_space<hbm>>
    tpu.wait_indirect_dma semaphore(%arg9 : memref<!tpu.dma_semaphore, #tpu.memory_space<semaphore_mem>>) src(%dma_wait3A_197 : memref<2048x1024xf32, #tpu.memory_space<hbm>>) dst(%arg6 : memref<32x1024xf32, #tpu.memory_space<vmem>>)
    %dma_start3A_198 = arith.constant 0 : i32
    %dma_start3A_199 = tpu.memref_slice %arg4[%add3A_22, %dma_start3A_198] : memref<12288x1024xf32, #tpu.memory_space<hbm>> -> memref<32x1024xf32, #tpu.memory_space<hbm>>
    %dma_start3A_200 = arith.constant 0 : i32
    %dma_start3A_201 = tpu.memref_slice %arg4[%add3A_22, %dma_start3A_200] : memref<12288x1024xf32, #tpu.memory_space<hbm>> -> memref<32x1024xf32, #tpu.memory_space<hbm>>
    tpu.enqueue_dma source(%arg6 : memref<32x1024xf32, #tpu.memory_space<vmem>>) target(%dma_start3A_201 : memref<32x1024xf32, #tpu.memory_space<hbm>>) target_semaphore(%arg12 : memref<!tpu.dma_semaphore, #tpu.memory_space<semaphore_mem>>)
    %dma_wait3A_202 = arith.constant 0 : i32
    %dma_wait3A_203 = tpu.memref_slice %arg4[%add3A_20, %dma_wait3A_202] : memref<12288x1024xf32, #tpu.memory_space<hbm>> -> memref<32x1024xf32, #tpu.memory_space<hbm>>
    %dma_wait3A_204 = arith.constant 0 : i32
    %dma_wait3A_205 = tpu.memref_slice %arg4[%add3A_20, %dma_wait3A_204] : memref<12288x1024xf32, #tpu.memory_space<hbm>> -> memref<32x1024xf32, #tpu.memory_space<hbm>>
    tpu.wait_dma2 semaphore(%arg14 : memref<!tpu.dma_semaphore, #tpu.memory_space<semaphore_mem>>) src(%arg8 : memref<32x1024xf32, #tpu.memory_space<vmem>>) dst(%dma_wait3A_205 : memref<32x1024xf32, #tpu.memory_space<hbm>>)
    %dma_start3A_206 = arith.constant 352 : i32
    %dma_start3A_207 = tpu.memref_slice %arg5[%dma_start3A_206] : memref<384xi32, #tpu.memory_space<vmem>> -> memref<32xi32, #tpu.memory_space<vmem>>
    %dma_start3A_208 = arith.constant 0 : i32
    %dma_start3A_209 = arith.constant 0 : i32
    %dma_start3A_210 = tpu.memref_slice %arg2[%dma_start3A_208, %dma_start3A_209] : memref<2048x1024xf32, #tpu.memory_space<hbm>> -> memref<2048x1024xf32, #tpu.memory_space<hbm>>
    tpu.enqueue_indirect_dma source(%dma_start3A_210 : memref<2048x1024xf32, #tpu.memory_space<hbm>>) target(%arg8 : memref<32x1024xf32, #tpu.memory_space<vmem>>) offsets(%dma_start3A_207 : memref<32xi32, #tpu.memory_space<vmem>>) semaphore(%arg11 : memref<!tpu.dma_semaphore, #tpu.memory_space<semaphore_mem>>)
    %dma_wait3A_211 = arith.constant 320 : i32
    %dma_wait3A_212 = tpu.memref_slice %arg5[%dma_wait3A_211] : memref<384xi32, #tpu.memory_space<vmem>> -> memref<32xi32, #tpu.memory_space<vmem>>
    %dma_wait3A_213 = arith.constant 0 : i32
    %dma_wait3A_214 = arith.constant 0 : i32
    %dma_wait3A_215 = tpu.memref_slice %arg2[%dma_wait3A_213, %dma_wait3A_214] : memref<2048x1024xf32, #tpu.memory_space<hbm>> -> memref<2048x1024xf32, #tpu.memory_space<hbm>>
    tpu.wait_indirect_dma semaphore(%arg10 : memref<!tpu.dma_semaphore, #tpu.memory_space<semaphore_mem>>) src(%dma_wait3A_215 : memref<2048x1024xf32, #tpu.memory_space<hbm>>) dst(%arg7 : memref<32x1024xf32, #tpu.memory_space<vmem>>)
    %dma_start3A_216 = arith.constant 0 : i32
    %dma_start3A_217 = tpu.memref_slice %arg4[%add3A_24, %dma_start3A_216] : memref<12288x1024xf32, #tpu.memory_space<hbm>> -> memref<32x1024xf32, #tpu.memory_space<hbm>>
    %dma_start3A_218 = arith.constant 0 : i32
    %dma_start3A_219 = tpu.memref_slice %arg4[%add3A_24, %dma_start3A_218] : memref<12288x1024xf32, #tpu.memory_space<hbm>> -> memref<32x1024xf32, #tpu.memory_space<hbm>>
    tpu.enqueue_dma source(%arg7 : memref<32x1024xf32, #tpu.memory_space<vmem>>) target(%dma_start3A_219 : memref<32x1024xf32, #tpu.memory_space<hbm>>) target_semaphore(%arg13 : memref<!tpu.dma_semaphore, #tpu.memory_space<semaphore_mem>>)
    %dma_wait3A_220 = arith.constant 352 : i32
    %dma_wait3A_221 = tpu.memref_slice %arg5[%dma_wait3A_220] : memref<384xi32, #tpu.memory_space<vmem>> -> memref<32xi32, #tpu.memory_space<vmem>>
    %dma_wait3A_222 = arith.constant 0 : i32
    %dma_wait3A_223 = arith.constant 0 : i32
    %dma_wait3A_224 = tpu.memref_slice %arg2[%dma_wait3A_222, %dma_wait3A_223] : memref<2048x1024xf32, #tpu.memory_space<hbm>> -> memref<2048x1024xf32, #tpu.memory_space<hbm>>
    tpu.wait_indirect_dma semaphore(%arg11 : memref<!tpu.dma_semaphore, #tpu.memory_space<semaphore_mem>>) src(%dma_wait3A_224 : memref<2048x1024xf32, #tpu.memory_space<hbm>>) dst(%arg8 : memref<32x1024xf32, #tpu.memory_space<vmem>>)
    %dma_start3A_225 = arith.constant 0 : i32
    %dma_start3A_226 = tpu.memref_slice %arg4[%add3A_26, %dma_start3A_225] : memref<12288x1024xf32, #tpu.memory_space<hbm>> -> memref<32x1024xf32, #tpu.memory_space<hbm>>
    %dma_start3A_227 = arith.constant 0 : i32
    %dma_start3A_228 = tpu.memref_slice %arg4[%add3A_26, %dma_start3A_227] : memref<12288x1024xf32, #tpu.memory_space<hbm>> -> memref<32x1024xf32, #tpu.memory_space<hbm>>
    tpu.enqueue_dma source(%arg8 : memref<32x1024xf32, #tpu.memory_space<vmem>>) target(%dma_start3A_228 : memref<32x1024xf32, #tpu.memory_space<hbm>>) target_semaphore(%arg14 : memref<!tpu.dma_semaphore, #tpu.memory_space<semaphore_mem>>)
    %dma_wait3A_229 = arith.constant 0 : i32
    %dma_wait3A_230 = tpu.memref_slice %arg4[%add3A_22, %dma_wait3A_229] : memref<12288x1024xf32, #tpu.memory_space<hbm>> -> memref<32x1024xf32, #tpu.memory_space<hbm>>
    %dma_wait3A_231 = arith.constant 0 : i32
    %dma_wait3A_232 = tpu.memref_slice %arg4[%add3A_22, %dma_wait3A_231] : memref<12288x1024xf32, #tpu.memory_space<hbm>> -> memref<32x1024xf32, #tpu.memory_space<hbm>>
    tpu.wait_dma2 semaphore(%arg12 : memref<!tpu.dma_semaphore, #tpu.memory_space<semaphore_mem>>) src(%arg6 : memref<32x1024xf32, #tpu.memory_space<vmem>>) dst(%dma_wait3A_232 : memref<32x1024xf32, #tpu.memory_space<hbm>>)
    %dma_wait3A_233 = arith.constant 0 : i32
    %dma_wait3A_234 = tpu.memref_slice %arg4[%add3A_24, %dma_wait3A_233] : memref<12288x1024xf32, #tpu.memory_space<hbm>> -> memref<32x1024xf32, #tpu.memory_space<hbm>>
    %dma_wait3A_235 = arith.constant 0 : i32
    %dma_wait3A_236 = tpu.memref_slice %arg4[%add3A_24, %dma_wait3A_235] : memref<12288x1024xf32, #tpu.memory_space<hbm>> -> memref<32x1024xf32, #tpu.memory_space<hbm>>
    tpu.wait_dma2 semaphore(%arg13 : memref<!tpu.dma_semaphore, #tpu.memory_space<semaphore_mem>>) src(%arg7 : memref<32x1024xf32, #tpu.memory_space<vmem>>) dst(%dma_wait3A_236 : memref<32x1024xf32, #tpu.memory_space<hbm>>)
    %dma_wait3A_237 = arith.constant 0 : i32
    %dma_wait3A_238 = tpu.memref_slice %arg4[%add3A_26, %dma_wait3A_237] : memref<12288x1024xf32, #tpu.memory_space<hbm>> -> memref<32x1024xf32, #tpu.memory_space<hbm>>
    %dma_wait3A_239 = arith.constant 0 : i32
    %dma_wait3A_240 = tpu.memref_slice %arg4[%add3A_26, %dma_wait3A_239] : memref<12288x1024xf32, #tpu.memory_space<hbm>> -> memref<32x1024xf32, #tpu.memory_space<hbm>>
    tpu.wait_dma2 semaphore(%arg14 : memref<!tpu.dma_semaphore, #tpu.memory_space<semaphore_mem>>) src(%arg8 : memref<32x1024xf32, #tpu.memory_space<vmem>>) dst(%dma_wait3A_240 : memref<32x1024xf32, #tpu.memory_space<hbm>>)
    return
  }
}

module attributes {stable_mosaic.version = 14 : i64} {
  func.func @_gate_body(%arg0: memref<2048x1024xf32, #tpu.memory_space<vmem>>, %arg1: memref<64x1024xf32, #tpu.memory_space<vmem>>, %arg2: memref<2x2048xi32, #tpu.memory_space<vmem>>, %arg3: memref<2x2048xf32, #tpu.memory_space<vmem>>) attributes {dimension_semantics = [], scalar_prefetch = 0 : i64, scratch_operands = 0 : i64, tpu.core_type = #tpu.core_type<tc>} {
    %get3A = arith.constant 0 : index
    %get3A_0 = arith.constant 0 : index
    %get3A_1 = vector.load %arg0[%get3A, %get3A_0] : memref<2048x1024xf32, #tpu.memory_space<vmem>>, vector<2048x1024xf32>
    %get3A_2 = arith.constant 0 : index
    %get3A_3 = arith.constant 0 : index
    %get3A_4 = vector.load %arg1[%get3A_2, %get3A_3] : memref<64x1024xf32, #tpu.memory_space<vmem>>, vector<64x1024xf32>
    %transpose3A = tpu.transpose %get3A_4, [1, 0] : vector<64x1024xf32> -> vector<1024x64xf32>
    %dot_general3A = arith.constant dense<0.000000e+00> : vector<2048x64xf32>
    %dot_general3A_5 = tpu.matmul %get3A_1, %transpose3A, %dot_general3A {dimension_numbers = #tpu.dot_dimension_numbers<[1], [0], [0], [1], [0, 0, 1, 1], [], []>, transpose_lhs_hint = false} : vector<2048x1024xf32>, vector<1024x64xf32>, vector<2048x64xf32> -> vector<2048x64xf32>
    %reduce_max3A = arith.constant dense<0xFF800000> : vector<2048xf32>
    %reduce_max3A_6 = vector.multi_reduction <maximumf>, %dot_general3A_5, %reduce_max3A [1] : vector<2048x64xf32> to vector<2048xf32>
    %broadcast_in_dim3A = vector.shape_cast %reduce_max3A_6 : vector<2048xf32> to vector<2048x1xf32>
    %sub3A = vector.broadcast %broadcast_in_dim3A : vector<2048x1xf32> to vector<2048x64xf32>
    %sub3A_7 = arith.subf %dot_general3A_5, %sub3A : vector<2048x64xf32>
    %exp3A = math.exp %sub3A_7 : vector<2048x64xf32>
    %reduce_sum3A = arith.constant dense<0.000000e+00> : vector<2048xf32>
    %reduce_sum3A_8 = vector.multi_reduction <add>, %exp3A, %reduce_sum3A [1] : vector<2048x64xf32> to vector<2048xf32>
    %broadcast_in_dim3A_9 = vector.shape_cast %reduce_sum3A_8 : vector<2048xf32> to vector<2048x1xf32>
    %div3A = vector.broadcast %broadcast_in_dim3A_9 : vector<2048x1xf32> to vector<2048x64xf32>
    %div3A_10 = arith.divf %exp3A, %div3A : vector<2048x64xf32>
    %argmax3A = tpu.reduce_index %div3A_10 {axis = 1 : i32, kind = #tpu.reduction_kind<arg_max>} : vector<2048x64xf32> -> vector<2048xi32>
    %reduce_max3A_11 = arith.constant dense<0xFF800000> : vector<2048xf32>
    %reduce_max3A_12 = vector.multi_reduction <maximumf>, %div3A_10, %reduce_max3A_11 [1] : vector<2048x64xf32> to vector<2048xf32>
    %iota3A = tpu.iota {dimensions = array<i32: 1>} : vector<2048x64xi32>
    %broadcast_in_dim3A_13 = vector.shape_cast %argmax3A : vector<2048xi32> to vector<2048x1xi32>
    %eq3A = vector.broadcast %broadcast_in_dim3A_13 : vector<2048x1xi32> to vector<2048x64xi32>
    %eq3A_14 = arith.cmpi eq, %iota3A, %eq3A : vector<2048x64xi32>
    %jit3A = arith.constant -1.000000e+00 : f32
    %broadcast_in_dim3A_15 = vector.broadcast %jit3A : f32 to vector<2048x64xf32>
    %select_n3A = arith.select %eq3A_14, %broadcast_in_dim3A_15, %div3A_10 : vector<2048x64xi1>, vector<2048x64xf32>
    %argmax3A_16 = tpu.reduce_index %select_n3A {axis = 1 : i32, kind = #tpu.reduction_kind<arg_max>} : vector<2048x64xf32> -> vector<2048xi32>
    %reduce_max3A_17 = arith.constant dense<0xFF800000> : vector<2048xf32>
    %reduce_max3A_18 = vector.multi_reduction <maximumf>, %select_n3A, %reduce_max3A_17 [1] : vector<2048x64xf32> to vector<2048xf32>
    %stack3A = vector.shape_cast %argmax3A : vector<2048xi32> to vector<1x2048xi32>
    %stack3A_19 = vector.shape_cast %argmax3A_16 : vector<2048xi32> to vector<1x2048xi32>
    %stack3A_20 = tpu.concatenate %stack3A, %stack3A_19 in 0 : vector<1x2048xi32>, vector<1x2048xi32> -> vector<2x2048xi32>
    %swap3A = arith.constant 0 : index
    %swap3A_21 = arith.constant 0 : index
    %swap3A_22 = vector.load %arg2[%swap3A, %swap3A_21] : memref<2x2048xi32, #tpu.memory_space<vmem>>, vector<2x2048xi32>
    tpu.vector_store %arg2[%swap3A, %swap3A_21], %stack3A_20 {strides = array<i32>} : memref<2x2048xi32, #tpu.memory_space<vmem>>, vector<2x2048xi32>,
    %stack3A_23 = vector.shape_cast %reduce_max3A_12 : vector<2048xf32> to vector<1x2048xf32>
    %stack3A_24 = vector.shape_cast %reduce_max3A_18 : vector<2048xf32> to vector<1x2048xf32>
    %stack3A_25 = tpu.concatenate %stack3A_23, %stack3A_24 in 0 : vector<1x2048xf32>, vector<1x2048xf32> -> vector<2x2048xf32>
    %swap3A_26 = arith.constant 0 : index
    %swap3A_27 = arith.constant 0 : index
    %swap3A_28 = vector.load %arg3[%swap3A_26, %swap3A_27] : memref<2x2048xf32, #tpu.memory_space<vmem>>, vector<2x2048xf32>
    tpu.vector_store %arg3[%swap3A_26, %swap3A_27], %stack3A_25 {strides = array<i32>} : memref<2x2048xf32, #tpu.memory_space<vmem>>, vector<2x2048xf32>,
    return
  }
}

module attributes {stable_mosaic.version = 14 : i64} {
  func.func @_expert_body(%arg0: i32, %arg1: memref<97xi32, #tpu.memory_space<smem>>, %arg2: memref<128x1024xf32, #tpu.memory_space<vmem>>, %arg3: memref<1x512x1024xf32, #tpu.memory_space<vmem>>, %arg4: memref<1x512x1024xf32, #tpu.memory_space<vmem>>, %arg5: memref<1x1024x512xf32, #tpu.memory_space<vmem>>, %arg6: memref<1x1x128xf32, #tpu.memory_space<vmem>>, %arg7: memref<128x1024xf32, #tpu.memory_space<vmem>>) attributes {dimension_semantics = [#tpu.dimension_semantics<arbitrary>], iteration_bounds = array<i64: 96>, scalar_prefetch = 1 : i64, scratch_operands = 0 : i64, tpu.core_type = #tpu.core_type<tc>, window_params = [{transform_indices = @transform_0, window_bounds = array<i64: 128, 1024>}, {transform_indices = @transform_1, window_bounds = array<i64: 1, 512, 1024>}, {transform_indices = @transform_2, window_bounds = array<i64: 1, 512, 1024>}, {transform_indices = @transform_3, window_bounds = array<i64: 1, 1024, 512>}, {transform_indices = @transform_4, window_bounds = array<i64: 1, 1, 128>}, {transform_indices = @transform_5, window_bounds = array<i64: 128, 1024>}]} {
    %get3A = arith.constant 96 : index
    %get3A_0 = memref.load %arg1[%get3A] : memref<97xi32, #tpu.memory_space<smem>>
    %lt3A = arith.cmpi slt, %arg0, %get3A_0 : i32
    %convert_element_type3A = arith.extui %lt3A : i1 to i32
    %cond3A = arith.constant 0 : i32
    %cond3A_1 = arith.cmpi ne, %convert_element_type3A, %cond3A : i32
    scf.if %cond3A_1 {
      %get3A_2 = arith.constant 0 : index
      %get3A_3 = arith.constant 0 : index
      %get3A_4 = vector.load %arg2[%get3A_2, %get3A_3] : memref<128x1024xf32, #tpu.memory_space<vmem>>, vector<128x1024xf32>
      %convert_element_type3A_5 = arith.truncf %get3A_4 : vector<128x1024xf32> to vector<128x1024xbf16>
      %get3A_6 = arith.constant 0 : index
      %get3A_7 = arith.constant 0 : index
      %get3A_8 = arith.constant 0 : index
      %get3A_9 = vector.load %arg3[%get3A_6, %get3A_7, %get3A_8] : memref<1x512x1024xf32, #tpu.memory_space<vmem>>, vector<1x512x1024xf32>
      %get3A_10 = vector.shape_cast %get3A_9 : vector<1x512x1024xf32> to vector<512x1024xf32>
      %convert_element_type3A_11 = arith.truncf %get3A_10 : vector<512x1024xf32> to vector<512x1024xbf16>
      %transpose3A = tpu.transpose %convert_element_type3A_11, [1, 0] : vector<512x1024xbf16> -> vector<1024x512xbf16>
      %dot_general3A = arith.constant dense<0.000000e+00> : vector<128x512xf32>
      %dot_general3A_12 = tpu.matmul %convert_element_type3A_5, %transpose3A, %dot_general3A {dimension_numbers = #tpu.dot_dimension_numbers<[1], [0], [0], [1], [0, 0, 1, 1], [], []>, transpose_lhs_hint = false} : vector<128x1024xbf16>, vector<1024x512xbf16>, vector<128x512xf32> -> vector<128x512xf32>
      %get3A_13 = arith.constant 0 : index
      %get3A_14 = arith.constant 0 : index
      %get3A_15 = arith.constant 0 : index
      %get3A_16 = vector.load %arg4[%get3A_13, %get3A_14, %get3A_15] : memref<1x512x1024xf32, #tpu.memory_space<vmem>>, vector<1x512x1024xf32>
      %get3A_17 = vector.shape_cast %get3A_16 : vector<1x512x1024xf32> to vector<512x1024xf32>
      %convert_element_type3A_18 = arith.truncf %get3A_17 : vector<512x1024xf32> to vector<512x1024xbf16>
      %transpose3A_19 = tpu.transpose %convert_element_type3A_18, [1, 0] : vector<512x1024xbf16> -> vector<1024x512xbf16>
      %dot_general3A_20 = arith.constant dense<0.000000e+00> : vector<128x512xf32>
      %dot_general3A_21 = tpu.matmul %convert_element_type3A_5, %transpose3A_19, %dot_general3A_20 {dimension_numbers = #tpu.dot_dimension_numbers<[1], [0], [0], [1], [0, 0, 1, 1], [], []>, transpose_lhs_hint = false} : vector<128x1024xbf16>, vector<1024x512xbf16>, vector<128x512xf32> -> vector<128x512xf32>
      %logistic3A = arith.negf %dot_general3A_12 : vector<128x512xf32>
      %logistic3A_22 = math.exp %logistic3A : vector<128x512xf32>
      %logistic3A_23 = arith.constant 1.000000e+00 : f32
      %logistic3A_24 = vector.broadcast %logistic3A_23 : f32 to vector<128x512xf32>
      %logistic3A_25 = arith.addf %logistic3A_24, %logistic3A_22 : vector<128x512xf32>
      %logistic3A_26 = arith.divf %logistic3A_24, %logistic3A_25 : vector<128x512xf32>
      %mul3A = arith.mulf %dot_general3A_12, %logistic3A_26 : vector<128x512xf32>
      %mul3A_27 = arith.mulf %mul3A, %dot_general3A_21 : vector<128x512xf32>
      %convert_element_type3A_28 = arith.truncf %mul3A_27 : vector<128x512xf32> to vector<128x512xbf16>
      %get3A_29 = arith.constant 0 : index
      %get3A_30 = arith.constant 0 : index
      %get3A_31 = arith.constant 0 : index
      %get3A_32 = vector.load %arg5[%get3A_29, %get3A_30, %get3A_31] : memref<1x1024x512xf32, #tpu.memory_space<vmem>>, vector<1x1024x512xf32>
      %get3A_33 = vector.shape_cast %get3A_32 : vector<1x1024x512xf32> to vector<1024x512xf32>
      %convert_element_type3A_34 = arith.truncf %get3A_33 : vector<1024x512xf32> to vector<1024x512xbf16>
      %transpose3A_35 = tpu.transpose %convert_element_type3A_34, [1, 0] : vector<1024x512xbf16> -> vector<512x1024xbf16>
      %dot_general3A_36 = arith.constant dense<0.000000e+00> : vector<128x1024xf32>
      %dot_general3A_37 = tpu.matmul %convert_element_type3A_28, %transpose3A_35, %dot_general3A_36 {dimension_numbers = #tpu.dot_dimension_numbers<[1], [0], [0], [1], [0, 0, 1, 1], [], []>, transpose_lhs_hint = false} : vector<128x512xbf16>, vector<512x1024xbf16>, vector<128x1024xf32> -> vector<128x1024xf32>
      %get3A_38 = arith.constant 0 : index
      %get3A_39 = arith.constant 0 : index
      %get3A_40 = arith.constant 0 : index
      %get3A_41 = vector.load %arg6[%get3A_38, %get3A_39, %get3A_40] : memref<1x1x128xf32, #tpu.memory_space<vmem>>, vector<1x1x128xf32>
      %get3A_42 = vector.shape_cast %get3A_41 : vector<1x1x128xf32> to vector<128xf32>
      %broadcast_in_dim3A = vector.shape_cast %get3A_42 : vector<128xf32> to vector<128x1xf32>
      %mul3A_43 = vector.broadcast %broadcast_in_dim3A : vector<128x1xf32> to vector<128x1024xf32>
      %mul3A_44 = arith.mulf %dot_general3A_37, %mul3A_43 : vector<128x1024xf32>
      %swap3A = arith.constant 0 : index
      %swap3A_45 = arith.constant 0 : index
      %swap3A_46 = vector.load %arg7[%swap3A, %swap3A_45] : memref<128x1024xf32, #tpu.memory_space<vmem>>, vector<128x1024xf32>
      tpu.vector_store %arg7[%swap3A, %swap3A_45], %mul3A_44 {strides = array<i32>} : memref<128x1024xf32, #tpu.memory_space<vmem>>, vector<128x1024xf32>,
    } else {
    }
    return
  }
  func.func @transform_0(%arg0: i32, %arg1: memref<97xi32, #tpu.memory_space<smem>>) -> (i32, i32) {
    %c0_i32 = arith.constant 0 : i32
    %c0_i32_0 = arith.constant 0 : i32
    return %arg0, %c0_i32 : i32, i32
  }
  func.func @transform_1(%arg0: i32, %arg1: memref<97xi32, #tpu.memory_space<smem>>) -> (i32, i32, i32) {
    %get3A = arith.index_cast %arg0 : i32 to index
    %get3A_0 = memref.load %arg1[%get3A] : memref<97xi32, #tpu.memory_space<smem>>
    %c0_i32 = arith.constant 0 : i32
    %c0_i32_1 = arith.constant 0 : i32
    %c0_i32_2 = arith.constant 0 : i32
    return %get3A_0, %c0_i32, %c0_i32_1 : i32, i32, i32
  }
  func.func @transform_2(%arg0: i32, %arg1: memref<97xi32, #tpu.memory_space<smem>>) -> (i32, i32, i32) {
    %get3A = arith.index_cast %arg0 : i32 to index
    %get3A_0 = memref.load %arg1[%get3A] : memref<97xi32, #tpu.memory_space<smem>>
    %c0_i32 = arith.constant 0 : i32
    %c0_i32_1 = arith.constant 0 : i32
    %c0_i32_2 = arith.constant 0 : i32
    return %get3A_0, %c0_i32, %c0_i32_1 : i32, i32, i32
  }
  func.func @transform_3(%arg0: i32, %arg1: memref<97xi32, #tpu.memory_space<smem>>) -> (i32, i32, i32) {
    %get3A = arith.index_cast %arg0 : i32 to index
    %get3A_0 = memref.load %arg1[%get3A] : memref<97xi32, #tpu.memory_space<smem>>
    %c0_i32 = arith.constant 0 : i32
    %c0_i32_1 = arith.constant 0 : i32
    %c0_i32_2 = arith.constant 0 : i32
    return %get3A_0, %c0_i32, %c0_i32_1 : i32, i32, i32
  }
  func.func @transform_4(%arg0: i32, %arg1: memref<97xi32, #tpu.memory_space<smem>>) -> (i32, i32, i32) {
    %c0_i32 = arith.constant 0 : i32
    %c0_i32_0 = arith.constant 0 : i32
    %c0_i32_1 = arith.constant 0 : i32
    return %arg0, %c0_i32, %c0_i32_0 : i32, i32, i32
  }
  func.func @transform_5(%arg0: i32, %arg1: memref<97xi32, #tpu.memory_space<smem>>) -> (i32, i32) {
    %c0_i32 = arith.constant 0 : i32
    %c0_i32_0 = arith.constant 0 : i32
    return %arg0, %c0_i32 : i32, i32
  }
}

module attributes {stable_mosaic.version = 14 : i64} {
  func.func @_shared_body(%arg0: i32, %arg1: memref<256x1024xf32, #tpu.memory_space<vmem>>, %arg2: memref<1024x1024xf32, #tpu.memory_space<vmem>>, %arg3: memref<1024x1024xf32, #tpu.memory_space<vmem>>, %arg4: memref<1024x1024xf32, #tpu.memory_space<vmem>>, %arg5: memref<256x1024xf32, #tpu.memory_space<vmem>>) attributes {dimension_semantics = [#tpu.dimension_semantics<arbitrary>], iteration_bounds = array<i64: 8>, scalar_prefetch = 0 : i64, scratch_operands = 0 : i64, tpu.core_type = #tpu.core_type<tc>, window_params = [{transform_indices = @transform_0, window_bounds = array<i64: 256, 1024>}, {pipeline_mode = #tpu.pipeline_mode<synchronous>, transform_indices = @transform_1, window_bounds = array<i64: 1024, 1024>}, {pipeline_mode = #tpu.pipeline_mode<synchronous>, transform_indices = @transform_2, window_bounds = array<i64: 1024, 1024>}, {pipeline_mode = #tpu.pipeline_mode<synchronous>, transform_indices = @transform_3, window_bounds = array<i64: 1024, 1024>}, {transform_indices = @transform_4, window_bounds = array<i64: 256, 1024>}]} {
    %get3A = arith.constant 0 : index
    %get3A_0 = arith.constant 0 : index
    %get3A_1 = vector.load %arg1[%get3A, %get3A_0] : memref<256x1024xf32, #tpu.memory_space<vmem>>, vector<256x1024xf32>
    %convert_element_type3A = arith.truncf %get3A_1 : vector<256x1024xf32> to vector<256x1024xbf16>
    %get3A_2 = arith.constant 0 : index
    %get3A_3 = arith.constant 0 : index
    %get3A_4 = vector.load %arg2[%get3A_2, %get3A_3] : memref<1024x1024xf32, #tpu.memory_space<vmem>>, vector<1024x1024xf32>
    %convert_element_type3A_5 = arith.truncf %get3A_4 : vector<1024x1024xf32> to vector<1024x1024xbf16>
    %transpose3A = tpu.transpose %convert_element_type3A_5, [1, 0] : vector<1024x1024xbf16> -> vector<1024x1024xbf16>
    %dot_general3A = arith.constant dense<0.000000e+00> : vector<256x1024xf32>
    %dot_general3A_6 = tpu.matmul %convert_element_type3A, %transpose3A, %dot_general3A {dimension_numbers = #tpu.dot_dimension_numbers<[1], [0], [0], [1], [0, 0, 1, 1], [], []>, transpose_lhs_hint = false} : vector<256x1024xbf16>, vector<1024x1024xbf16>, vector<256x1024xf32> -> vector<256x1024xf32>
    %get3A_7 = arith.constant 0 : index
    %get3A_8 = arith.constant 0 : index
    %get3A_9 = vector.load %arg3[%get3A_7, %get3A_8] : memref<1024x1024xf32, #tpu.memory_space<vmem>>, vector<1024x1024xf32>
    %convert_element_type3A_10 = arith.truncf %get3A_9 : vector<1024x1024xf32> to vector<1024x1024xbf16>
    %transpose3A_11 = tpu.transpose %convert_element_type3A_10, [1, 0] : vector<1024x1024xbf16> -> vector<1024x1024xbf16>
    %dot_general3A_12 = arith.constant dense<0.000000e+00> : vector<256x1024xf32>
    %dot_general3A_13 = tpu.matmul %convert_element_type3A, %transpose3A_11, %dot_general3A_12 {dimension_numbers = #tpu.dot_dimension_numbers<[1], [0], [0], [1], [0, 0, 1, 1], [], []>, transpose_lhs_hint = false} : vector<256x1024xbf16>, vector<1024x1024xbf16>, vector<256x1024xf32> -> vector<256x1024xf32>
    %logistic3A = arith.negf %dot_general3A_6 : vector<256x1024xf32>
    %logistic3A_14 = math.exp %logistic3A : vector<256x1024xf32>
    %logistic3A_15 = arith.constant 1.000000e+00 : f32
    %logistic3A_16 = vector.broadcast %logistic3A_15 : f32 to vector<256x1024xf32>
    %logistic3A_17 = arith.addf %logistic3A_16, %logistic3A_14 : vector<256x1024xf32>
    %logistic3A_18 = arith.divf %logistic3A_16, %logistic3A_17 : vector<256x1024xf32>
    %mul3A = arith.mulf %dot_general3A_6, %logistic3A_18 : vector<256x1024xf32>
    %mul3A_19 = arith.mulf %mul3A, %dot_general3A_13 : vector<256x1024xf32>
    %convert_element_type3A_20 = arith.truncf %mul3A_19 : vector<256x1024xf32> to vector<256x1024xbf16>
    %get3A_21 = arith.constant 0 : index
    %get3A_22 = arith.constant 0 : index
    %get3A_23 = vector.load %arg4[%get3A_21, %get3A_22] : memref<1024x1024xf32, #tpu.memory_space<vmem>>, vector<1024x1024xf32>
    %convert_element_type3A_24 = arith.truncf %get3A_23 : vector<1024x1024xf32> to vector<1024x1024xbf16>
    %transpose3A_25 = tpu.transpose %convert_element_type3A_24, [1, 0] : vector<1024x1024xbf16> -> vector<1024x1024xbf16>
    %dot_general3A_26 = arith.constant dense<0.000000e+00> : vector<256x1024xf32>
    %dot_general3A_27 = tpu.matmul %convert_element_type3A_20, %transpose3A_25, %dot_general3A_26 {dimension_numbers = #tpu.dot_dimension_numbers<[1], [0], [0], [1], [0, 0, 1, 1], [], []>, transpose_lhs_hint = false} : vector<256x1024xbf16>, vector<1024x1024xbf16>, vector<256x1024xf32> -> vector<256x1024xf32>
    %swap3A = arith.constant 0 : index
    %swap3A_28 = arith.constant 0 : index
    %swap3A_29 = vector.load %arg5[%swap3A, %swap3A_28] : memref<256x1024xf32, #tpu.memory_space<vmem>>, vector<256x1024xf32>
    tpu.vector_store %arg5[%swap3A, %swap3A_28], %dot_general3A_27 {strides = array<i32>} : memref<256x1024xf32, #tpu.memory_space<vmem>>, vector<256x1024xf32>,
    return
  }
  func.func @transform_0(%arg0: i32) -> (i32, i32) {
    %c0_i32 = arith.constant 0 : i32
    %c0_i32_0 = arith.constant 0 : i32
    return %arg0, %c0_i32 : i32, i32
  }
  func.func @transform_1(%arg0: i32) -> (i32, i32) {
    %c0_i32 = arith.constant 0 : i32
    %c0_i32_0 = arith.constant 0 : i32
    %c0_i32_1 = arith.constant 0 : i32
    return %c0_i32, %c0_i32_0 : i32, i32
  }
  func.func @transform_2(%arg0: i32) -> (i32, i32) {
    %c0_i32 = arith.constant 0 : i32
    %c0_i32_0 = arith.constant 0 : i32
    %c0_i32_1 = arith.constant 0 : i32
    return %c0_i32, %c0_i32_0 : i32, i32
  }
  func.func @transform_3(%arg0: i32) -> (i32, i32) {
    %c0_i32 = arith.constant 0 : i32
    %c0_i32_0 = arith.constant 0 : i32
    %c0_i32_1 = arith.constant 0 : i32
    return %c0_i32, %c0_i32_0 : i32, i32
  }
  func.func @transform_4(%arg0: i32) -> (i32, i32) {
    %c0_i32 = arith.constant 0 : i32
    %c0_i32_0 = arith.constant 0 : i32
    return %arg0, %c0_i32 : i32, i32
  }
}

module attributes {stable_mosaic.version = 14 : i64} {
  func.func @_add3_body(%arg0: i32, %arg1: memref<512x1024xf32, #tpu.memory_space<vmem>>, %arg2: memref<512x1024xf32, #tpu.memory_space<vmem>>, %arg3: memref<512x1024xf32, #tpu.memory_space<vmem>>, %arg4: memref<512x1024xf32, #tpu.memory_space<vmem>>) attributes {dimension_semantics = [#tpu.dimension_semantics<arbitrary>], iteration_bounds = array<i64: 4>, scalar_prefetch = 0 : i64, scratch_operands = 0 : i64, tpu.core_type = #tpu.core_type<tc>, window_params = [{transform_indices = @transform_0, window_bounds = array<i64: 512, 1024>}, {transform_indices = @transform_1, window_bounds = array<i64: 512, 1024>}, {transform_indices = @transform_2, window_bounds = array<i64: 512, 1024>}, {transform_indices = @transform_3, window_bounds = array<i64: 512, 1024>}]} {
    %get3A = arith.constant 0 : index
    %get3A_0 = arith.constant 0 : index
    %get3A_1 = vector.load %arg1[%get3A, %get3A_0] : memref<512x1024xf32, #tpu.memory_space<vmem>>, vector<512x1024xf32>
    %get3A_2 = arith.constant 0 : index
    %get3A_3 = arith.constant 0 : index
    %get3A_4 = vector.load %arg2[%get3A_2, %get3A_3] : memref<512x1024xf32, #tpu.memory_space<vmem>>, vector<512x1024xf32>
    %add3A = arith.addf %get3A_1, %get3A_4 : vector<512x1024xf32>
    %get3A_5 = arith.constant 0 : index
    %get3A_6 = arith.constant 0 : index
    %get3A_7 = vector.load %arg3[%get3A_5, %get3A_6] : memref<512x1024xf32, #tpu.memory_space<vmem>>, vector<512x1024xf32>
    %add3A_8 = arith.addf %add3A, %get3A_7 : vector<512x1024xf32>
    %swap3A = arith.constant 0 : index
    %swap3A_9 = arith.constant 0 : index
    %swap3A_10 = vector.load %arg4[%swap3A, %swap3A_9] : memref<512x1024xf32, #tpu.memory_space<vmem>>, vector<512x1024xf32>
    tpu.vector_store %arg4[%swap3A, %swap3A_9], %add3A_8 {strides = array<i32>} : memref<512x1024xf32, #tpu.memory_space<vmem>>, vector<512x1024xf32>,
    return
  }
  func.func @transform_0(%arg0: i32) -> (i32, i32) {
    %c0_i32 = arith.constant 0 : i32
    %c0_i32_0 = arith.constant 0 : i32
    return %arg0, %c0_i32 : i32, i32
  }
  func.func @transform_1(%arg0: i32) -> (i32, i32) {
    %c0_i32 = arith.constant 0 : i32
    %c0_i32_0 = arith.constant 0 : i32
    return %arg0, %c0_i32 : i32, i32
  }
  func.func @transform_2(%arg0: i32) -> (i32, i32) {
    %c0_i32 = arith.constant 0 : i32
    %c0_i32_0 = arith.constant 0 : i32
    return %arg0, %c0_i32 : i32, i32
  }
  func.func @transform_3(%arg0: i32) -> (i32, i32) {
    %c0_i32 = arith.constant 0 : i32
    %c0_i32_0 = arith.constant 0 : i32
    return %arg0, %c0_i32 : i32, i32
  }
}

</mosaic_0001>

<sc_bundles>
// kernel: gather_offload_async_start
scs
__scs_entry_jumppad:
0x0: {  	(pc) =	sbr.rel $0x88, $3  }
0x1: {  	(tag) =	ssettag $0x0;
	lr =	simm.s32 $0x1  }
0x2: {  	[smem:$0x3F99] =	sst lr;
	_ =	strace $0xD0000000  }
0x3: {  	_ = 	snop  }
0x4: {  	_ = 	snop  }
0x5: {  	_ = 	snop  }
0x6: {  	_ = 	snop  }
0x7: {  	_ = 	snop  }
__scs_overlays_trampoline_lowered:
0x8: {  	[smem:$0x3FA8] =	sst s0  }
0x9: {  	[smem:$0x3FA9] =	sst s1  }
0xa: {  	[smem:$0x3FAA] =	sst s2  }
0xb: {  	[smem:$0x3FAB] =	sst s3  }
0xc: {  	[smem:$0x3FAC] =	sst s4  }
0xd: {  	[smem:$0x3FAD] =	sst s5  }
0xe: {  	[smem:$0x3FAE] =	sst s6  }
0xf: {  	[smem:$0x3FAF] =	sst s7  }
0x10: {  	[smem:$0x3FB0] =	sst s8  }
0x11: {  	[smem:$0x3FB1] =	sst s9;
	s0 =	simm.s32 @!p0 $0x0  }
0x12: {  	s1 =	sld [smem:$0x3F97];
	s0 =	simm.s32 @p0 $0x1  }
0x13: {  	[smem:$0x3FB2] =	sst s0;
	s0 =	simm.s32 @!p1 $0x0  }
0x14: {  	s2 =	sld [smem:$0x3F96];
	s0 =	simm.s32 @p1 $0x1  }
0x15: {  	[smem:$0x3FB3] =	sst s0;
	s0 =	simm.s32 @!p2 $0x0  }
0x16: {  	s3 =	sld [smem:$0x3FDB];
	s0 =	simm.s32 @p2 $0x1  }
0x17: {  	s4 =	simm.s32 $0x1BF5;
	[smem:$0x3FB5] =	sst s0  }
0x18: {  	s0 =	sld [smem:$0x3F98];
	_ =	swait.ge [sflag:s4], $0x0  }
0x19: {  	s7 =	sld [smem:$0x3F99]  }
0x1a: {  	s8 =	sadd.s32 $0xFFFFE003, lr  }
0x1b: {  	s9 =	sadd.s32 $0xFFFFFEF7, lr;
	s5 =	simm.s32 $0xFFFFFFFF;
	p2 =	slt.u32 s8, $0xFFFFF086  }
0x1c: {  	p1 =	slt.u32 s9, $0xF7A;
	s5 =	simm.s32 @!p2 $0x0  }
0x1d: {  	s5 =	simm.s32 @p1 $0x1;
	p0 =	seq.s32 s7, s2  }
0x1e: {  	s7 =	smul.u32 @!p0 $0xF7A, s2;
	p2 =	seq.s32 @!p0 s5, $0x0  }
0x1f: {  	s9 =	smul.u32 $0xF7A, s1;
	s8 =	simm.s32 @!p0 $0x1BF5;
	p2 =	por !p2, p0  }
0x20: {  	[sflag:s8] =	ssyncset.s32 @!p0 $0xFFFFF086;
	s6 =	sadd.s32 @!p0 s3, s7;
	s7 =	simm.s32 @!p0 $0x108  }
0x21: {  	s3 =	sadd.s32 s3, s9;
	s6 =	sadd.s32 @!p0 $0x88, s6;
	s7 =	simm.s32 @p2 $0x1082  }
0x22: {  	[simem:s7], [sflag:s8] =	dma.local @!p0 [hbm:s6], $0xF7A  }
0x23: {  	s9 =	sor.u32 $0xD0000000, s2;
	s6 =	simm.s32 $0x108;
	_ =	swait.ge @!p0 [sflag:s8], $0x0  }
0x24: {  	s3 =	sadd.s32 $0x88, s3;
	s6 =	simm.s32 @!p1 $0x1082;
	[sflag:s4] =	ssyncset.s32 $0xFFFFF086  }
0x25: {  	[simem:s6], [sflag:s4] =	dma.local [hbm:s3], $0xF7A  }
0x26: {  	[smem:$0x3F99] =	sst s1;
	(tag) =	ssettag s2;
	_ =	strace s9  }
0x27: {  	s1 =	sld [smem:$0x3FA9]  }
0x28: {  	s2 =	sld [smem:$0x3FAA]  }
0x29: {  	s4 =	sld [smem:$0x3FAC]  }
0x2a: {  	p0 =	seq.s32 s5, $0x0;
	s5 =	sld [smem:$0x3FAD]  }
0x2b: {  	s6 =	sld [smem:$0x3FAE]  }
0x2c: {  	s7 =	sld [smem:$0x3FAF]  }
0x2d: {  	s3 =	simm.s32 $0x108;
	s8 =	sld [smem:$0x3FB0]  }
0x2e: {  	s3 =	simm.s32 @!p0 $0x1082;
	s9 =	sld [smem:$0x3FB1]  }
0x2f: {  	lr =	sadd.s32 s0, s3;
	s0 =	sld [smem:$0x3FA8]  }
0x30: {  	s3 =	sld [smem:$0x3FAB]  }
0x31: {  	[smem:$0x3FB4] =	sst s10  }
0x32: {  	s10 =	sld [smem:$0x3FB2];
	_ =	sdelay $0x3  }
0x33: {  	p0 =	seq.s32 s10, $0x1;
	s10 =	sld [smem:$0x3FB4];
	_ =	sdelay $0x3  }
0x34: {  	[smem:$0x3FB4] =	sst s10  }
0x35: {  	s10 =	sld [smem:$0x3FB3];
	_ =	sdelay $0x3  }
0x36: {  	p1 =	seq.s32 s10, $0x1;
	s10 =	sld [smem:$0x3FB4];
	_ =	sdelay $0x3  }
0x37: {  	[smem:$0x3FB4] =	sst s10  }
0x38: {  	s10 =	sld [smem:$0x3FB5]  }
0x39: {  	_ = 	snop;
	(pc) =	sbr.ind lr, $3  }
0x3a: {  	_ = 	snop  }
0x3b: {  	_ = 	snop  }
0x3c: {  	p2 =	seq.s32 s10, $0x1;
	s10 =	sld [smem:$0x3FB4]  }
0x3d: {  	_ =	shalt  }
0x3e: {  	_ =	shalt  }
0x3f: {  	_ =	shalt  }
0x40: {  	_ =	shalt  }
0x41: {  	_ =	shalt  }
0x42: {  	_ =	shalt  }
0x43: {  	_ =	shalt  }
0x44: {  	_ =	shalt  }
0x45: {  	_ =	shalt  }
0x46: {  	_ =	shalt  }
0x47: {  	_ =	shalt  }
0x48: {  	_ =	shalt  }
0x49: {  	_ =	shalt  }
0x4a: {  	_ =	shalt  }
0x4b: {  	_ =	shalt  }
0x4c: {  	_ =	shalt  }
0x4d: {  	_ =	shalt  }
0x4e: {  	_ =	shalt  }
0x4f: {  	_ =	shalt  }
0x50: {  	_ =	shalt  }
0x51: {  	_ =	shalt  }
0x52: {  	_ =	shalt  }
0x53: {  	_ =	shalt  }
0x54: {  	_ =	shalt  }
0x55: {  	_ =	shalt  }
0x56: {  	_ =	shalt  }
0x57: {  	_ =	shalt  }
0x58: {  	_ =	shalt  }
0x59: {  	_ =	shalt  }
0x5a: {  	_ =	shalt  }
0x5b: {  	_ =	shalt  }
0x5c: {  	_ =	shalt  }
0x5d: {  	_ =	shalt  }
0x5e: {  	_ =	shalt  }
0x5f: {  	_ =	shalt  }
0x60: {  	_ =	shalt  }
0x61: {  	_ =	shalt  }
0x62: {  	_ =	shalt  }
0x63: {  	_ =	shalt  }
0x64: {  	_ =	shalt  }
0x65: {  	_ =	shalt  }
0x66: {  	_ =	shalt  }
0x67: {  	_ =	shalt  }
0x68: {  	_ =	shalt  }
0x69: {  	_ =	shalt  }
0x6a: {  	_ =	shalt  }
0x6b: {  	_ =	shalt  }
0x6c: {  	_ =	shalt  }
0x6d: {  	_ =	shalt  }
0x6e: {  	_ =	shalt  }
0x6f: {  	_ =	shalt  }
0x70: {  	_ =	shalt  }
0x71: {  	_ =	shalt  }
0x72: {  	_ =	shalt  }
0x73: {  	_ =	shalt  }
0x74: {  	_ =	shalt  }
0x75: {  	_ =	shalt  }
0x76: {  	_ =	shalt  }
0x77: {  	_ =	shalt  }
0x78: {  	_ =	shalt  }
0x79: {  	_ =	shalt  }
0x7a: {  	_ =	shalt  }
0x7b: {  	_ =	shalt  }
0x7c: {  	_ =	shalt  }
0x7d: {  	_ =	shalt  }
0x7e: {  	_ =	shalt  }
0x7f: {  	_ =	shalt  }
0x80: {  	_ =	shalt  }
0x81: {  	_ =	shalt  }
0x82: {  	_ =	shalt  }
0x83: {  	_ =	shalt  }
0x84: {  	_ =	shalt  }
0x85: {  	_ =	shalt  }
0x86: {  	_ =	shalt  }
0x87: {  	_ =	shalt  }
.Lfunc_end0:
.L_simem_size_0:
called_computation_lowered:
.L_overlay_start_0:
0x88: {  	s2 =	sld [smem:$0x3FD9]  }
0x89: {  	s3 =	sld [smem:$0x3FFE];
	_ =	sdelay $0x1  }
0x8a: {  	s1 =	srdreg.scid  }
0x8b: {  	s0 =	sand.u32 $0x1, s1  }
0x8c: {  	s17 =	sshll.u32 s0, $0xA;
	s2 =	sadd.s32 s3, s2  }
0x8d: {  	s2 =	sadd.s32 s2, s17  }
0x8e: {  	[smem:$0x3FC0] =	sst s2  }
0x8f: {  	_ = 	snop  }
0x90: {  	s2 =	sld [smem:$0x3FD0];
	(tm) =	ssettm $0x1  }
0x91: {  	s18 =	sld [smem:$0x3FFB];
	_ =	sdelay $0x3  }
0x92: {  	_ =	strace s18  }
0x93: {  	s3 =	sld [smem:$0x3FFC];
	_ =	sdelay $0x3  }
0x94: {  	_ =	strace s3  }
0x95: {  	s3 =	sld [smem:$0x3FFD];
	_ =	sdelay $0x3  }
0x96: {  	_ =	strace s3  }
0x97: {  	_ =	strace $0x8FFFFFFF  }
0x98: {  	s19 =	sld [smem:$0x3FDB];
	_ =	sdelay $0x1  }
0x99: {  	s4 =	simm.s32 $_scs_section_size  }
0x9a: {  	s5 =	simm.s32 $_size__tile_overlayer_lowered;
	s6 =	simm.s32 $_tile_overlayer_lowered  }
0x9b: {  	s22 =	simm.s32 $0x1BFF;
	s21 =	sshll.u32 s6, $0x1;
	s3 =	sadd.s32 s4, s19  }
0x9c: {  	s7 =	simm.s32 $0x0;
	s20 =	sshll.u32 s5, $0x1;
	s5 =	sadd.s32 s21, s3  }
0x9d: {  	[timem:s7], [sflag:s22] =	dma.local [hbm:s5], s20  }
0x9e: {  	_ =	swait.ge [sflag:s22], s20  }
0x9f: {  	s4 =	ssub.s32 $0x0, s20;
	[sflag:s22] =	ssyncset.done $0x0  }
0xa0: {  	[sflag:s22] =	ssyncadd.s32 s4;
	_ =	sdelay $0x1  }
0xa1: {  	s23 =	simm.s32 $0x1B8B  }
0xa2: {  	_ =	swait.ge [sflag:s23], $0x1  }
0xa3: {  	[sflag:s23] =	ssyncset.done $0x0  }
0xa4: {  	s25 =	simm.s32 $0x1B8E;
	s24 =	sld [smem:$0x3FFE];
	[sflag:s23] =	ssyncadd.s32 $0xFFFFFFFF  }
0xa5: {  	s26 =	simm.s32 $execute0_lowered;
	[smem:$0x3FD2] =	sst s25  }
0xa6: {  	s5 =	sshll.u32 s26, $0x1;
	_ =	strace $0x80000046;
	[dreg:$0x1] =	wrdreg $0xFFFFFFFF  }
0xa7: {  	s28 =	simm.s32 $_size_execute0_lowered;
	s3 =	sadd.s32 s3, s5;
	[dreg:$0x0] =	wrdreg $0x0  }
0xa8: {  	s5 =	sshll.u32 s28, $0x1;
	[dreg:$0x2] =	wrdreg s3  }
0xa9: {  	[dreg:$0x3] =	wrdreg s5  }
0xaa: {  	[dreg:$0x4] =	wrdreg $0xC0  }
0xab: {  	_ =	task [dreg:s7], $0x5FFFF  }
0xac: {  	[dreg:$0x1] =	wrdreg $0xFFFFFFFF  }
0xad: {  	[dreg:$0x0] =	wrdreg $0x60  }
0xae: {  	[dreg:$0x2] =	wrdreg s2  }
0xaf: {  	[dreg:$0x3] =	wrdreg s24  }
0xb0: {  	[dreg:$0x4] =	wrdreg $0x9  }
0xb1: {  	_ =	task.clear_ibuf [dreg:s7], $0x5FFFF;
	_ =	strace $0x90000046  }
0xb2: {  	s29 =	simm.s32 $0x9;
	_ =	strace $0x80000048  }
0xb3: {  	_ =	swait.ge [sflag:s29], $0x1  }
0xb4: {  	[sflag:s29] =	ssyncadd.s32 $0xFFFFFFFF  }
0xb5: {  	_ =	strace $0x90000048  }
0xb6: {  	_ =	sfence  }
0xb7: {  	s30 =	sld [smem:$0x0];
	_ =	sdelay $0x2  }
0xb8: {  	s31 =	sshll.u32 s1, $0xD;
	s1 =	sshrl.u32 s1, $0x2  }
0xb9: {  	s3 =	sand.u32 $0x4000, s31;
	s1 =	sadd.s32 s1, s30  }
0xba: {  	s0 =	sor.u32 s3, s0;
	s1 =	sshll.u32 s1, $0x11  }
0xbb: {  	s0 =	sor.u32 s1, s0  }
0xbc: {  	s0 =	sadd.s32 $0x8F2B, s0  }
0xbd: {  	[sflag:s0] =	ssyncadd.remote.s32 $0x1  }
0xbe: {  	_ =	sfence.sel $0xFFFF  }
0xbf: {  	[dreg:$0x0] =	wrdreg $0xFFFFFFFF;
	(pc) =	sbr.abs _section_cstart, $3  }
0xc0: {  	[dreg:$0x1] =	wrdreg $0xFFFFFFFF  }
0xc1: {  	_ =	task.clear_ibuf [dreg:s7], $0x2FFFF;
	_ =	strace $0x9FFFFFFF  }
0xc2: {  	(tm) =	ssettm $0x7FFFFFFF  }
0xc3: {  	_ =	shalt  }
tec
execute0_lowered:
.L_overlay_start_1:
0x0: {  	(tag) =	ssettag $0x1  }
0x1: {  	s1 =	srdreg.scid;
	s2 =	rddreg [dreg:$0x0]  }
0x2: {  	s0 =	stileid.u32;
	s3 =	rddreg [dreg:$0x1]  }
0x3: {  	s6 =	simm.s32 $0x1;
	s9 =	simm.s32 $0x1;
	s1 =	sshll.u32 s1, $0x6  }
0x4: {  	s10 =	simm.s32 $0x3;
	s4 =	sshll.u32 s0, $0x7;
	s5 =	sand.u32 $0x40, s1  }
0x5: {  	s13 =	simm.s32 $0x0;
	s12 =	simm.s32 $0x0;
	s4 =	sor.u32 s4, s5  }
0x6: {  	s1 =	rddreg [dreg:$0x2];
	_ =	strace $0x80000047;
	s8 =	ssub.s32 $0x1000, s4  }
.Ltmp0:
0x7: {  	s5 =	sadd.s32 $0x200, s3;
	s7 =	sand.u32 $0x7C0, s8;
	(pc) =	sbr.rel .LBB2_1-.Ltmp0, $4  }
0x8: {  	[sflag:s6] =	ssyncpa.u1 $0x0;
	s11 =	smov.u32 s4;
	p0 =	sne.s32 s7, $0x0  }
0x9: {  	s8 =	sshrl.u32 s8, $0xB;
	s7 =	simm.s32 $0x2;
	s9 =	simm.s32 @!p0 $0x0  }
0xa: {  	[sflag:s7] =	ssyncpa.u1 $0x0;
	p0 =	por $0x0, $0x0;
	s8 =	sadd.s32 s9, s8  }
0xb: {  	vm0 =	vmmov $0xffff;
	[sflag:s10] =	ssyncpa.u1 $0x0;
	s10 =	simm.s32 $0x0;
	s9 =	sadd.s32 $0x1, s8  }
.LBB2_4:
0xc: {  	v5 =	vshrl.u32 v1, $0xC;
	v6 =	vshll.u32 v1, $0x7  }
0xd: {  	vm1 =	veq.s32 v1, $0x80000000;
	v58 =	vand.u32 $0x3F, v5;
	v59 =	vand.u32 $0x7FF80, v6  }
0xe: {  	v1 =	vsel vm1, $0xFFFFFFFF, v58;
	v5 =	vsel vm1, $0xFFFFFF80, v59  }
0xf: {  	v3 =	vor.u32 v4, v3;
	v60 =	vand.u32 $0xFFFFFC00, v5;
	v61 =	vand.u32 $0xFFFFFC00, v1  }
0x10: {  	v2 =	vor.u32 v2, v3;
	v63 =	vand.u32 $0x380, v5;
	v62 =	vadd.s32 v61, v60  }
0x11: {  	v1 =	vand.u32 $0x7F, v1;
	v3 =	vor.u32 v63, v62  }
0x12: {  	v1 =	vor.u32 v1, v3  }
0x13: {  	[tilespmem:s15], [sflag:$0x1] =	stream.indirect_vreg.gather [hbm4b:s2+s10], $0x1, v0, vm0, $0x4038;
	[tilespmem:$0x100] =	vst v63  }
0x14: {  	(ifvalue) =	ssetifvalue $0x7FFFFFFF  }
0x15: {  	[tilespmem:s16], [sflag:$0x1] =	stream.indirect_vreg.gather [hbm4b:s2+s10], $0x1, v2, vm0, $0x4038;
	[tilespmem:$0x100] =	vst v63  }
0x16: {  	s29 =	sadd.s32 $0x10, s16;
	(ifvalue) =	ssetifvalue $0x7FFFFFFF  }
0x17: {  	[tilespmem:s29], [sflag:$0x1] =	stream.indirect_vreg.gather [hbm4b:s2+s10], $0x1, v1, vm0, $0x4038;
	[tilespmem:$0x100] =	vst v63  }
0x18: {  	_ =	swait.ge [sflag:s6], $0x40  }
0x19: {  	s30 =	sshrl.u32 s13, $0x3;
	[sflag:s6] =	ssyncset.done $0x0  }
0x1a: {  	s31 =	sand.u32 $0x7, s13;
	s15 =	sadd.s32 s5, s30;
	[sflag:s6] =	ssyncadd.s32 $0xFFFFFFC0  }
0x1b: {  	[hbm4b:s15+s31] =	stream.linear.scatter [tilespmem:s14], [sflag:$0x3], $0x40, $0x38;
	[tilespmem:$0x100] =	vst v63  }
.LBB2_5:
0x1c: {  	s15 =	sadd.s32 $0x800, s11  }
0x1d: {  	p2 =	sgt.s32 s15, $0xFFF  }
0x1e: {  	s15 =	smov.u32 @p2 s4;
	p2 =	sne.s32 s12, s9  }
.Ltmp1:
0x1f: {  	p1 =	slt.u32 s12, $0x2;
	(pc) =	sbr.rel @!p2 .LBB2_6-.Ltmp1, $4  }
0x20: {  	s14 =	simm.s32 @!p1 $0x3  }
0x21: {  	s16 =	sadd.s32 $0x1, s12;
	_ =	swait.ge @!p1 [sflag:s14], $0x40  }
0x22: {  	s13 =	smov.u32 s11;
	p0 =	por !p0, !p0;
	[sflag:s14] =	ssyncset.done @!p1 $0x0  }
0x23: {  	s12 =	smov.u32 s16;
	s11 =	smov.u32 s15;
	[sflag:s14] =	ssyncadd.s32 @!p1 $0xFFFFFFC0  }
.LBB2_1:
0x24: {  	p1 =	sge.u32 s12, s8  }
0x25: {  	s14 =	sxor.u32 @!p1 $0xFFFFFFFF, s12  }
0x26: {  	s31 =	sadd.s32 $0xFFFFFFFF, s12;
	s15 =	sshrl.u32 @!p1 s11, $0x3;
	s14 =	sshll.u32 @!p1 s14, $0x6  }
0x27: {  	s16 =	sand.u32 @!p1 $0x7, s11;
	s15 =	sadd.s32 @!p1 s3, s15;
	s14 =	sand.u32 @!p1 $0x40, s14  }
0x28: {  	[tilespmem:s14], [sflag:$0x2] =	stream.linear.gather @!p1 [hbm4b:s15+s16], $0x40, $0x38;
	[tilespmem:$0x100] =	vst v63  }
0x29: {  	p1 =	sge.u32 s31, s8  }
.Ltmp2:
0x2a: {  	_ = 	snop;
	(pc) =	sbr.rel @p1 .LBB2_5-.Ltmp2, $1  }
0x2b: {  	_ =	sdelay $0x3  }
0x2c: {  	s14 =	simm.s32 $0x1  }
0x2d: {  	_ =	swait.ge [sflag:s7], $0x40;
	s14 =	simm.s32 @!p0 $0x0  }
0x2e: {  	[sflag:s7] =	ssyncset.done $0x0;
	s14 =	sshll.u32 s14, $0x6  }
0x2f: {  	[sflag:s7] =	ssyncadd.s32 $0xFFFFFFC0;
	(ifvalue) =	ssetifvalue $0x7FFFFFFF;
	v0 =	vld.msk [tilespmem:s14+$0x0 ss:$0x1], $0xffff;
	_ =	sdelay $0x4  }
0x30: {  	s15 =	sadd.s32 $0x10, s14;
	v2 =	vshrl.u32 v0, $0xC;
	v3 =	vshll.u32 v0, $0x7  }
0x31: {  	v1 =	vld.msk [tilespmem:s15+$0x0 ss:$0x1], $0xffff;
	vm1 =	veq.s32 v0, $0x80000000;
	v0 =	vand.u32 $0x3F, v2;
	v2 =	vand.u32 $0x7FF80, v3  }
0x32: {  	v0 =	vsel vm1, $0xFFFFFFFF, v0;
	v2 =	vsel vm1, $0xFFFFFF80, v2  }
0x33: {  	v3 =	vand.u32 $0xFFFFFC00, v2;
	v4 =	vand.u32 $0xFFFFFC00, v0  }
0x34: {  	v2 =	vand.u32 $0x380, v2;
	v3 =	vadd.s32 v4, v3  }
0x35: {  	v0 =	vand.u32 $0x7F, v0;
	v2 =	vor.u32 v2, v3  }
0x36: {  	v5 =	vshll.u32 v1, $0x7;
	v4 =	vshrl.u32 v1, $0xC;
	v0 =	vor.u32 v0, v2  }
0x37: {  	s16 =	sshll.u32 s12, $0x6;
	vm1 =	veq.s32 v1, $0x80000000;
	v1 =	vand.u32 $0x3F, v4;
	v4 =	vand.u32 $0x7FF80, v5  }
0x38: {  	s16 =	sand.u32 $0x40, s16;
	s18 =	sadd.s32 $0x10, s15;
	v3 =	vsel vm1, $0xFFFFFFFF, v1;
	v4 =	vsel vm1, $0xFFFFFF80, v4  }
0x39: {  	s17 =	simm.s32 $0x20;
	s15 =	sor.u32 $0x80, s14;
	s14 =	sor.u32 $0x80, s16;
	v1 =	vld.msk [tilespmem:s18+$0x0 ss:$0x1], $0xffff;
	v5 =	vand.u32 $0xFFFFFC00, v4;
	v6 =	vand.u32 $0xFFFFFC00, v3  }
0x3a: {  	s16 =	sadd.s32 $0x10, s15;
	s18 =	sadd.s32 $0x10, s18;
	(ifvalue) =	ssetifvalue $0x7FFFFFFF;
	v2 =	vand.u32 $0x7F, v3;
	v4 =	vand.u32 $0x380, v4;
	v3 =	vadd.s32 v6, v5  }
.LBB2_3:
0x3b: {  	[tilespmem:s15], [sflag:$0x1] =	stream.indirect_vreg.gather [hbm4b:s2+s10], $0x1, v0, vm0, $0x4038;
	[tilespmem:$0x100] =	vst v63  }
0x3c: {  	s17 =	sadd.s32 $0x10, s17  }
0x3d: {  	v3 =	vor.u32 v4, v3;
	p1 =	slt.u32 s17, $0x30  }
.Ltmp3:
0x3e: {  	v4 =	vshrl.u32 v1, $0xC;
	v5 =	vshll.u32 v1, $0x7;
	s15 =	smov.u32 s16;
	v0 =	vor.u32 v2, v3;
	v2 =	vmovc v1;
	v1 =	vld.msk [tilespmem:s18+$0x0 ss:$0x1], $0xffff;
	(pc) =	sbr.rel @p1 .LBB2_3-.Ltmp3, $4  }
0x3f: {  	v3 =	vand.u32 $0x7FF80, v5;
	vm1 =	veq.s32 v2, $0x80000000;
	v2 =	vand.u32 $0x3F, v4  }
0x40: {  	v4 =	vsel vm1, $0xFFFFFFFF, v2;
	v5 =	vsel vm1, $0xFFFFFF80, v3  }
0x41: {  	v2 =	vand.u32 $0x7F, v4;
	v3 =	vand.u32 $0xFFFFFC00, v5;
	v4 =	vand.u32 $0xFFFFFC00, v4  }
0x42: {  	s16 =	sadd.s32 $0x10, s16;
	s18 =	sadd.s32 $0x10, s18;
	v3 =	vadd.s32 v4, v3;
	v4 =	vand.u32 $0x380, v5;
	(ifvalue) =	ssetifvalue $0x7FFFFFFF  }
.Ltmp4:
0x43: {  	_ = 	snop;
	(pc) =	sbr.rel .LBB2_4-.Ltmp4, $1  }
0x44: {  	_ =	sdelay $0x3  }
.LBB2_6:
0x45: {  	_ =	sfence.sel $0x180000  }
0x46: {  	s2 =	simm.s32 $0x2;
	[bflag:$0x0] =	sbarrier.arrive $0xFFFF  }
0x47: {  	s30 =	simm.s32 $0x3;
	[sflag:s2] =	ssyncpa.u1 $0x1  }
0x48: {  	s31 =	simm.s32 $0x1;
	[sflag:s30] =	ssyncpa.u1 $0x1  }
0x49: {  	[sflag:s31] =	ssyncpa.u1 $0x1  }
0x4a: {  	p0 =	sne.s32 s0, $0x0;
	_ =	strace $0x90000047  }
0x4b: {  	s0 =	sadd.s32 @!p0 $0x100000, s1;
	[bflag:$0x2] =	sbarrier.arrive $0xFFFF  }
0x4c: {  	[sflag:s0] =	ssyncadd.tile.s32 @!p0 $0x1;
	_ =	shalt  }
.Lfunc_end2:
_tile_overlayer_lowered:
.L_overlay_start_2:
0x4d: {  	(tag) =	ssettag $0x2  }
0x4e: {  	s0 =	rddreg [dreg:$0x0];
	s2 =	stileid.u32  }
0x4f: {  	s1 =	rddreg [dreg:$0x1];
	p0 =	sne.s32 s2, $0x0  }
0x50: {  	s3 =	rddreg [dreg:$0x2];
	[bflag:$0x3] =	sbarrier.arrive $0xFFFF;
	s2 =	simm.s32 @!p0 $0x1C01  }
0x51: {  	[timem:s3], [sflag:s2] =	dma.local @!p0 [hbm:s0], s1  }
0x52: {  	s0 =	simm.s32 @!p0 $0x1  }
0x53: {  	_ =	swait.ge @!p0 [sflag:s0], s1  }
0x54: {  	s1 =	ssub.s32 @!p0 $0x0, s1;
	[sflag:s0] =	ssyncset.done @!p0 $0x0  }
0x55: {  	[sflag:s0] =	ssyncadd.s32 @!p0 s1  }
0x56: {  	[bflag:$0x3] =	sbarrier.arrive $0xFFFF  }
0x57: {  	_ =	shalt  }

// kernel: kernel.11.cloned.1.call-start
scs
__scs_entry_jumppad:
0x0: {  	(pc) =	sbr.rel $0x88, $3  }
0x1: {  	(tag) =	ssettag $0x0;
	lr =	simm.s32 $0x1  }
0x2: {  	[smem:$0x3F99] =	sst lr;
	_ =	strace $0xD0000000  }
0x3: {  	_ = 	snop  }
0x4: {  	_ = 	snop  }
0x5: {  	_ = 	snop  }
0x6: {  	_ = 	snop  }
0x7: {  	_ = 	snop  }
__scs_overlays_trampoline_lowered:
0x8: {  	[smem:$0x3FA8] =	sst s0  }
0x9: {  	[smem:$0x3FA9] =	sst s1  }
0xa: {  	[smem:$0x3FAA] =	sst s2  }
0xb: {  	[smem:$0x3FAB] =	sst s3  }
0xc: {  	[smem:$0x3FAC] =	sst s4  }
0xd: {  	[smem:$0x3FAD] =	sst s5  }
0xe: {  	[smem:$0x3FAE] =	sst s6  }
0xf: {  	[smem:$0x3FAF] =	sst s7  }
0x10: {  	[smem:$0x3FB0] =	sst s8  }
0x11: {  	[smem:$0x3FB1] =	sst s9;
	s0 =	simm.s32 @!p0 $0x0  }
0x12: {  	s1 =	sld [smem:$0x3F97];
	s0 =	simm.s32 @p0 $0x1  }
0x13: {  	[smem:$0x3FB2] =	sst s0;
	s0 =	simm.s32 @!p1 $0x0  }
0x14: {  	s2 =	sld [smem:$0x3F96];
	s0 =	simm.s32 @p1 $0x1  }
0x15: {  	[smem:$0x3FB3] =	sst s0;
	s0 =	simm.s32 @!p2 $0x0  }
0x16: {  	s3 =	sld [smem:$0x3FDB];
	s0 =	simm.s32 @p2 $0x1  }
0x17: {  	s4 =	simm.s32 $0x1BF5;
	[smem:$0x3FB5] =	sst s0  }
0x18: {  	s0 =	sld [smem:$0x3F98];
	_ =	swait.ge [sflag:s4], $0x0  }
0x19: {  	s7 =	sld [smem:$0x3F99]  }
0x1a: {  	s8 =	sadd.s32 $0xFFFFE003, lr  }
0x1b: {  	s9 =	sadd.s32 $0xFFFFFEF7, lr;
	s5 =	simm.s32 $0xFFFFFFFF;
	p2 =	slt.u32 s8, $0xFFFFF086  }
0x1c: {  	p1 =	slt.u32 s9, $0xF7A;
	s5 =	simm.s32 @!p2 $0x0  }
0x1d: {  	s5 =	simm.s32 @p1 $0x1;
	p0 =	seq.s32 s7, s2  }
0x1e: {  	s7 =	smul.u32 @!p0 $0xF7A, s2;
	p2 =	seq.s32 @!p0 s5, $0x0  }
0x1f: {  	s9 =	smul.u32 $0xF7A, s1;
	s8 =	simm.s32 @!p0 $0x1BF5;
	p2 =	por !p2, p0  }
0x20: {  	[sflag:s8] =	ssyncset.s32 @!p0 $0xFFFFF086;
	s6 =	sadd.s32 @!p0 s3, s7;
	s7 =	simm.s32 @!p0 $0x108  }
0x21: {  	s3 =	sadd.s32 s3, s9;
	s6 =	sadd.s32 @!p0 $0x88, s6;
	s7 =	simm.s32 @p2 $0x1082  }
0x22: {  	[simem:s7], [sflag:s8] =	dma.local @!p0 [hbm:s6], $0xF7A  }
0x23: {  	s9 =	sor.u32 $0xD0000000, s2;
	s6 =	simm.s32 $0x108;
	_ =	swait.ge @!p0 [sflag:s8], $0x0  }
0x24: {  	s3 =	sadd.s32 $0x88, s3;
	s6 =	simm.s32 @!p1 $0x1082;
	[sflag:s4] =	ssyncset.s32 $0xFFFFF086  }
0x25: {  	[simem:s6], [sflag:s4] =	dma.local [hbm:s3], $0xF7A  }
0x26: {  	[smem:$0x3F99] =	sst s1;
	(tag) =	ssettag s2;
	_ =	strace s9  }
0x27: {  	s1 =	sld [smem:$0x3FA9]  }
0x28: {  	s2 =	sld [smem:$0x3FAA]  }
0x29: {  	s4 =	sld [smem:$0x3FAC]  }
0x2a: {  	p0 =	seq.s32 s5, $0x0;
	s5 =	sld [smem:$0x3FAD]  }
0x2b: {  	s6 =	sld [smem:$0x3FAE]  }
0x2c: {  	s7 =	sld [smem:$0x3FAF]  }
0x2d: {  	s3 =	simm.s32 $0x108;
	s8 =	sld [smem:$0x3FB0]  }
0x2e: {  	s3 =	simm.s32 @!p0 $0x1082;
	s9 =	sld [smem:$0x3FB1]  }
0x2f: {  	lr =	sadd.s32 s0, s3;
	s0 =	sld [smem:$0x3FA8]  }
0x30: {  	s3 =	sld [smem:$0x3FAB]  }
0x31: {  	[smem:$0x3FB4] =	sst s10  }
0x32: {  	s10 =	sld [smem:$0x3FB2];
	_ =	sdelay $0x3  }
0x33: {  	p0 =	seq.s32 s10, $0x1;
	s10 =	sld [smem:$0x3FB4];
	_ =	sdelay $0x3  }
0x34: {  	[smem:$0x3FB4] =	sst s10  }
0x35: {  	s10 =	sld [smem:$0x3FB3];
	_ =	sdelay $0x3  }
0x36: {  	p1 =	seq.s32 s10, $0x1;
	s10 =	sld [smem:$0x3FB4];
	_ =	sdelay $0x3  }
0x37: {  	[smem:$0x3FB4] =	sst s10  }
0x38: {  	s10 =	sld [smem:$0x3FB5]  }
0x39: {  	_ = 	snop;
	(pc) =	sbr.ind lr, $3  }
0x3a: {  	_ = 	snop  }
0x3b: {  	_ = 	snop  }
0x3c: {  	p2 =	seq.s32 s10, $0x1;
	s10 =	sld [smem:$0x3FB4]  }
0x3d: {  	_ =	shalt  }
0x3e: {  	_ =	shalt  }
0x3f: {  	_ =	shalt  }
0x40: {  	_ =	shalt  }
0x41: {  	_ =	shalt  }
0x42: {  	_ =	shalt  }
0x43: {  	_ =	shalt  }
0x44: {  	_ =	shalt  }
0x45: {  	_ =	shalt  }
0x46: {  	_ =	shalt  }
0x47: {  	_ =	shalt  }
0x48: {  	_ =	shalt  }
0x49: {  	_ =	shalt  }
0x4a: {  	_ =	shalt  }
0x4b: {  	_ =	shalt  }
0x4c: {  	_ =	shalt  }
0x4d: {  	_ =	shalt  }
0x4e: {  	_ =	shalt  }
0x4f: {  	_ =	shalt  }
0x50: {  	_ =	shalt  }
0x51: {  	_ =	shalt  }
0x52: {  	_ =	shalt  }
0x53: {  	_ =	shalt  }
0x54: {  	_ =	shalt  }
0x55: {  	_ =	shalt  }
0x56: {  	_ =	shalt  }
0x57: {  	_ =	shalt  }
0x58: {  	_ =	shalt  }
0x59: {  	_ =	shalt  }
0x5a: {  	_ =	shalt  }
0x5b: {  	_ =	shalt  }
0x5c: {  	_ =	shalt  }
0x5d: {  	_ =	shalt  }
0x5e: {  	_ =	shalt  }
0x5f: {  	_ =	shalt  }
0x60: {  	_ =	shalt  }
0x61: {  	_ =	shalt  }
0x62: {  	_ =	shalt  }
0x63: {  	_ =	shalt  }
0x64: {  	_ =	shalt  }
0x65: {  	_ =	shalt  }
0x66: {  	_ =	shalt  }
0x67: {  	_ =	shalt  }
0x68: {  	_ =	shalt  }
0x69: {  	_ =	shalt  }
0x6a: {  	_ =	shalt  }
0x6b: {  	_ =	shalt  }
0x6c: {  	_ =	shalt  }
0x6d: {  	_ =	shalt  }
0x6e: {  	_ =	shalt  }
0x6f: {  	_ =	shalt  }
0x70: {  	_ =	shalt  }
0x71: {  	_ =	shalt  }
0x72: {  	_ =	shalt  }
0x73: {  	_ =	shalt  }
0x74: {  	_ =	shalt  }
0x75: {  	_ =	shalt  }
0x76: {  	_ =	shalt  }
0x77: {  	_ =	shalt  }
0x78: {  	_ =	shalt  }
0x79: {  	_ =	shalt  }
0x7a: {  	_ =	shalt  }
0x7b: {  	_ =	shalt  }
0x7c: {  	_ =	shalt  }
0x7d: {  	_ =	shalt  }
0x7e: {  	_ =	shalt  }
0x7f: {  	_ =	shalt  }
0x80: {  	_ =	shalt  }
0x81: {  	_ =	shalt  }
0x82: {  	_ =	shalt  }
0x83: {  	_ =	shalt  }
0x84: {  	_ =	shalt  }
0x85: {  	_ =	shalt  }
0x86: {  	_ =	shalt  }
0x87: {  	_ =	shalt  }
.Lfunc_end0:
.L_simem_size_0:
called_computation.2_lowered:
.L_overlay_start_0:
0x88: {  	s2 =	sld [smem:$0x3FD9]  }
0x89: {  	s3 =	sld [smem:$0x3FFE];
	_ =	sdelay $0x1  }
0x8a: {  	s1 =	srdreg.scid  }
0x8b: {  	s0 =	sand.u32 $0x1, s1  }
0x8c: {  	s17 =	sshll.u32 s0, $0xA;
	s2 =	sadd.s32 s3, s2  }
0x8d: {  	s2 =	sadd.s32 s2, s17  }
0x8e: {  	[smem:$0x3FC0] =	sst s2  }
0x8f: {  	_ = 	snop  }
0x90: {  	s2 =	sld [smem:$0x3FD0];
	(tm) =	ssettm $0x1  }
0x91: {  	s18 =	sld [smem:$0x3FFB];
	_ =	sdelay $0x3  }
0x92: {  	_ =	strace s18  }
0x93: {  	s3 =	sld [smem:$0x3FFC];
	_ =	sdelay $0x3  }
0x94: {  	_ =	strace s3  }
0x95: {  	s3 =	sld [smem:$0x3FFD];
	_ =	sdelay $0x3  }
0x96: {  	_ =	strace s3  }
0x97: {  	_ =	strace $0x8FFFFFFF  }
0x98: {  	s19 =	sld [smem:$0x3FDB];
	_ =	sdelay $0x1  }
0x99: {  	s4 =	simm.s32 $_scs_section_size  }
0x9a: {  	s5 =	simm.s32 $_size__tile_overlayer_lowered;
	s6 =	simm.s32 $_tile_overlayer_lowered  }
0x9b: {  	s22 =	simm.s32 $0x1BFF;
	s21 =	sshll.u32 s6, $0x1;
	s3 =	sadd.s32 s4, s19  }
0x9c: {  	s7 =	simm.s32 $0x0;
	s20 =	sshll.u32 s5, $0x1;
	s5 =	sadd.s32 s21, s3  }
0x9d: {  	[timem:s7], [sflag:s22] =	dma.local [hbm:s5], s20  }
0x9e: {  	_ =	swait.ge [sflag:s22], s20  }
0x9f: {  	s4 =	ssub.s32 $0x0, s20;
	[sflag:s22] =	ssyncset.done $0x0  }
0xa0: {  	[sflag:s22] =	ssyncadd.s32 s4;
	_ =	sdelay $0x1  }
0xa1: {  	s23 =	simm.s32 $0x1B8B  }
0xa2: {  	_ =	swait.ge [sflag:s23], $0x1  }
0xa3: {  	[sflag:s23] =	ssyncset.done $0x0  }
0xa4: {  	s25 =	simm.s32 $0x1B8E;
	s24 =	sld [smem:$0x3FFE];
	[sflag:s23] =	ssyncadd.s32 $0xFFFFFFFF  }
0xa5: {  	s26 =	simm.s32 $execute0_lowered;
	[smem:$0x3FD2] =	sst s25  }
0xa6: {  	s5 =	sshll.u32 s26, $0x1;
	_ =	strace $0x8000004C;
	[dreg:$0x1] =	wrdreg $0xFFFFFFFF  }
0xa7: {  	s28 =	simm.s32 $_size_execute0_lowered;
	s3 =	sadd.s32 s3, s5;
	[dreg:$0x0] =	wrdreg $0x0  }
0xa8: {  	s5 =	sshll.u32 s28, $0x1;
	[dreg:$0x2] =	wrdreg s3  }
0xa9: {  	[dreg:$0x3] =	wrdreg s5  }
0xaa: {  	[dreg:$0x4] =	wrdreg $0xC0  }
0xab: {  	_ =	task [dreg:s7], $0x5FFFF  }
0xac: {  	[dreg:$0x1] =	wrdreg $0xFFFFFFFF  }
0xad: {  	[dreg:$0x0] =	wrdreg $0x60  }
0xae: {  	[dreg:$0x2] =	wrdreg s24  }
0xaf: {  	[dreg:$0x3] =	wrdreg s2  }
0xb0: {  	[dreg:$0x4] =	wrdreg $0x9  }
0xb1: {  	_ =	task.clear_ibuf [dreg:s7], $0x5FFFF;
	_ =	strace $0x9000004C  }
0xb2: {  	s29 =	simm.s32 $0x9;
	_ =	strace $0x8000004E  }
0xb3: {  	_ =	swait.ge [sflag:s29], $0x1  }
0xb4: {  	[sflag:s29] =	ssyncadd.s32 $0xFFFFFFFF  }
0xb5: {  	_ =	strace $0x9000004E  }
0xb6: {  	_ =	sfence  }
0xb7: {  	s30 =	sld [smem:$0x0];
	_ =	sdelay $0x2  }
0xb8: {  	s31 =	sshll.u32 s1, $0xD;
	s1 =	sshrl.u32 s1, $0x2  }
0xb9: {  	s3 =	sand.u32 $0x4000, s31;
	s1 =	sadd.s32 s1, s30  }
0xba: {  	s0 =	sor.u32 s3, s0;
	s1 =	sshll.u32 s1, $0x11  }
0xbb: {  	s0 =	sor.u32 s1, s0  }
0xbc: {  	s0 =	sadd.s32 $0x8F2B, s0  }
0xbd: {  	[sflag:s0] =	ssyncadd.remote.s32 $0x1  }
0xbe: {  	_ =	sfence.sel $0xFFFF  }
0xbf: {  	[dreg:$0x0] =	wrdreg $0xFFFFFFFF;
	(pc) =	sbr.abs _section_cstart, $3  }
0xc0: {  	[dreg:$0x1] =	wrdreg $0xFFFFFFFF  }
0xc1: {  	_ =	task.clear_ibuf [dreg:s7], $0x2FFFF;
	_ =	strace $0x9FFFFFFF  }
0xc2: {  	(tm) =	ssettm $0x7FFFFFFF  }
0xc3: {  	_ =	shalt  }
tec
execute0_lowered:
.L_overlay_start_1:
0x0: {  	(tag) =	ssettag $0x1  }
0x1: {  	s0 =	srdreg.scid  }
0x2: {  	s2 =	stileid.u32;
	s0 =	sand.u32 $0x1, s0  }
0x3: {  	s1 =	rddreg [dreg:$0x0];
	s2 =	sshll.u32 s2, $0x7;
	s3 =	sshll.u32 s0, $0x6  }
0x4: {  	s4 =	rddreg [dreg:$0x1];
	s3 =	sor.u32 s3, s2;
	s2 =	simm.s32 $0x0  }
0x5: {  	s17 =	simm.s32 $0x40;
	[smem:$0x7FF] =	sst s2  }
0x6: {  	s18 =	simm.s32 $0x8880;
	_ =	strace $0x8000004D;
	[dreg:$0x9] =	wrdreg s17  }
0x7: {  	s19 =	simm.s32 $0x9080;
	[dreg:$0xa] =	wrdreg s18  }
0x8: {  	s20 =	simm.s32 $0x9880;
	[dreg:$0xb] =	wrdreg s19  }
0x9: {  	s21 =	simm.s32 $0xA080;
	[dreg:$0xc] =	wrdreg s20  }
0xa: {  	s22 =	simm.s32 $0xA880;
	[dreg:$0xd] =	wrdreg s21  }
0xb: {  	s23 =	simm.s32 $0xB080;
	[dreg:$0xe] =	wrdreg s22  }
0xc: {  	s24 =	simm.s32 $0xB880;
	s26 =	simm.s32 $0xC080;
	[dreg:$0xf] =	wrdreg s23  }
0xd: {  	s7 =	simm.s32 $0xD080;
	s8 =	simm.s32 $0xE080;
	[dreg:$0x10] =	wrdreg s24  }
0xe: {  	s9 =	simm.s32 $0xE880;
	s10 =	simm.s32 $0xF080;
	[dreg:$0x11] =	wrdreg s26  }
0xf: {  	s11 =	simm.s32 $0xF880;
	s12 =	simm.s32 $0x10880;
	[dreg:$0x13] =	wrdreg s7  }
0x10: {  	s13 =	simm.s32 $0x11080;
	s14 =	simm.s32 $0x11880;
	[dreg:$0x15] =	wrdreg s8  }
0x11: {  	s30 =	simm.s32 $0x4;
	s28 =	simm.s32 $0x7880;
	[dreg:$0x16] =	wrdreg s9  }
0x12: {  	s29 =	simm.s32 $0x8080;
	s0 =	ssub.s32 $0x2, s0;
	[dreg:$0x17] =	wrdreg s10  }
0x13: {  	s31 =	simm.s32 $0x10080;
	s25 =	sshrl.u32 s0, $0x1;
	[dreg:$0x18] =	wrdreg s11  }
0x14: {  	s5 =	sshrl.u32 s3, $0x3;
	s3 =	sshll.u32 s3, $0x7;
	[dreg:$0x19] =	wrdreg s12  }
0x15: {  	s0 =	ssub.s32 s0, s25;
	s25 =	simm.s32 $0x17080;
	[dreg:$0x1a] =	wrdreg s13  }
0x16: {  	s5 =	sadd.s32 s5, s1;
	s15 =	sadd.s32 s4, s3;
	[dreg:$0x1b] =	wrdreg s14  }
0x17: {  	s16 =	sadd.s32 s1, s3;
	s3 =	sor.u32 $0x1000, s3;
	[smem:$0x7FC] =	sst s25  }
0x18: {  	s7 =	simm.s32 $0xD880;
	s8 =	simm.s32 $0x7;
	[dreg:$0x5] =	wrdreg s15  }
0x19: {  	s9 =	simm.s32 $0x80;
	s17 =	simm.s32 $0x13080;
	[dreg:$0x6] =	wrdreg s16  }
0x1a: {  	s18 =	simm.s32 $0x13880;
	s19 =	simm.s32 $0x14080;
	[dreg:$0x14] =	wrdreg s7  }
0x1b: {  	s20 =	simm.s32 $0x14880;
	s21 =	simm.s32 $0x15080;
	[dreg:$0x1e] =	wrdreg s17  }
0x1c: {  	s22 =	simm.s32 $0x15880;
	s23 =	simm.s32 $0x16080;
	[dreg:$0x1f] =	wrdreg s18  }
0x1d: {  	s24 =	simm.s32 $0x16880;
	s26 =	simm.s32 $0x17880;
	[smem:$0x7F6] =	sst s19  }
0x1e: {  	s12 =	simm.s32 $0x880;
	s13 =	simm.s32 $0x1080;
	[smem:$0x7F7] =	sst s20  }
0x1f: {  	s14 =	simm.s32 $0x1880;
	s25 =	simm.s32 $0x7080;
	[smem:$0x7F8] =	sst s21  }
0x20: {  	s6 =	sadd.s32 $0x180200, s5;
	s5 =	sadd.s32 $0x180000, s5;
	[smem:$0x7F9] =	sst s22  }
0x21: {  	s4 =	sadd.s32 s4, s3;
	s3 =	sadd.s32 s1, s3;
	[smem:$0x7FA] =	sst s23  }
0x22: {  	s7 =	smax.u32 s0, $0x1;
	s15 =	simm.s32 $0x12080;
	[smem:$0x7FB] =	sst s24  }
0x23: {  	s16 =	simm.s32 $0x12880;
	[smem:$0x7FD] =	sst s26;
	s26 =	simm.s32 $0x1  }
0x24: {  	s0 =	simm.s32 $0x6;
	s17 =	simm.s32 $0x3080;
	s18 =	simm.s32 $0x3880  }
0x25: {  	s19 =	simm.s32 $0x4080;
	s20 =	simm.s32 $0x4880;
	[dreg:$0x3] =	wrdreg s6  }
0x26: {  	s21 =	simm.s32 $0x5080;
	s22 =	simm.s32 $0x5880;
	[dreg:$0x4] =	wrdreg s5  }
0x27: {  	s23 =	simm.s32 $0x6080;
	s24 =	simm.s32 $0x6880;
	[dreg:$0x7] =	wrdreg s4  }
0x28: {  	[dreg:$0x8] =	wrdreg s3;
	s3 =	sadd.s32 $0x180400, s1;
	s6 =	simm.s32 $0xC880  }
0x29: {  	v2 =	vlaneseq.u32;
	s4 =	sadd.s32 $0x180500, s1;
	s5 =	sadd.s32 $0x180600, s1;
	[dreg:$0x1c] =	wrdreg s15  }
0x2a: {  	vm0 =	vmmov $0xffff;
	v1 =	vshrl.u32 v2, $0x3;
	[dreg:$0x1d] =	wrdreg s16;
	s15 =	simm.s32 $0x2080;
	s16 =	simm.s32 $0x2880  }
0x2b: {  	v0 =	vand.u32 $0x7, v2;
	v2 =	vor.u32 $0x8, v2;
	v1 =	vmul.u32 $0x8, v1;
	[dreg:$0x12] =	wrdreg s6;
	s6 =	sadd.s32 $0x180700, s1;
	s1 =	simm.s32 $0x5  }
.LBB2_1:
0x2c: {  	s10 =	rddreg [dreg:$0x3]  }
0x2d: {  	[tilespmem:s2], [sflag:$0x7] =	stream.linear.gather [hbm4b:s10+s2], $0x40, $0x38;
	[tilespmem:$0x18080] =	vst v63  }
0x2e: {  	_ =	swait.ge [sflag:s8], $0x40  }
0x2f: {  	s10 =	rddreg [dreg:$0x4];
	[sflag:s8] =	ssyncset.done $0x0  }
0x30: {  	s11 =	rddreg [dreg:$0x9];
	[sflag:s8] =	ssyncadd.s32 $0xFFFFFFC0  }
0x31: {  	[tilespmem:s11], [sflag:$0x7] =	stream.linear.gather [hbm4b:s10+s2], $0x40, $0x38;
	[tilespmem:$0x18080] =	vst v63  }
0x32: {  	_ =	swait.ge [sflag:s8], $0x40  }
0x33: {  	[sflag:s8] =	ssyncset.done $0x0  }
0x34: {  	[sflag:s8] =	ssyncadd.s32 $0xFFFFFFC0  }
0x35: {  	v3 =	vld [tilespmem:$0x0];
	_ =	sdelay $0x4  }
0x36: {  	v4 =	vshll.u32 v3, $0x3  }
0x37: {  	v3 =	vand.u32 $0x7, v3;
	v4 =	vand.u32 $0xFFFFFFC0, v4  }
0x38: {  	v3 =	vor.u32 v3, v4  }
0x39: {  	v4 =	vperm.xlane v3, v0;
	_ =	sdelay $0x1  }
0x3a: {  	v4 =	vadd.s32 v1, v4;
	_ =	sdelay $0x4  }
0x3b: {  	[tilespmem:s9], [sflag:$0x1] =	stream.indirect_vreg.gather [hbm4b:s3+s2], $0x80, v4, vm0, $0xb8;
	[tilespmem:$0x18080] =	vst v63  }
0x3c: {  	v3 =	vperm.xlane v3, v2  }
0x3d: {  	[tilespmem:s12], [sflag:$0x1] =	stream.indirect_vreg.gather [hbm4b:s4+s2], $0x80, v4, vm0, $0xb8;
	[tilespmem:$0x18080] =	vst v63  }
0x3e: {  	v3 =	vadd.s32 v1, v3  }
0x3f: {  	[tilespmem:s13], [sflag:$0x1] =	stream.indirect_vreg.gather [hbm4b:s5+s2], $0x80, v4, vm0, $0xb8;
	[tilespmem:$0x18080] =	vst v63  }
0x40: {  	_ = 	snop  }
0x41: {  	[tilespmem:s14], [sflag:$0x1] =	stream.indirect_vreg.gather [hbm4b:s6+s2], $0x80, v4, vm0, $0xb8;
	[tilespmem:$0x18080] =	vst v63  }
0x42: {  	_ = 	snop  }
0x43: {  	[tilespmem:s15], [sflag:$0x1] =	stream.indirect_vreg.gather [hbm4b:s3+s2], $0x80, v3, vm0, $0xb8;
	[tilespmem:$0x18080] =	vst v63  }
0x44: {  	_ = 	snop  }
0x45: {  	[tilespmem:s16], [sflag:$0x1] =	stream.indirect_vreg.gather [hbm4b:s4+s2], $0x80, v3, vm0, $0xb8;
	[tilespmem:$0x18080] =	vst v63  }
0x46: {  	_ = 	snop  }
0x47: {  	[tilespmem:s17], [sflag:$0x1] =	stream.indirect_vreg.gather [hbm4b:s5+s2], $0x80, v3, vm0, $0xb8;
	[tilespmem:$0x18080] =	vst v63  }
0x48: {  	_ = 	snop  }
0x49: {  	[tilespmem:s18], [sflag:$0x1] =	stream.indirect_vreg.gather [hbm4b:s6+s2], $0x80, v3, vm0, $0xb8;
	[tilespmem:$0x18080] =	vst v63  }
0x4a: {  	v3 =	vld [tilespmem:$0x10];
	_ =	sdelay $0x4  }
0x4b: {  	v57 =	vshll.u32 v3, $0x3  }
0x4c: {  	v3 =	vand.u32 $0x7, v3;
	v4 =	vand.u32 $0xFFFFFFC0, v57  }
0x4d: {  	v3 =	vor.u32 v3, v4  }
0x4e: {  	v4 =	vperm.xlane v3, v0;
	_ =	sdelay $0x1  }
0x4f: {  	v4 =	vadd.s32 v1, v4;
	_ =	sdelay $0x4  }
0x50: {  	[tilespmem:s19], [sflag:$0x1] =	stream.indirect_vreg.gather [hbm4b:s3+s2], $0x80, v4, vm0, $0xb8;
	[tilespmem:$0x18080] =	vst v63  }
0x51: {  	v3 =	vperm.xlane v3, v2  }
0x52: {  	[tilespmem:s20], [sflag:$0x1] =	stream.indirect_vreg.gather [hbm4b:s4+s2], $0x80, v4, vm0, $0xb8;
	[tilespmem:$0x18080] =	vst v63  }
0x53: {  	v3 =	vadd.s32 v1, v3  }
0x54: {  	[tilespmem:s21], [sflag:$0x1] =	stream.indirect_vreg.gather [hbm4b:s5+s2], $0x80, v4, vm0, $0xb8;
	[tilespmem:$0x18080] =	vst v63  }
0x55: {  	_ = 	snop  }
0x56: {  	[tilespmem:s22], [sflag:$0x1] =	stream.indirect_vreg.gather [hbm4b:s6+s2], $0x80, v4, vm0, $0xb8;
	[tilespmem:$0x18080] =	vst v63  }
0x57: {  	_ = 	snop  }
0x58: {  	[tilespmem:s23], [sflag:$0x1] =	stream.indirect_vreg.gather [hbm4b:s3+s2], $0x80, v3, vm0, $0xb8;
	[tilespmem:$0x18080] =	vst v63  }
0x59: {  	_ = 	snop  }
0x5a: {  	[tilespmem:s24], [sflag:$0x1] =	stream.indirect_vreg.gather [hbm4b:s4+s2], $0x80, v3, vm0, $0xb8;
	[tilespmem:$0x18080] =	vst v63  }
0x5b: {  	_ = 	snop  }
0x5c: {  	[tilespmem:s25], [sflag:$0x1] =	stream.indirect_vreg.gather [hbm4b:s5+s2], $0x80, v3, vm0, $0xb8;
	[tilespmem:$0x18080] =	vst v63  }
0x5d: {  	_ = 	snop  }
0x5e: {  	[tilespmem:s28], [sflag:$0x1] =	stream.indirect_vreg.gather [hbm4b:s6+s2], $0x80, v3, vm0, $0xb8;
	[tilespmem:$0x18080] =	vst v63  }
0x5f: {  	v3 =	vld [tilespmem:$0x40];
	_ =	sdelay $0x4  }
0x60: {  	v58 =	vshll.u32 v3, $0x3  }
0x61: {  	v3 =	vand.u32 $0x7, v3;
	v4 =	vand.u32 $0xFFFFFFC0, v58  }
0x62: {  	v3 =	vor.u32 v3, v4  }
0x63: {  	v4 =	vperm.xlane v3, v0;
	_ =	sdelay $0x1  }
0x64: {  	v4 =	vadd.s32 v1, v4;
	_ =	sdelay $0x4  }
0x65: {  	[tilespmem:s29], [sflag:$0x2] =	stream.indirect_vreg.gather [hbm4b:s3+s2], $0x80, v4, vm0, $0xb8;
	[tilespmem:$0x18080] =	vst v63  }
0x66: {  	s10 =	rddreg [dreg:$0xa];
	v3 =	vperm.xlane v3, v2  }
0x67: {  	[tilespmem:s10], [sflag:$0x2] =	stream.indirect_vreg.gather [hbm4b:s4+s2], $0x80, v4, vm0, $0xb8;
	[tilespmem:$0x18080] =	vst v63  }
0x68: {  	s11 =	rddreg [dreg:$0xb];
	v3 =	vadd.s32 v1, v3  }
0x69: {  	[tilespmem:s11], [sflag:$0x2] =	stream.indirect_vreg.gather [hbm4b:s5+s2], $0x80, v4, vm0, $0xb8;
	[tilespmem:$0x18080] =	vst v63  }
0x6a: {  	s10 =	rddreg [dreg:$0xc]  }
0x6b: {  	[tilespmem:s10], [sflag:$0x2] =	stream.indirect_vreg.gather [hbm4b:s6+s2], $0x80, v4, vm0, $0xb8;
	[tilespmem:$0x18080] =	vst v63  }
0x6c: {  	s11 =	rddreg [dreg:$0xd]  }
0x6d: {  	[tilespmem:s11], [sflag:$0x2] =	stream.indirect_vreg.gather [hbm4b:s3+s2], $0x80, v3, vm0, $0xb8;
	[tilespmem:$0x18080] =	vst v63  }
0x6e: {  	s10 =	rddreg [dreg:$0xe]  }
0x6f: {  	[tilespmem:s10], [sflag:$0x2] =	stream.indirect_vreg.gather [hbm4b:s4+s2], $0x80, v3, vm0, $0xb8;
	[tilespmem:$0x18080] =	vst v63  }
0x70: {  	s11 =	rddreg [dreg:$0xf]  }
0x71: {  	[tilespmem:s11], [sflag:$0x2] =	stream.indirect_vreg.gather [hbm4b:s5+s2], $0x80, v3, vm0, $0xb8;
	[tilespmem:$0x18080] =	vst v63  }
0x72: {  	s10 =	rddreg [dreg:$0x10]  }
0x73: {  	[tilespmem:s10], [sflag:$0x2] =	stream.indirect_vreg.gather [hbm4b:s6+s2], $0x80, v3, vm0, $0xb8;
	[tilespmem:$0x18080] =	vst v63  }
0x74: {  	v3 =	vld [tilespmem:$0x50];
	_ =	sdelay $0x4  }
0x75: {  	v59 =	vshll.u32 v3, $0x3  }
0x76: {  	v3 =	vand.u32 $0x7, v3;
	v4 =	vand.u32 $0xFFFFFFC0, v59  }
0x77: {  	v3 =	vor.u32 v3, v4  }
0x78: {  	v4 =	vperm.xlane v3, v0;
	_ =	sdelay $0x1  }
0x79: {  	v4 =	vadd.s32 v1, v4;
	_ =	sdelay $0x3  }
0x7a: {  	s10 =	rddreg [dreg:$0x11]  }
0x7b: {  	[tilespmem:s10], [sflag:$0x2] =	stream.indirect_vreg.gather [hbm4b:s3+s2], $0x80, v4, vm0, $0xb8;
	[tilespmem:$0x18080] =	vst v63  }
0x7c: {  	s11 =	rddreg [dreg:$0x12];
	v3 =	vperm.xlane v3, v2  }
0x7d: {  	[tilespmem:s11], [sflag:$0x2] =	stream.indirect_vreg.gather [hbm4b:s4+s2], $0x80, v4, vm0, $0xb8;
	[tilespmem:$0x18080] =	vst v63  }
0x7e: {  	v3 =	vadd.s32 v1, v3;
	s10 =	rddreg [dreg:$0x13]  }
0x7f: {  	[tilespmem:s10], [sflag:$0x2] =	stream.indirect_vreg.gather [hbm4b:s5+s2], $0x80, v4, vm0, $0xb8;
	[tilespmem:$0x18080] =	vst v63  }
0x80: {  	s11 =	rddreg [dreg:$0x14]  }
0x81: {  	[tilespmem:s11], [sflag:$0x2] =	stream.indirect_vreg.gather [hbm4b:s6+s2], $0x80, v4, vm0, $0xb8;
	[tilespmem:$0x18080] =	vst v63  }
0x82: {  	s10 =	rddreg [dreg:$0x15]  }
0x83: {  	[tilespmem:s10], [sflag:$0x2] =	stream.indirect_vreg.gather [hbm4b:s3+s2], $0x80, v3, vm0, $0xb8;
	[tilespmem:$0x18080] =	vst v63  }
0x84: {  	s11 =	rddreg [dreg:$0x16]  }
0x85: {  	[tilespmem:s11], [sflag:$0x2] =	stream.indirect_vreg.gather [hbm4b:s4+s2], $0x80, v3, vm0, $0xb8;
	[tilespmem:$0x18080] =	vst v63  }
0x86: {  	s10 =	rddreg [dreg:$0x17]  }
0x87: {  	[tilespmem:s10], [sflag:$0x2] =	stream.indirect_vreg.gather [hbm4b:s5+s2], $0x80, v3, vm0, $0xb8;
	[tilespmem:$0x18080] =	vst v63  }
0x88: {  	s11 =	rddreg [dreg:$0x18]  }
0x89: {  	[tilespmem:s11], [sflag:$0x2] =	stream.indirect_vreg.gather [hbm4b:s6+s2], $0x80, v3, vm0, $0xb8;
	[tilespmem:$0x18080] =	vst v63  }
0x8a: {  	_ =	swait.ge [sflag:s26], $0x8000  }
0x8b: {  	[sflag:s26] =	ssyncset.done $0x0  }
0x8c: {  	s11 =	rddreg [dreg:$0x5];
	[sflag:s26] =	ssyncadd.s32 $0xFFFF8000  }
0x8d: {  	[hbm4b:s11+s2] =	stream.linear.scatter [tilespmem:s9], [sflag:$0x4], $0x8000, $0x38;
	[tilespmem:$0x18080] =	vst v63  }
0x8e: {  	v3 =	vld [tilespmem:$0x20];
	_ =	sdelay $0x4  }
0x8f: {  	v60 =	vshll.u32 v3, $0x3  }
0x90: {  	v3 =	vand.u32 $0x7, v3;
	v4 =	vand.u32 $0xFFFFFFC0, v60  }
0x91: {  	v3 =	vor.u32 v3, v4  }
0x92: {  	v4 =	vperm.xlane v3, v0;
	_ =	sdelay $0x1  }
0x93: {  	v4 =	vadd.s32 v1, v4;
	_ =	sdelay $0x4  }
0x94: {  	[tilespmem:s31], [sflag:$0x3] =	stream.indirect_vreg.gather [hbm4b:s3+s2], $0x80, v4, vm0, $0xb8;
	[tilespmem:$0x18080] =	vst v63  }
0x95: {  	s10 =	rddreg [dreg:$0x19];
	v3 =	vperm.xlane v3, v2  }
0x96: {  	[tilespmem:s10], [sflag:$0x3] =	stream.indirect_vreg.gather [hbm4b:s4+s2], $0x80, v4, vm0, $0xb8;
	[tilespmem:$0x18080] =	vst v63  }
0x97: {  	s11 =	rddreg [dreg:$0x1a];
	v3 =	vadd.s32 v1, v3  }
0x98: {  	[tilespmem:s11], [sflag:$0x3] =	stream.indirect_vreg.gather [hbm4b:s5+s2], $0x80, v4, vm0, $0xb8;
	[tilespmem:$0x18080] =	vst v63  }
0x99: {  	s10 =	rddreg [dreg:$0x1b]  }
0x9a: {  	[tilespmem:s10], [sflag:$0x3] =	stream.indirect_vreg.gather [hbm4b:s6+s2], $0x80, v4, vm0, $0xb8;
	[tilespmem:$0x18080] =	vst v63  }
0x9b: {  	s11 =	rddreg [dreg:$0x1c]  }
0x9c: {  	[tilespmem:s11], [sflag:$0x3] =	stream.indirect_vreg.gather [hbm4b:s3+s2], $0x80, v3, vm0, $0xb8;
	[tilespmem:$0x18080] =	vst v63  }
0x9d: {  	s10 =	rddreg [dreg:$0x1d]  }
0x9e: {  	[tilespmem:s10], [sflag:$0x3] =	stream.indirect_vreg.gather [hbm4b:s4+s2], $0x80, v3, vm0, $0xb8;
	[tilespmem:$0x18080] =	vst v63  }
0x9f: {  	s11 =	rddreg [dreg:$0x1e]  }
0xa0: {  	[tilespmem:s11], [sflag:$0x3] =	stream.indirect_vreg.gather [hbm4b:s5+s2], $0x80, v3, vm0, $0xb8;
	[tilespmem:$0x18080] =	vst v63  }
0xa1: {  	s10 =	rddreg [dreg:$0x1f]  }
0xa2: {  	[tilespmem:s10], [sflag:$0x3] =	stream.indirect_vreg.gather [hbm4b:s6+s2], $0x80, v3, vm0, $0xb8;
	[tilespmem:$0x18080] =	vst v63  }
0xa3: {  	v3 =	vld [tilespmem:$0x30];
	_ =	sdelay $0x4  }
0xa4: {  	v61 =	vshll.u32 v3, $0x3  }
0xa5: {  	v3 =	vand.u32 $0x7, v3;
	v4 =	vand.u32 $0xFFFFFFC0, v61  }
0xa6: {  	v3 =	vor.u32 v3, v4  }
0xa7: {  	v4 =	vperm.xlane v3, v0;
	_ =	sdelay $0x1  }
0xa8: {  	v4 =	vadd.s32 v1, v4;
	_ =	sdelay $0x1  }
0xa9: {  	s10 =	sld [smem:$0x7F6];
	_ =	sdelay $0x1  }
0xaa: {  	s11 =	sld [smem:$0x7F7]  }
0xab: {  	[tilespmem:s10], [sflag:$0x3] =	stream.indirect_vreg.gather [hbm4b:s3+s2], $0x80, v4, vm0, $0xb8;
	[tilespmem:$0x18080] =	vst v63  }
0xac: {  	v3 =	vperm.xlane v3, v2;
	s10 =	sld [smem:$0x7F8]  }
0xad: {  	[tilespmem:s11], [sflag:$0x3] =	stream.indirect_vreg.gather [hbm4b:s4+s2], $0x80, v4, vm0, $0xb8;
	[tilespmem:$0x18080] =	vst v63  }
0xae: {  	v3 =	vadd.s32 v1, v3;
	s11 =	sld [smem:$0x7F9]  }
0xaf: {  	[tilespmem:s10], [sflag:$0x3] =	stream.indirect_vreg.gather [hbm4b:s5+s2], $0x80, v4, vm0, $0xb8;
	[tilespmem:$0x18080] =	vst v63  }
0xb0: {  	s10 =	sld [smem:$0x7FA]  }
0xb1: {  	[tilespmem:s11], [sflag:$0x3] =	stream.indirect_vreg.gather [hbm4b:s6+s2], $0x80, v4, vm0, $0xb8;
	[tilespmem:$0x18080] =	vst v63  }
0xb2: {  	s11 =	sld [smem:$0x7FB]  }
0xb3: {  	[tilespmem:s10], [sflag:$0x3] =	stream.indirect_vreg.gather [hbm4b:s3+s2], $0x80, v3, vm0, $0xb8;
	[tilespmem:$0x18080] =	vst v63  }
0xb4: {  	s10 =	sld [smem:$0x7FC]  }
0xb5: {  	[tilespmem:s11], [sflag:$0x3] =	stream.indirect_vreg.gather [hbm4b:s4+s2], $0x80, v3, vm0, $0xb8;
	[tilespmem:$0x18080] =	vst v63  }
0xb6: {  	s11 =	sld [smem:$0x7FD]  }
0xb7: {  	[tilespmem:s10], [sflag:$0x3] =	stream.indirect_vreg.gather [hbm4b:s5+s2], $0x80, v3, vm0, $0xb8;
	[tilespmem:$0x18080] =	vst v63  }
0xb8: {  	_ = 	snop  }
0xb9: {  	[tilespmem:s11], [sflag:$0x3] =	stream.indirect_vreg.gather [hbm4b:s6+s2], $0x80, v3, vm0, $0xb8;
	[tilespmem:$0x18080] =	vst v63  }
0xba: {  	s11 =	simm.s32 $0x2  }
0xbb: {  	_ =	swait.ge [sflag:s11], $0x8000  }
0xbc: {  	[sflag:s11] =	ssyncset.done $0x0  }
0xbd: {  	s10 =	rddreg [dreg:$0x6];
	[sflag:s11] =	ssyncadd.s32 $0xFFFF8000  }
0xbe: {  	[hbm4b:s10+s2] =	stream.linear.scatter [tilespmem:s29], [sflag:$0x5], $0x8000, $0x38;
	[tilespmem:$0x18080] =	vst v63  }
0xbf: {  	_ =	swait.ge [sflag:s30], $0x8000  }
0xc0: {  	[sflag:s30] =	ssyncset.done $0x0  }
0xc1: {  	[sflag:s30] =	ssyncadd.s32 $0xFFFF8000  }
0xc2: {  	v3 =	vld [tilespmem:$0x60];
	_ =	sdelay $0x4  }
0xc3: {  	v62 =	vshll.u32 v3, $0x3  }
0xc4: {  	v3 =	vand.u32 $0x7, v3;
	v4 =	vand.u32 $0xFFFFFFC0, v62  }
0xc5: {  	v3 =	vor.u32 v3, v4  }
0xc6: {  	v4 =	vperm.xlane v3, v0;
	_ =	sdelay $0x1  }
0xc7: {  	v4 =	vadd.s32 v1, v4;
	_ =	sdelay $0x4  }
0xc8: {  	[tilespmem:s9], [sflag:$0x1] =	stream.indirect_vreg.gather [hbm4b:s3+s2], $0x80, v4, vm0, $0xb8;
	[tilespmem:$0x18080] =	vst v63  }
0xc9: {  	v3 =	vperm.xlane v3, v2  }
0xca: {  	[tilespmem:s12], [sflag:$0x1] =	stream.indirect_vreg.gather [hbm4b:s4+s2], $0x80, v4, vm0, $0xb8;
	[tilespmem:$0x18080] =	vst v63  }
0xcb: {  	v3 =	vadd.s32 v1, v3  }
0xcc: {  	[tilespmem:s13], [sflag:$0x1] =	stream.indirect_vreg.gather [hbm4b:s5+s2], $0x80, v4, vm0, $0xb8;
	[tilespmem:$0x18080] =	vst v63  }
0xcd: {  	_ = 	snop  }
0xce: {  	[tilespmem:s14], [sflag:$0x1] =	stream.indirect_vreg.gather [hbm4b:s6+s2], $0x80, v4, vm0, $0xb8;
	[tilespmem:$0x18080] =	vst v63  }
0xcf: {  	_ = 	snop  }
0xd0: {  	[tilespmem:s15], [sflag:$0x1] =	stream.indirect_vreg.gather [hbm4b:s3+s2], $0x80, v3, vm0, $0xb8;
	[tilespmem:$0x18080] =	vst v63  }
0xd1: {  	_ = 	snop  }
0xd2: {  	[tilespmem:s16], [sflag:$0x1] =	stream.indirect_vreg.gather [hbm4b:s4+s2], $0x80, v3, vm0, $0xb8;
	[tilespmem:$0x18080] =	vst v63  }
0xd3: {  	_ = 	snop  }
0xd4: {  	[tilespmem:s17], [sflag:$0x1] =	stream.indirect_vreg.gather [hbm4b:s5+s2], $0x80, v3, vm0, $0xb8;
	[tilespmem:$0x18080] =	vst v63  }
0xd5: {  	_ = 	snop  }
0xd6: {  	[tilespmem:s18], [sflag:$0x1] =	stream.indirect_vreg.gather [hbm4b:s6+s2], $0x80, v3, vm0, $0xb8;
	[tilespmem:$0x18080] =	vst v63  }
0xd7: {  	v3 =	vld [tilespmem:$0x70];
	_ =	sdelay $0x4  }
0xd8: {  	v63 =	vshll.u32 v3, $0x3  }
0xd9: {  	v3 =	vand.u32 $0x7, v3;
	v4 =	vand.u32 $0xFFFFFFC0, v63  }
0xda: {  	v3 =	vor.u32 v3, v4  }
0xdb: {  	v4 =	vperm.xlane v3, v0;
	_ =	sdelay $0x1  }
0xdc: {  	v4 =	vadd.s32 v1, v4;
	_ =	sdelay $0x4  }
0xdd: {  	[tilespmem:s19], [sflag:$0x1] =	stream.indirect_vreg.gather [hbm4b:s3+s2], $0x80, v4, vm0, $0xb8;
	[tilespmem:$0x18080] =	vst v63  }
0xde: {  	v3 =	vperm.xlane v3, v2  }
0xdf: {  	[tilespmem:s20], [sflag:$0x1] =	stream.indirect_vreg.gather [hbm4b:s4+s2], $0x80, v4, vm0, $0xb8;
	[tilespmem:$0x18080] =	vst v63  }
0xe0: {  	v3 =	vadd.s32 v1, v3  }
0xe1: {  	[tilespmem:s21], [sflag:$0x1] =	stream.indirect_vreg.gather [hbm4b:s5+s2], $0x80, v4, vm0, $0xb8;
	[tilespmem:$0x18080] =	vst v63  }
0xe2: {  	_ = 	snop  }
0xe3: {  	[tilespmem:s22], [sflag:$0x1] =	stream.indirect_vreg.gather [hbm4b:s6+s2], $0x80, v4, vm0, $0xb8;
	[tilespmem:$0x18080] =	vst v63  }
0xe4: {  	_ = 	snop  }
0xe5: {  	[tilespmem:s23], [sflag:$0x1] =	stream.indirect_vreg.gather [hbm4b:s3+s2], $0x80, v3, vm0, $0xb8;
	[tilespmem:$0x18080] =	vst v63  }
0xe6: {  	_ = 	snop  }
0xe7: {  	[tilespmem:s24], [sflag:$0x1] =	stream.indirect_vreg.gather [hbm4b:s4+s2], $0x80, v3, vm0, $0xb8;
	[tilespmem:$0x18080] =	vst v63  }
0xe8: {  	_ = 	snop  }
0xe9: {  	[tilespmem:s25], [sflag:$0x1] =	stream.indirect_vreg.gather [hbm4b:s5+s2], $0x80, v3, vm0, $0xb8;
	[tilespmem:$0x18080] =	vst v63  }
0xea: {  	s11 =	simm.s32 $0x3  }
0xeb: {  	[tilespmem:s28], [sflag:$0x1] =	stream.indirect_vreg.gather [hbm4b:s6+s2], $0x80, v3, vm0, $0xb8;
	[tilespmem:$0x18080] =	vst v63  }
0xec: {  	_ =	swait.ge [sflag:s11], $0x8000  }
0xed: {  	[sflag:s11] =	ssyncset.done $0x0  }
0xee: {  	s10 =	rddreg [dreg:$0x7];
	[sflag:s11] =	ssyncadd.s32 $0xFFFF8000  }
0xef: {  	[hbm4b:s10+s2] =	stream.linear.scatter [tilespmem:s31], [sflag:$0x6], $0x8000, $0x38;
	[tilespmem:$0x18080] =	vst v63  }
0xf0: {  	_ =	swait.ge [sflag:s26], $0x8000  }
0xf1: {  	[sflag:s26] =	ssyncset.done $0x0  }
0xf2: {  	s11 =	rddreg [dreg:$0x8];
	[sflag:s26] =	ssyncadd.s32 $0xFFFF8000  }
0xf3: {  	[hbm4b:s11+s2] =	stream.linear.scatter [tilespmem:s9], [sflag:$0x4], $0x8000, $0x38;
	[tilespmem:$0x18080] =	vst v63  }
0xf4: {  	_ =	swait.ge [sflag:s1], $0x8000  }
0xf5: {  	[sflag:s1] =	ssyncset.done $0x0  }
0xf6: {  	[sflag:s1] =	ssyncadd.s32 $0xFFFF8000  }
0xf7: {  	p0 =	sne.s32 s7, $0x1;
	_ =	swait.ge [sflag:s0], $0x8000  }
.Ltmp0:
0xf8: {  	[sflag:s0] =	ssyncset.done $0x0;
	(pc) =	sbr.rel @p0 .LBB2_1-.Ltmp0, $4  }
0xf9: {  	[sflag:s0] =	ssyncadd.s32 $0xFFFF8000  }
0xfa: {  	_ =	swait.ge [sflag:s30], $0x8000  }
0xfb: {  	[sflag:s30] =	ssyncset.done $0x0  }
0xfc: {  	s7 =	sadd.s32 $0xFFFFFFFF, s7;
	[sflag:s30] =	ssyncadd.s32 $0xFFFF8000  }
0xfd: {  	_ =	sfence.sel $0x180000  }
0xfe: {  	[bflag:$0x0] =	sbarrier.arrive $0xFFFF  }
0xff: {  	_ =	strace $0x9000004D  }
0x100: {  	s0 =	stileid.u32;
	[bflag:$0x2] =	sbarrier.arrive $0xFFFF  }
0x101: {  	p0 =	sne.s32 s0, $0x0;
	s0 =	rddreg [dreg:$0x2]  }
0x102: {  	s0 =	sadd.s32 @!p0 $0x100000, s0  }
0x103: {  	[sflag:s0] =	ssyncadd.tile.s32 @!p0 $0x1;
	_ =	shalt  }
.Lfunc_end2:
_tile_overlayer_lowered:
.L_overlay_start_2:
0x104: {  	(tag) =	ssettag $0x2  }
0x105: {  	s0 =	rddreg [dreg:$0x0];
	s2 =	stileid.u32  }
0x106: {  	s1 =	rddreg [dreg:$0x1];
	p0 =	sne.s32 s2, $0x0  }
0x107: {  	s3 =	rddreg [dreg:$0x2];
	[bflag:$0x3] =	sbarrier.arrive $0xFFFF;
	s2 =	simm.s32 @!p0 $0x1C07  }
0x108: {  	[timem:s3], [sflag:s2] =	dma.local @!p0 [hbm:s0], s1  }
0x109: {  	s0 =	simm.s32 @!p0 $0x7  }
0x10a: {  	_ =	swait.ge @!p0 [sflag:s0], s1  }
0x10b: {  	s1 =	ssub.s32 @!p0 $0x0, s1;
	[sflag:s0] =	ssyncset.done @!p0 $0x0  }
0x10c: {  	[sflag:s0] =	ssyncadd.s32 @!p0 s1  }
0x10d: {  	[bflag:$0x3] =	sbarrier.arrive $0xFFFF  }
0x10e: {  	_ =	shalt  }

// kernel: kernel.8.cloned.1.call-start
scs
__scs_entry_jumppad:
0x0: {  	(pc) =	sbr.rel $0x88, $3  }
0x1: {  	(tag) =	ssettag $0x0;
	lr =	simm.s32 $0x1  }
0x2: {  	[smem:$0x3F99] =	sst lr;
	_ =	strace $0xD0000000  }
0x3: {  	_ = 	snop  }
0x4: {  	_ = 	snop  }
0x5: {  	_ = 	snop  }
0x6: {  	_ = 	snop  }
0x7: {  	_ = 	snop  }
__scs_overlays_trampoline_lowered:
0x8: {  	[smem:$0x3FA8] =	sst s0  }
0x9: {  	[smem:$0x3FA9] =	sst s1  }
0xa: {  	[smem:$0x3FAA] =	sst s2  }
0xb: {  	[smem:$0x3FAB] =	sst s3  }
0xc: {  	[smem:$0x3FAC] =	sst s4  }
0xd: {  	[smem:$0x3FAD] =	sst s5  }
0xe: {  	[smem:$0x3FAE] =	sst s6  }
0xf: {  	[smem:$0x3FAF] =	sst s7  }
0x10: {  	[smem:$0x3FB0] =	sst s8  }
0x11: {  	[smem:$0x3FB1] =	sst s9;
	s0 =	simm.s32 @!p0 $0x0  }
0x12: {  	s1 =	sld [smem:$0x3F97];
	s0 =	simm.s32 @p0 $0x1  }
0x13: {  	[smem:$0x3FB2] =	sst s0;
	s0 =	simm.s32 @!p1 $0x0  }
0x14: {  	s2 =	sld [smem:$0x3F96];
	s0 =	simm.s32 @p1 $0x1  }
0x15: {  	[smem:$0x3FB3] =	sst s0;
	s0 =	simm.s32 @!p2 $0x0  }
0x16: {  	s3 =	sld [smem:$0x3FDB];
	s0 =	simm.s32 @p2 $0x1  }
0x17: {  	s4 =	simm.s32 $0x1BF5;
	[smem:$0x3FB5] =	sst s0  }
0x18: {  	s0 =	sld [smem:$0x3F98];
	_ =	swait.ge [sflag:s4], $0x0  }
0x19: {  	s7 =	sld [smem:$0x3F99]  }
0x1a: {  	s8 =	sadd.s32 $0xFFFFE003, lr  }
0x1b: {  	s9 =	sadd.s32 $0xFFFFFEF7, lr;
	s5 =	simm.s32 $0xFFFFFFFF;
	p2 =	slt.u32 s8, $0xFFFFF086  }
0x1c: {  	p1 =	slt.u32 s9, $0xF7A;
	s5 =	simm.s32 @!p2 $0x0  }
0x1d: {  	s5 =	simm.s32 @p1 $0x1;
	p0 =	seq.s32 s7, s2  }
0x1e: {  	s7 =	smul.u32 @!p0 $0xF7A, s2;
	p2 =	seq.s32 @!p0 s5, $0x0  }
0x1f: {  	s9 =	smul.u32 $0xF7A, s1;
	s8 =	simm.s32 @!p0 $0x1BF5;
	p2 =	por !p2, p0  }
0x20: {  	[sflag:s8] =	ssyncset.s32 @!p0 $0xFFFFF086;
	s6 =	sadd.s32 @!p0 s3, s7;
	s7 =	simm.s32 @!p0 $0x108  }
0x21: {  	s3 =	sadd.s32 s3, s9;
	s6 =	sadd.s32 @!p0 $0x88, s6;
	s7 =	simm.s32 @p2 $0x1082  }
0x22: {  	[simem:s7], [sflag:s8] =	dma.local @!p0 [hbm:s6], $0xF7A  }
0x23: {  	s9 =	sor.u32 $0xD0000000, s2;
	s6 =	simm.s32 $0x108;
	_ =	swait.ge @!p0 [sflag:s8], $0x0  }
0x24: {  	s3 =	sadd.s32 $0x88, s3;
	s6 =	simm.s32 @!p1 $0x1082;
	[sflag:s4] =	ssyncset.s32 $0xFFFFF086  }
0x25: {  	[simem:s6], [sflag:s4] =	dma.local [hbm:s3], $0xF7A  }
0x26: {  	[smem:$0x3F99] =	sst s1;
	(tag) =	ssettag s2;
	_ =	strace s9  }
0x27: {  	s1 =	sld [smem:$0x3FA9]  }
0x28: {  	s2 =	sld [smem:$0x3FAA]  }
0x29: {  	s4 =	sld [smem:$0x3FAC]  }
0x2a: {  	p0 =	seq.s32 s5, $0x0;
	s5 =	sld [smem:$0x3FAD]  }
0x2b: {  	s6 =	sld [smem:$0x3FAE]  }
0x2c: {  	s7 =	sld [smem:$0x3FAF]  }
0x2d: {  	s3 =	simm.s32 $0x108;
	s8 =	sld [smem:$0x3FB0]  }
0x2e: {  	s3 =	simm.s32 @!p0 $0x1082;
	s9 =	sld [smem:$0x3FB1]  }
0x2f: {  	lr =	sadd.s32 s0, s3;
	s0 =	sld [smem:$0x3FA8]  }
0x30: {  	s3 =	sld [smem:$0x3FAB]  }
0x31: {  	[smem:$0x3FB4] =	sst s10  }
0x32: {  	s10 =	sld [smem:$0x3FB2];
	_ =	sdelay $0x3  }
0x33: {  	p0 =	seq.s32 s10, $0x1;
	s10 =	sld [smem:$0x3FB4];
	_ =	sdelay $0x3  }
0x34: {  	[smem:$0x3FB4] =	sst s10  }
0x35: {  	s10 =	sld [smem:$0x3FB3];
	_ =	sdelay $0x3  }
0x36: {  	p1 =	seq.s32 s10, $0x1;
	s10 =	sld [smem:$0x3FB4];
	_ =	sdelay $0x3  }
0x37: {  	[smem:$0x3FB4] =	sst s10  }
0x38: {  	s10 =	sld [smem:$0x3FB5]  }
0x39: {  	_ = 	snop;
	(pc) =	sbr.ind lr, $3  }
0x3a: {  	_ = 	snop  }
0x3b: {  	_ = 	snop  }
0x3c: {  	p2 =	seq.s32 s10, $0x1;
	s10 =	sld [smem:$0x3FB4]  }
0x3d: {  	_ =	shalt  }
0x3e: {  	_ =	shalt  }
0x3f: {  	_ =	shalt  }
0x40: {  	_ =	shalt  }
0x41: {  	_ =	shalt  }
0x42: {  	_ =	shalt  }
0x43: {  	_ =	shalt  }
0x44: {  	_ =	shalt  }
0x45: {  	_ =	shalt  }
0x46: {  	_ =	shalt  }
0x47: {  	_ =	shalt  }
0x48: {  	_ =	shalt  }
0x49: {  	_ =	shalt  }
0x4a: {  	_ =	shalt  }
0x4b: {  	_ =	shalt  }
0x4c: {  	_ =	shalt  }
0x4d: {  	_ =	shalt  }
0x4e: {  	_ =	shalt  }
0x4f: {  	_ =	shalt  }
0x50: {  	_ =	shalt  }
0x51: {  	_ =	shalt  }
0x52: {  	_ =	shalt  }
0x53: {  	_ =	shalt  }
0x54: {  	_ =	shalt  }
0x55: {  	_ =	shalt  }
0x56: {  	_ =	shalt  }
0x57: {  	_ =	shalt  }
0x58: {  	_ =	shalt  }
0x59: {  	_ =	shalt  }
0x5a: {  	_ =	shalt  }
0x5b: {  	_ =	shalt  }
0x5c: {  	_ =	shalt  }
0x5d: {  	_ =	shalt  }
0x5e: {  	_ =	shalt  }
0x5f: {  	_ =	shalt  }
0x60: {  	_ =	shalt  }
0x61: {  	_ =	shalt  }
0x62: {  	_ =	shalt  }
0x63: {  	_ =	shalt  }
0x64: {  	_ =	shalt  }
0x65: {  	_ =	shalt  }
0x66: {  	_ =	shalt  }
0x67: {  	_ =	shalt  }
0x68: {  	_ =	shalt  }
0x69: {  	_ =	shalt  }
0x6a: {  	_ =	shalt  }
0x6b: {  	_ =	shalt  }
0x6c: {  	_ =	shalt  }
0x6d: {  	_ =	shalt  }
0x6e: {  	_ =	shalt  }
0x6f: {  	_ =	shalt  }
0x70: {  	_ =	shalt  }
0x71: {  	_ =	shalt  }
0x72: {  	_ =	shalt  }
0x73: {  	_ =	shalt  }
0x74: {  	_ =	shalt  }
0x75: {  	_ =	shalt  }
0x76: {  	_ =	shalt  }
0x77: {  	_ =	shalt  }
0x78: {  	_ =	shalt  }
0x79: {  	_ =	shalt  }
0x7a: {  	_ =	shalt  }
0x7b: {  	_ =	shalt  }
0x7c: {  	_ =	shalt  }
0x7d: {  	_ =	shalt  }
0x7e: {  	_ =	shalt  }
0x7f: {  	_ =	shalt  }
0x80: {  	_ =	shalt  }
0x81: {  	_ =	shalt  }
0x82: {  	_ =	shalt  }
0x83: {  	_ =	shalt  }
0x84: {  	_ =	shalt  }
0x85: {  	_ =	shalt  }
0x86: {  	_ =	shalt  }
0x87: {  	_ =	shalt  }
.Lfunc_end0:
.L_simem_size_0:
called_computation.1_lowered:
.L_overlay_start_0:
0x88: {  	s2 =	sld [smem:$0x3FD9]  }
0x89: {  	s3 =	sld [smem:$0x3FFE];
	_ =	sdelay $0x1  }
0x8a: {  	s1 =	srdreg.scid  }
0x8b: {  	s0 =	sand.u32 $0x1, s1  }
0x8c: {  	s17 =	sshll.u32 s0, $0xA;
	s2 =	sadd.s32 s3, s2  }
0x8d: {  	s2 =	sadd.s32 s2, s17  }
0x8e: {  	[smem:$0x3FC0] =	sst s2  }
0x8f: {  	_ = 	snop  }
0x90: {  	s2 =	sld [smem:$0x3FC9]  }
0x91: {  	s18 =	sld [smem:$0x3FD0];
	(tm) =	ssettm $0x1  }
0x92: {  	s4 =	sld [smem:$0x3FFB];
	_ =	sdelay $0x3  }
0x93: {  	_ =	strace s4  }
0x94: {  	s4 =	sld [smem:$0x3FFC];
	_ =	sdelay $0x3  }
0x95: {  	_ =	strace s4  }
0x96: {  	s4 =	sld [smem:$0x3FFD];
	_ =	sdelay $0x3  }
0x97: {  	_ =	strace s4  }
0x98: {  	_ =	strace $0x8FFFFFFF  }
0x99: {  	s19 =	sld [smem:$0x3FDB];
	_ =	sdelay $0x1  }
0x9a: {  	s5 =	simm.s32 $_scs_section_size  }
0x9b: {  	s6 =	simm.s32 $_size__tile_overlayer_lowered;
	s7 =	simm.s32 $_tile_overlayer_lowered  }
0x9c: {  	s22 =	simm.s32 $0x1BFF;
	s21 =	sshll.u32 s7, $0x1;
	s4 =	sadd.s32 s5, s19  }
0x9d: {  	s8 =	simm.s32 $0x0;
	s20 =	sshll.u32 s6, $0x1;
	s6 =	sadd.s32 s21, s4  }
0x9e: {  	[timem:s8], [sflag:s22] =	dma.local [hbm:s6], s20  }
0x9f: {  	_ =	swait.ge [sflag:s22], s20  }
0xa0: {  	s5 =	ssub.s32 $0x0, s20;
	[sflag:s22] =	ssyncset.done $0x0  }
0xa1: {  	[sflag:s22] =	ssyncadd.s32 s5;
	_ =	sdelay $0x1  }
0xa2: {  	s23 =	simm.s32 $0x1B8B  }
0xa3: {  	_ =	swait.ge [sflag:s23], $0x1  }
0xa4: {  	[sflag:s23] =	ssyncset.done $0x0  }
0xa5: {  	s25 =	simm.s32 $0x1B8E;
	s24 =	sld [smem:$0x3FFE];
	[sflag:s23] =	ssyncadd.s32 $0xFFFFFFFF  }
0xa6: {  	s26 =	simm.s32 $execute0_lowered;
	[smem:$0x3FD2] =	sst s25  }
0xa7: {  	s6 =	sshll.u32 s26, $0x1;
	_ =	strace $0x80000049;
	[dreg:$0x1] =	wrdreg $0xFFFFFFFF  }
0xa8: {  	s28 =	simm.s32 $_size_execute0_lowered;
	s4 =	sadd.s32 s4, s6;
	[dreg:$0x0] =	wrdreg $0x0  }
0xa9: {  	s6 =	sshll.u32 s28, $0x1;
	[dreg:$0x2] =	wrdreg s4  }
0xaa: {  	[dreg:$0x3] =	wrdreg s6  }
0xab: {  	[dreg:$0x4] =	wrdreg $0xC0  }
0xac: {  	_ =	task [dreg:s8], $0x5FFFF  }
0xad: {  	[dreg:$0x1] =	wrdreg $0xFFFFFFFF  }
0xae: {  	[dreg:$0x0] =	wrdreg $0x60  }
0xaf: {  	[dreg:$0x2] =	wrdreg s2  }
0xb0: {  	[dreg:$0x3] =	wrdreg s18  }
0xb1: {  	[dreg:$0x4] =	wrdreg s24  }
0xb2: {  	[dreg:$0x5] =	wrdreg $0x9  }
0xb3: {  	_ =	task.clear_ibuf [dreg:s8], $0x6FFFF;
	_ =	strace $0x90000049  }
0xb4: {  	s29 =	simm.s32 $0x9;
	_ =	strace $0x8000004B  }
0xb5: {  	_ =	swait.ge [sflag:s29], $0x1  }
0xb6: {  	[sflag:s29] =	ssyncadd.s32 $0xFFFFFFFF  }
0xb7: {  	_ =	strace $0x9000004B  }
0xb8: {  	_ =	sfence  }
0xb9: {  	s30 =	sld [smem:$0x0];
	_ =	sdelay $0x2  }
0xba: {  	s31 =	sshll.u32 s1, $0xD;
	s1 =	sshrl.u32 s1, $0x2  }
0xbb: {  	s3 =	sand.u32 $0x4000, s31;
	s1 =	sadd.s32 s1, s30  }
0xbc: {  	s0 =	sor.u32 s3, s0;
	s1 =	sshll.u32 s1, $0x11  }
0xbd: {  	s0 =	sor.u32 s1, s0  }
0xbe: {  	s0 =	sadd.s32 $0x8F2B, s0  }
0xbf: {  	[sflag:s0] =	ssyncadd.remote.s32 $0x1  }
0xc0: {  	_ =	sfence.sel $0xFFFF  }
0xc1: {  	[dreg:$0x0] =	wrdreg $0xFFFFFFFF;
	(pc) =	sbr.abs _section_cstart, $3  }
0xc2: {  	[dreg:$0x1] =	wrdreg $0xFFFFFFFF  }
0xc3: {  	_ =	task.clear_ibuf [dreg:s8], $0x2FFFF;
	_ =	strace $0x9FFFFFFF  }
0xc4: {  	(tm) =	ssettm $0x7FFFFFFF  }
0xc5: {  	_ =	shalt  }
tec
execute0_lowered:
.L_overlay_start_1:
0x0: {  	(tag) =	ssettag $0x1  }
0x1: {  	s1 =	rddreg [dreg:$0x0]  }
0x2: {  	s0 =	srdreg.scid;
	s3 =	stileid.u32  }
0x3: {  	s2 =	rddreg [dreg:$0x1];
	s0 =	sand.u32 $0x1, s0;
	s3 =	sshll.u32 s3, $0x1  }
0x4: {  	s4 =	rddreg [dreg:$0x2];
	s5 =	sor.u32 s0, s3  }
0x5: {  	s12 =	simm.s32 $0x2;
	s13 =	simm.s32 $0x4;
	s6 =	smul.u32 $0x30, s5  }
0x6: {  	s14 =	simm.s32 $0x3;
	s3 =	simm.s32 $0x0;
	s7 =	smul.u32 $0xC000, s5  }
0x7: {  	[smem:$0x7FF] =	sst s3;
	s5 =	smul.u32 $0x60000, s5;
	s2 =	sadd.s32 s2, s6  }
0x8: {  	_ =	strace $0x8000004A;
	s18 =	sadd.s32 s4, s7;
	[dreg:$0x4] =	wrdreg s2  }
0x9: {  	s15 =	simm.s32 $0x5;
	s19 =	sadd.s32 $0x1000, s18;
	[dreg:$0x10] =	wrdreg s18  }
0xa: {  	s5 =	sshrl.u32 s5, $0x3;
	s20 =	sadd.s32 $0x2000, s18;
	[dreg:$0x5] =	wrdreg s19  }
0xb: {  	s21 =	sadd.s32 $0x3000, s18;
	s4 =	sadd.s32 s4, s5;
	[dreg:$0x6] =	wrdreg s20  }
0xc: {  	s16 =	simm.s32 $0x6;
	[dreg:$0x7] =	wrdreg s21;
	s22 =	sadd.s32 $0x4000, s4  }
0xd: {  	s10 =	simm.s32 $0x10180;
	s23 =	sadd.s32 $0x5000, s4;
	[dreg:$0x8] =	wrdreg s22  }
0xe: {  	s0 =	ssub.s32 $0x2, s0;
	s24 =	sadd.s32 $0x6000, s4;
	[dreg:$0x9] =	wrdreg s23  }
0xf: {  	s25 =	sshrl.u32 s0, $0x1;
	s26 =	sadd.s32 $0x7000, s4;
	[dreg:$0xa] =	wrdreg s24  }
0x10: {  	s0 =	ssub.s32 s0, s25;
	s28 =	sadd.s32 $0x8000, s4;
	[dreg:$0xb] =	wrdreg s26  }
0x11: {  	s6 =	sadd.s32 $0x200, s1;
	s29 =	sadd.s32 $0x9000, s4;
	[dreg:$0xc] =	wrdreg s28  }
0x12: {  	v2 =	vlaneseq.u32;
	s7 =	sadd.s32 $0x300, s1;
	s30 =	sadd.s32 $0xA000, s4;
	[dreg:$0xd] =	wrdreg s29  }
0x13: {  	vm0 =	vmmov $0xffff;
	v1 =	vshrl.u32 v2, $0x3;
	s8 =	smax.u32 s0, $0x1;
	s31 =	sadd.s32 $0xB000, s4;
	[dreg:$0xe] =	wrdreg s30  }
0x14: {  	v0 =	vand.u32 $0x7, v2;
	v2 =	vor.u32 $0x8, v2;
	v1 =	vmul.u32 $0x8, v1;
	s5 =	sadd.s32 $0x100, s1;
	s18 =	simm.s32 $0x1;
	[dreg:$0xf] =	wrdreg s31  }
.LBB2_1:
0x15: {  	s17 =	rddreg [dreg:$0x4];
	s11 =	simm.s32 $0x7  }
0x16: {  	[tilespmem:s3], [sflag:$0x7] =	stream.linear.gather [hbm4b:s17+s3], $0x180, $0x38;
	[tilespmem:$0x18180] =	vst v63  }
0x17: {  	_ =	swait.ge [sflag:s11], $0x180  }
0x18: {  	[sflag:s11] =	ssyncset.done $0x0  }
0x19: {  	[sflag:s11] =	ssyncadd.s32 $0xFFFFFE80  }
0x1a: {  	v3 =	vld [tilespmem:$0x0];
	_ =	sdelay $0x4  }
0x1b: {  	v4 =	vshll.u32 v3, $0x3  }
0x1c: {  	v3 =	vand.u32 $0x7, v3;
	v4 =	vand.u32 $0xFFFFFFC0, v4  }
0x1d: {  	v3 =	vor.u32 v3, v4  }
0x1e: {  	v4 =	vperm.xlane v3, v0;
	_ =	sdelay $0x1  }
0x1f: {  	v4 =	vadd.s32 v1, v4;
	_ =	sdelay $0x3  }
0x20: {  	s0 =	simm.s32 $0x180  }
0x21: {  	[tilespmem:s0], [sflag:$0x1] =	stream.indirect_vreg.gather [hbm4b:s1+s3], $0x80, v4, vm0, $0xb8;
	[tilespmem:$0x18180] =	vst v63  }
0x22: {  	s19 =	simm.s32 $0x980;
	v3 =	vperm.xlane v3, v2  }
0x23: {  	[tilespmem:s19], [sflag:$0x1] =	stream.indirect_vreg.gather [hbm4b:s5+s3], $0x80, v4, vm0, $0xb8;
	[tilespmem:$0x18180] =	vst v63  }
0x24: {  	s20 =	simm.s32 $0x1180;
	v3 =	vadd.s32 v1, v3  }
0x25: {  	[tilespmem:s20], [sflag:$0x1] =	stream.indirect_vreg.gather [hbm4b:s6+s3], $0x80, v4, vm0, $0xb8;
	[tilespmem:$0x18180] =	vst v63  }
0x26: {  	s22 =	simm.s32 $0x1980  }
0x27: {  	[tilespmem:s22], [sflag:$0x1] =	stream.indirect_vreg.gather [hbm4b:s7+s3], $0x80, v4, vm0, $0xb8;
	[tilespmem:$0x18180] =	vst v63  }
0x28: {  	s23 =	simm.s32 $0x2180  }
0x29: {  	[tilespmem:s23], [sflag:$0x1] =	stream.indirect_vreg.gather [hbm4b:s1+s3], $0x80, v3, vm0, $0xb8;
	[tilespmem:$0x18180] =	vst v63  }
0x2a: {  	s24 =	simm.s32 $0x2980  }
0x2b: {  	[tilespmem:s24], [sflag:$0x1] =	stream.indirect_vreg.gather [hbm4b:s5+s3], $0x80, v3, vm0, $0xb8;
	[tilespmem:$0x18180] =	vst v63  }
0x2c: {  	s25 =	simm.s32 $0x3180  }
0x2d: {  	[tilespmem:s25], [sflag:$0x1] =	stream.indirect_vreg.gather [hbm4b:s6+s3], $0x80, v3, vm0, $0xb8;
	[tilespmem:$0x18180] =	vst v63  }
0x2e: {  	s26 =	simm.s32 $0x3980  }
0x2f: {  	[tilespmem:s26], [sflag:$0x1] =	stream.indirect_vreg.gather [hbm4b:s7+s3], $0x80, v3, vm0, $0xb8;
	[tilespmem:$0x18180] =	vst v63  }
0x30: {  	v3 =	vld [tilespmem:$0x10];
	_ =	sdelay $0x4  }
0x31: {  	v41 =	vshll.u32 v3, $0x3  }
0x32: {  	v3 =	vand.u32 $0x7, v3;
	v4 =	vand.u32 $0xFFFFFFC0, v41  }
0x33: {  	v3 =	vor.u32 v3, v4  }
0x34: {  	v4 =	vperm.xlane v3, v0;
	_ =	sdelay $0x1  }
0x35: {  	v4 =	vadd.s32 v1, v4;
	_ =	sdelay $0x3  }
0x36: {  	s28 =	simm.s32 $0x4180  }
0x37: {  	[tilespmem:s28], [sflag:$0x1] =	stream.indirect_vreg.gather [hbm4b:s1+s3], $0x80, v4, vm0, $0xb8;
	[tilespmem:$0x18180] =	vst v63  }
0x38: {  	s31 =	simm.s32 $0x4980;
	v3 =	vperm.xlane v3, v2  }
0x39: {  	[tilespmem:s31], [sflag:$0x1] =	stream.indirect_vreg.gather [hbm4b:s5+s3], $0x80, v4, vm0, $0xb8;
	[tilespmem:$0x18180] =	vst v63  }
0x3a: {  	s2 =	simm.s32 $0x5180;
	v3 =	vadd.s32 v1, v3  }
0x3b: {  	[tilespmem:s2], [sflag:$0x1] =	stream.indirect_vreg.gather [hbm4b:s6+s3], $0x80, v4, vm0, $0xb8;
	[tilespmem:$0x18180] =	vst v63  }
0x3c: {  	s11 =	simm.s32 $0x5980  }
0x3d: {  	[tilespmem:s11], [sflag:$0x1] =	stream.indirect_vreg.gather [hbm4b:s7+s3], $0x80, v4, vm0, $0xb8;
	[tilespmem:$0x18180] =	vst v63  }
0x3e: {  	s17 =	simm.s32 $0x6180  }
0x3f: {  	[tilespmem:s17], [sflag:$0x1] =	stream.indirect_vreg.gather [hbm4b:s1+s3], $0x80, v3, vm0, $0xb8;
	[tilespmem:$0x18180] =	vst v63  }
0x40: {  	s19 =	simm.s32 $0x6980  }
0x41: {  	[tilespmem:s19], [sflag:$0x1] =	stream.indirect_vreg.gather [hbm4b:s5+s3], $0x80, v3, vm0, $0xb8;
	[tilespmem:$0x18180] =	vst v63  }
0x42: {  	s24 =	simm.s32 $0x7180  }
0x43: {  	[tilespmem:s24], [sflag:$0x1] =	stream.indirect_vreg.gather [hbm4b:s6+s3], $0x80, v3, vm0, $0xb8;
	[tilespmem:$0x18180] =	vst v63  }
0x44: {  	s26 =	simm.s32 $0x7980  }
0x45: {  	[tilespmem:s26], [sflag:$0x1] =	stream.indirect_vreg.gather [hbm4b:s7+s3], $0x80, v3, vm0, $0xb8;
	[tilespmem:$0x18180] =	vst v63  }
0x46: {  	v3 =	vld [tilespmem:$0x20];
	_ =	sdelay $0x4  }
0x47: {  	v42 =	vshll.u32 v3, $0x3  }
0x48: {  	v3 =	vand.u32 $0x7, v3;
	v4 =	vand.u32 $0xFFFFFFC0, v42  }
0x49: {  	v3 =	vor.u32 v3, v4  }
0x4a: {  	v4 =	vperm.xlane v3, v0;
	_ =	sdelay $0x1  }
0x4b: {  	v4 =	vadd.s32 v1, v4;
	_ =	sdelay $0x3  }
0x4c: {  	s28 =	simm.s32 $0x8180  }
0x4d: {  	[tilespmem:s28], [sflag:$0x2] =	stream.indirect_vreg.gather [hbm4b:s1+s3], $0x80, v4, vm0, $0xb8;
	[tilespmem:$0x18180] =	vst v63  }
0x4e: {  	s31 =	simm.s32 $0x8980;
	v3 =	vperm.xlane v3, v2  }
0x4f: {  	[tilespmem:s31], [sflag:$0x2] =	stream.indirect_vreg.gather [hbm4b:s5+s3], $0x80, v4, vm0, $0xb8;
	[tilespmem:$0x18180] =	vst v63  }
0x50: {  	s2 =	simm.s32 $0x9180;
	v3 =	vadd.s32 v1, v3  }
0x51: {  	[tilespmem:s2], [sflag:$0x2] =	stream.indirect_vreg.gather [hbm4b:s6+s3], $0x80, v4, vm0, $0xb8;
	[tilespmem:$0x18180] =	vst v63  }
0x52: {  	s11 =	simm.s32 $0x9980  }
0x53: {  	[tilespmem:s11], [sflag:$0x2] =	stream.indirect_vreg.gather [hbm4b:s7+s3], $0x80, v4, vm0, $0xb8;
	[tilespmem:$0x18180] =	vst v63  }
0x54: {  	s17 =	simm.s32 $0xA180  }
0x55: {  	[tilespmem:s17], [sflag:$0x2] =	stream.indirect_vreg.gather [hbm4b:s1+s3], $0x80, v3, vm0, $0xb8;
	[tilespmem:$0x18180] =	vst v63  }
0x56: {  	s19 =	simm.s32 $0xA980  }
0x57: {  	[tilespmem:s19], [sflag:$0x2] =	stream.indirect_vreg.gather [hbm4b:s5+s3], $0x80, v3, vm0, $0xb8;
	[tilespmem:$0x18180] =	vst v63  }
0x58: {  	s24 =	simm.s32 $0xB180  }
0x59: {  	[tilespmem:s24], [sflag:$0x2] =	stream.indirect_vreg.gather [hbm4b:s6+s3], $0x80, v3, vm0, $0xb8;
	[tilespmem:$0x18180] =	vst v63  }
0x5a: {  	s28 =	simm.s32 $0xB980  }
0x5b: {  	[tilespmem:s28], [sflag:$0x2] =	stream.indirect_vreg.gather [hbm4b:s7+s3], $0x80, v3, vm0, $0xb8;
	[tilespmem:$0x18180] =	vst v63  }
0x5c: {  	v3 =	vld [tilespmem:$0x30];
	_ =	sdelay $0x4  }
0x5d: {  	v43 =	vshll.u32 v3, $0x3  }
0x5e: {  	v3 =	vand.u32 $0x7, v3;
	v4 =	vand.u32 $0xFFFFFFC0, v43  }
0x5f: {  	v3 =	vor.u32 v3, v4  }
0x60: {  	v4 =	vperm.xlane v3, v0;
	_ =	sdelay $0x1  }
0x61: {  	v4 =	vadd.s32 v1, v4;
	_ =	sdelay $0x3  }
0x62: {  	s31 =	simm.s32 $0xC180  }
0x63: {  	[tilespmem:s31], [sflag:$0x2] =	stream.indirect_vreg.gather [hbm4b:s1+s3], $0x80, v4, vm0, $0xb8;
	[tilespmem:$0x18180] =	vst v63  }
0x64: {  	s2 =	simm.s32 $0xC980;
	v3 =	vperm.xlane v3, v2  }
0x65: {  	[tilespmem:s2], [sflag:$0x2] =	stream.indirect_vreg.gather [hbm4b:s5+s3], $0x80, v4, vm0, $0xb8;
	[tilespmem:$0x18180] =	vst v63  }
0x66: {  	s17 =	simm.s32 $0xD180;
	v3 =	vadd.s32 v1, v3  }
0x67: {  	[tilespmem:s17], [sflag:$0x2] =	stream.indirect_vreg.gather [hbm4b:s6+s3], $0x80, v4, vm0, $0xb8;
	[tilespmem:$0x18180] =	vst v63  }
0x68: {  	s19 =	simm.s32 $0xD980  }
0x69: {  	[tilespmem:s19], [sflag:$0x2] =	stream.indirect_vreg.gather [hbm4b:s7+s3], $0x80, v4, vm0, $0xb8;
	[tilespmem:$0x18180] =	vst v63  }
0x6a: {  	s31 =	simm.s32 $0xE180  }
0x6b: {  	[tilespmem:s31], [sflag:$0x2] =	stream.indirect_vreg.gather [hbm4b:s1+s3], $0x80, v3, vm0, $0xb8;
	[tilespmem:$0x18180] =	vst v63  }
0x6c: {  	s2 =	simm.s32 $0xE980  }
0x6d: {  	[tilespmem:s2], [sflag:$0x2] =	stream.indirect_vreg.gather [hbm4b:s5+s3], $0x80, v3, vm0, $0xb8;
	[tilespmem:$0x18180] =	vst v63  }
0x6e: {  	s17 =	simm.s32 $0xF180  }
0x6f: {  	[tilespmem:s17], [sflag:$0x2] =	stream.indirect_vreg.gather [hbm4b:s6+s3], $0x80, v3, vm0, $0xb8;
	[tilespmem:$0x18180] =	vst v63  }
0x70: {  	s19 =	simm.s32 $0xF980  }
0x71: {  	[tilespmem:s19], [sflag:$0x2] =	stream.indirect_vreg.gather [hbm4b:s7+s3], $0x80, v3, vm0, $0xb8;
	[tilespmem:$0x18180] =	vst v63  }
0x72: {  	_ =	swait.ge [sflag:s18], $0x8000  }
0x73: {  	[sflag:s18] =	ssyncset.done $0x0  }
0x74: {  	s0 =	simm.s32 $0x180;
	s31 =	rddreg [dreg:$0x10];
	[sflag:s18] =	ssyncadd.s32 $0xFFFF8000  }
0x75: {  	[hbm4b:s31+s3] =	stream.linear.scatter [tilespmem:s0], [sflag:$0x4], $0x8000, $0x38;
	[tilespmem:$0x18180] =	vst v63  }
0x76: {  	v3 =	vld [tilespmem:$0x40];
	_ =	sdelay $0x4  }
0x77: {  	v44 =	vshll.u32 v3, $0x3  }
0x78: {  	v3 =	vand.u32 $0x7, v3;
	v4 =	vand.u32 $0xFFFFFFC0, v44  }
0x79: {  	v3 =	vor.u32 v3, v4  }
0x7a: {  	v4 =	vperm.xlane v3, v0;
	_ =	sdelay $0x1  }
0x7b: {  	v4 =	vadd.s32 v1, v4;
	_ =	sdelay $0x4  }
0x7c: {  	[tilespmem:s10], [sflag:$0x3] =	stream.indirect_vreg.gather [hbm4b:s1+s3], $0x80, v4, vm0, $0xb8;
	[tilespmem:$0x18180] =	vst v63  }
0x7d: {  	s2 =	simm.s32 $0x10980;
	v3 =	vperm.xlane v3, v2  }
0x7e: {  	[tilespmem:s2], [sflag:$0x3] =	stream.indirect_vreg.gather [hbm4b:s5+s3], $0x80, v4, vm0, $0xb8;
	[tilespmem:$0x18180] =	vst v63  }
0x7f: {  	s19 =	simm.s32 $0x11180;
	v3 =	vadd.s32 v1, v3  }
0x80: {  	[tilespmem:s19], [sflag:$0x3] =	stream.indirect_vreg.gather [hbm4b:s6+s3], $0x80, v4, vm0, $0xb8;
	[tilespmem:$0x18180] =	vst v63  }
0x81: {  	s31 =	simm.s32 $0x11980  }
0x82: {  	[tilespmem:s31], [sflag:$0x3] =	stream.indirect_vreg.gather [hbm4b:s7+s3], $0x80, v4, vm0, $0xb8;
	[tilespmem:$0x18180] =	vst v63  }
0x83: {  	s2 =	simm.s32 $0x12180  }
0x84: {  	[tilespmem:s2], [sflag:$0x3] =	stream.indirect_vreg.gather [hbm4b:s1+s3], $0x80, v3, vm0, $0xb8;
	[tilespmem:$0x18180] =	vst v63  }
0x85: {  	s19 =	simm.s32 $0x12980  }
0x86: {  	[tilespmem:s19], [sflag:$0x3] =	stream.indirect_vreg.gather [hbm4b:s5+s3], $0x80, v3, vm0, $0xb8;
	[tilespmem:$0x18180] =	vst v63  }
0x87: {  	s31 =	simm.s32 $0x13180  }
0x88: {  	[tilespmem:s31], [sflag:$0x3] =	stream.indirect_vreg.gather [hbm4b:s6+s3], $0x80, v3, vm0, $0xb8;
	[tilespmem:$0x18180] =	vst v63  }
0x89: {  	s2 =	simm.s32 $0x13980  }
0x8a: {  	[tilespmem:s2], [sflag:$0x3] =	stream.indirect_vreg.gather [hbm4b:s7+s3], $0x80, v3, vm0, $0xb8;
	[tilespmem:$0x18180] =	vst v63  }
0x8b: {  	v3 =	vld [tilespmem:$0x50];
	_ =	sdelay $0x4  }
0x8c: {  	v45 =	vshll.u32 v3, $0x3  }
0x8d: {  	v3 =	vand.u32 $0x7, v3;
	v4 =	vand.u32 $0xFFFFFFC0, v45  }
0x8e: {  	v3 =	vor.u32 v3, v4  }
0x8f: {  	v4 =	vperm.xlane v3, v0;
	_ =	sdelay $0x1  }
0x90: {  	v4 =	vadd.s32 v1, v4;
	_ =	sdelay $0x3  }
0x91: {  	s19 =	simm.s32 $0x14180  }
0x92: {  	[tilespmem:s19], [sflag:$0x3] =	stream.indirect_vreg.gather [hbm4b:s1+s3], $0x80, v4, vm0, $0xb8;
	[tilespmem:$0x18180] =	vst v63  }
0x93: {  	s31 =	simm.s32 $0x14980;
	v3 =	vperm.xlane v3, v2  }
0x94: {  	[tilespmem:s31], [sflag:$0x3] =	stream.indirect_vreg.gather [hbm4b:s5+s3], $0x80, v4, vm0, $0xb8;
	[tilespmem:$0x18180] =	vst v63  }
0x95: {  	s2 =	simm.s32 $0x15180;
	v3 =	vadd.s32 v1, v3  }
0x96: {  	[tilespmem:s2], [sflag:$0x3] =	stream.indirect_vreg.gather [hbm4b:s6+s3], $0x80, v4, vm0, $0xb8;
	[tilespmem:$0x18180] =	vst v63  }
0x97: {  	s19 =	simm.s32 $0x15980  }
0x98: {  	[tilespmem:s19], [sflag:$0x3] =	stream.indirect_vreg.gather [hbm4b:s7+s3], $0x80, v4, vm0, $0xb8;
	[tilespmem:$0x18180] =	vst v63  }
0x99: {  	s31 =	simm.s32 $0x16180  }
0x9a: {  	[tilespmem:s31], [sflag:$0x3] =	stream.indirect_vreg.gather [hbm4b:s1+s3], $0x80, v3, vm0, $0xb8;
	[tilespmem:$0x18180] =	vst v63  }
0x9b: {  	s2 =	simm.s32 $0x16980  }
0x9c: {  	[tilespmem:s2], [sflag:$0x3] =	stream.indirect_vreg.gather [hbm4b:s5+s3], $0x80, v3, vm0, $0xb8;
	[tilespmem:$0x18180] =	vst v63  }
0x9d: {  	s19 =	simm.s32 $0x17180  }
0x9e: {  	[tilespmem:s19], [sflag:$0x3] =	stream.indirect_vreg.gather [hbm4b:s6+s3], $0x80, v3, vm0, $0xb8;
	[tilespmem:$0x18180] =	vst v63  }
0x9f: {  	s31 =	simm.s32 $0x17980  }
0xa0: {  	[tilespmem:s31], [sflag:$0x3] =	stream.indirect_vreg.gather [hbm4b:s7+s3], $0x80, v3, vm0, $0xb8;
	[tilespmem:$0x18180] =	vst v63  }
0xa1: {  	_ =	swait.ge [sflag:s12], $0x8000  }
0xa2: {  	[sflag:s12] =	ssyncset.done $0x0  }
0xa3: {  	s19 =	simm.s32 $0x8180;
	s2 =	rddreg [dreg:$0x5];
	[sflag:s12] =	ssyncadd.s32 $0xFFFF8000  }
0xa4: {  	[hbm4b:s2+s3] =	stream.linear.scatter [tilespmem:s19], [sflag:$0x5], $0x8000, $0x38;
	[tilespmem:$0x18180] =	vst v63  }
0xa5: {  	_ =	swait.ge [sflag:s13], $0x8000  }
0xa6: {  	[sflag:s13] =	ssyncset.done $0x0  }
0xa7: {  	[sflag:s13] =	ssyncadd.s32 $0xFFFF8000  }
0xa8: {  	v3 =	vld [tilespmem:$0x60];
	_ =	sdelay $0x4  }
0xa9: {  	v46 =	vshll.u32 v3, $0x3  }
0xaa: {  	v3 =	vand.u32 $0x7, v3;
	v4 =	vand.u32 $0xFFFFFFC0, v46  }
0xab: {  	v3 =	vor.u32 v3, v4  }
0xac: {  	v4 =	vperm.xlane v3, v0;
	_ =	sdelay $0x1  }
0xad: {  	v4 =	vadd.s32 v1, v4;
	_ =	sdelay $0x4  }
0xae: {  	[tilespmem:s0], [sflag:$0x1] =	stream.indirect_vreg.gather [hbm4b:s1+s3], $0x80, v4, vm0, $0xb8;
	[tilespmem:$0x18180] =	vst v63  }
0xaf: {  	s21 =	simm.s32 $0x980;
	v3 =	vperm.xlane v3, v2  }
0xb0: {  	[tilespmem:s21], [sflag:$0x1] =	stream.indirect_vreg.gather [hbm4b:s5+s3], $0x80, v4, vm0, $0xb8;
	[tilespmem:$0x18180] =	vst v63  }
0xb1: {  	s20 =	simm.s32 $0x1180;
	v3 =	vadd.s32 v1, v3  }
0xb2: {  	[tilespmem:s20], [sflag:$0x1] =	stream.indirect_vreg.gather [hbm4b:s6+s3], $0x80, v4, vm0, $0xb8;
	[tilespmem:$0x18180] =	vst v63  }
0xb3: {  	s9 =	simm.s32 $0x1980  }
0xb4: {  	[tilespmem:s9], [sflag:$0x1] =	stream.indirect_vreg.gather [hbm4b:s7+s3], $0x80, v4, vm0, $0xb8;
	[tilespmem:$0x18180] =	vst v63  }
0xb5: {  	s4 =	simm.s32 $0x2180  }
0xb6: {  	[tilespmem:s4], [sflag:$0x1] =	stream.indirect_vreg.gather [hbm4b:s1+s3], $0x80, v3, vm0, $0xb8;
	[tilespmem:$0x18180] =	vst v63  }
0xb7: {  	s29 =	simm.s32 $0x2980  }
0xb8: {  	[tilespmem:s29], [sflag:$0x1] =	stream.indirect_vreg.gather [hbm4b:s5+s3], $0x80, v3, vm0, $0xb8;
	[tilespmem:$0x18180] =	vst v63  }
0xb9: {  	s30 =	simm.s32 $0x3180  }
0xba: {  	[tilespmem:s30], [sflag:$0x1] =	stream.indirect_vreg.gather [hbm4b:s6+s3], $0x80, v3, vm0, $0xb8;
	[tilespmem:$0x18180] =	vst v63  }
0xbb: {  	s22 =	simm.s32 $0x3980  }
0xbc: {  	[tilespmem:s22], [sflag:$0x1] =	stream.indirect_vreg.gather [hbm4b:s7+s3], $0x80, v3, vm0, $0xb8;
	[tilespmem:$0x18180] =	vst v63  }
0xbd: {  	v3 =	vld [tilespmem:$0x70];
	_ =	sdelay $0x4  }
0xbe: {  	v47 =	vshll.u32 v3, $0x3  }
0xbf: {  	v3 =	vand.u32 $0x7, v3;
	v4 =	vand.u32 $0xFFFFFFC0, v47  }
0xc0: {  	v3 =	vor.u32 v3, v4  }
0xc1: {  	v4 =	vperm.xlane v3, v0;
	_ =	sdelay $0x1  }
0xc2: {  	v4 =	vadd.s32 v1, v4;
	_ =	sdelay $0x3  }
0xc3: {  	s23 =	simm.s32 $0x4180  }
0xc4: {  	[tilespmem:s23], [sflag:$0x1] =	stream.indirect_vreg.gather [hbm4b:s1+s3], $0x80, v4, vm0, $0xb8;
	[tilespmem:$0x18180] =	vst v63  }
0xc5: {  	s25 =	simm.s32 $0x4980;
	v3 =	vperm.xlane v3, v2  }
0xc6: {  	[tilespmem:s25], [sflag:$0x1] =	stream.indirect_vreg.gather [hbm4b:s5+s3], $0x80, v4, vm0, $0xb8;
	[tilespmem:$0x18180] =	vst v63  }
0xc7: {  	s31 =	simm.s32 $0x5180;
	v3 =	vadd.s32 v1, v3  }
0xc8: {  	[tilespmem:s31], [sflag:$0x1] =	stream.indirect_vreg.gather [hbm4b:s6+s3], $0x80, v4, vm0, $0xb8;
	[tilespmem:$0x18180] =	vst v63  }
0xc9: {  	s21 =	simm.s32 $0x5980  }
0xca: {  	[tilespmem:s21], [sflag:$0x1] =	stream.indirect_vreg.gather [hbm4b:s7+s3], $0x80, v4, vm0, $0xb8;
	[tilespmem:$0x18180] =	vst v63  }
0xcb: {  	s22 =	simm.s32 $0x6180  }
0xcc: {  	[tilespmem:s22], [sflag:$0x1] =	stream.indirect_vreg.gather [hbm4b:s1+s3], $0x80, v3, vm0, $0xb8;
	[tilespmem:$0x18180] =	vst v63  }
0xcd: {  	s23 =	simm.s32 $0x6980  }
0xce: {  	[tilespmem:s23], [sflag:$0x1] =	stream.indirect_vreg.gather [hbm4b:s5+s3], $0x80, v3, vm0, $0xb8;
	[tilespmem:$0x18180] =	vst v63  }
0xcf: {  	s25 =	simm.s32 $0x7180  }
0xd0: {  	[tilespmem:s25], [sflag:$0x1] =	stream.indirect_vreg.gather [hbm4b:s6+s3], $0x80, v3, vm0, $0xb8;
	[tilespmem:$0x18180] =	vst v63  }
0xd1: {  	s20 =	simm.s32 $0x7980  }
0xd2: {  	[tilespmem:s20], [sflag:$0x1] =	stream.indirect_vreg.gather [hbm4b:s7+s3], $0x80, v3, vm0, $0xb8;
	[tilespmem:$0x18180] =	vst v63  }
0xd3: {  	_ =	swait.ge [sflag:s14], $0x8000  }
0xd4: {  	[sflag:s14] =	ssyncset.done $0x0  }
0xd5: {  	s9 =	rddreg [dreg:$0x6];
	[sflag:s14] =	ssyncadd.s32 $0xFFFF8000  }
0xd6: {  	[hbm4b:s9+s3] =	stream.linear.scatter [tilespmem:s10], [sflag:$0x6], $0x8000, $0x38;
	[tilespmem:$0x18180] =	vst v63  }
0xd7: {  	_ =	swait.ge [sflag:s15], $0x8000  }
0xd8: {  	[sflag:s15] =	ssyncset.done $0x0  }
0xd9: {  	[sflag:s15] =	ssyncadd.s32 $0xFFFF8000  }
0xda: {  	v3 =	vld [tilespmem:$0x80];
	_ =	sdelay $0x4  }
0xdb: {  	v48 =	vshll.u32 v3, $0x3  }
0xdc: {  	v3 =	vand.u32 $0x7, v3;
	v4 =	vand.u32 $0xFFFFFFC0, v48  }
0xdd: {  	v3 =	vor.u32 v3, v4  }
0xde: {  	v4 =	vperm.xlane v3, v0;
	_ =	sdelay $0x1  }
0xdf: {  	v4 =	vadd.s32 v1, v4;
	_ =	sdelay $0x4  }
0xe0: {  	[tilespmem:s19], [sflag:$0x2] =	stream.indirect_vreg.gather [hbm4b:s1+s3], $0x80, v4, vm0, $0xb8;
	[tilespmem:$0x18180] =	vst v63  }
0xe1: {  	s26 =	simm.s32 $0x8980;
	v3 =	vperm.xlane v3, v2  }
0xe2: {  	[tilespmem:s26], [sflag:$0x2] =	stream.indirect_vreg.gather [hbm4b:s5+s3], $0x80, v4, vm0, $0xb8;
	[tilespmem:$0x18180] =	vst v63  }
0xe3: {  	v3 =	vadd.s32 v1, v3;
	s19 =	simm.s32 $0x9180  }
0xe4: {  	[tilespmem:s19], [sflag:$0x2] =	stream.indirect_vreg.gather [hbm4b:s6+s3], $0x80, v4, vm0, $0xb8;
	[tilespmem:$0x18180] =	vst v63  }
0xe5: {  	s26 =	simm.s32 $0x9980  }
0xe6: {  	[tilespmem:s26], [sflag:$0x2] =	stream.indirect_vreg.gather [hbm4b:s7+s3], $0x80, v4, vm0, $0xb8;
	[tilespmem:$0x18180] =	vst v63  }
0xe7: {  	s29 =	simm.s32 $0xA180  }
0xe8: {  	[tilespmem:s29], [sflag:$0x2] =	stream.indirect_vreg.gather [hbm4b:s1+s3], $0x80, v3, vm0, $0xb8;
	[tilespmem:$0x18180] =	vst v63  }
0xe9: {  	s9 =	simm.s32 $0xA980  }
0xea: {  	[tilespmem:s9], [sflag:$0x2] =	stream.indirect_vreg.gather [hbm4b:s5+s3], $0x80, v3, vm0, $0xb8;
	[tilespmem:$0x18180] =	vst v63  }
0xeb: {  	s30 =	simm.s32 $0xB180  }
0xec: {  	[tilespmem:s30], [sflag:$0x2] =	stream.indirect_vreg.gather [hbm4b:s6+s3], $0x80, v3, vm0, $0xb8;
	[tilespmem:$0x18180] =	vst v63  }
0xed: {  	s11 =	simm.s32 $0xB980  }
0xee: {  	[tilespmem:s11], [sflag:$0x2] =	stream.indirect_vreg.gather [hbm4b:s7+s3], $0x80, v3, vm0, $0xb8;
	[tilespmem:$0x18180] =	vst v63  }
0xef: {  	v3 =	vld [tilespmem:$0x90];
	_ =	sdelay $0x4  }
0xf0: {  	v49 =	vshll.u32 v3, $0x3  }
0xf1: {  	v3 =	vand.u32 $0x7, v3;
	v4 =	vand.u32 $0xFFFFFFC0, v49  }
0xf2: {  	v3 =	vor.u32 v3, v4  }
0xf3: {  	v4 =	vperm.xlane v3, v0;
	_ =	sdelay $0x1  }
0xf4: {  	v4 =	vadd.s32 v1, v4;
	_ =	sdelay $0x3  }
0xf5: {  	s24 =	simm.s32 $0xC180  }
0xf6: {  	[tilespmem:s24], [sflag:$0x2] =	stream.indirect_vreg.gather [hbm4b:s1+s3], $0x80, v4, vm0, $0xb8;
	[tilespmem:$0x18180] =	vst v63  }
0xf7: {  	s28 =	simm.s32 $0xC980;
	v3 =	vperm.xlane v3, v2  }
0xf8: {  	[tilespmem:s28], [sflag:$0x2] =	stream.indirect_vreg.gather [hbm4b:s5+s3], $0x80, v4, vm0, $0xb8;
	[tilespmem:$0x18180] =	vst v63  }
0xf9: {  	s11 =	simm.s32 $0xD180;
	v3 =	vadd.s32 v1, v3  }
0xfa: {  	[tilespmem:s11], [sflag:$0x2] =	stream.indirect_vreg.gather [hbm4b:s6+s3], $0x80, v4, vm0, $0xb8;
	[tilespmem:$0x18180] =	vst v63  }
0xfb: {  	s24 =	simm.s32 $0xD980  }
0xfc: {  	[tilespmem:s24], [sflag:$0x2] =	stream.indirect_vreg.gather [hbm4b:s7+s3], $0x80, v4, vm0, $0xb8;
	[tilespmem:$0x18180] =	vst v63  }
0xfd: {  	s28 =	simm.s32 $0xE180  }
0xfe: {  	[tilespmem:s28], [sflag:$0x2] =	stream.indirect_vreg.gather [hbm4b:s1+s3], $0x80, v3, vm0, $0xb8;
	[tilespmem:$0x18180] =	vst v63  }
0xff: {  	s29 =	simm.s32 $0xE980  }
0x100: {  	[tilespmem:s29], [sflag:$0x2] =	stream.indirect_vreg.gather [hbm4b:s5+s3], $0x80, v3, vm0, $0xb8;
	[tilespmem:$0x18180] =	vst v63  }
0x101: {  	s30 =	simm.s32 $0xF180  }
0x102: {  	[tilespmem:s30], [sflag:$0x2] =	stream.indirect_vreg.gather [hbm4b:s6+s3], $0x80, v3, vm0, $0xb8;
	[tilespmem:$0x18180] =	vst v63  }
0x103: {  	s17 =	simm.s32 $0xF980  }
0x104: {  	[tilespmem:s17], [sflag:$0x2] =	stream.indirect_vreg.gather [hbm4b:s7+s3], $0x80, v3, vm0, $0xb8;
	[tilespmem:$0x18180] =	vst v63  }
0x105: {  	_ =	swait.ge [sflag:s18], $0x8000  }
0x106: {  	[sflag:s18] =	ssyncset.done $0x0  }
0x107: {  	s2 =	simm.s32 $0x180;
	s0 =	rddreg [dreg:$0x7];
	[sflag:s18] =	ssyncadd.s32 $0xFFFF8000  }
0x108: {  	[hbm4b:s0+s3] =	stream.linear.scatter [tilespmem:s2], [sflag:$0x4], $0x8000, $0x38;
	[tilespmem:$0x18180] =	vst v63  }
0x109: {  	_ =	swait.ge [sflag:s16], $0x8000  }
0x10a: {  	[sflag:s16] =	ssyncset.done $0x0  }
0x10b: {  	[sflag:s16] =	ssyncadd.s32 $0xFFFF8000  }
0x10c: {  	v3 =	vld [tilespmem:$0xA0];
	_ =	sdelay $0x4  }
0x10d: {  	v50 =	vshll.u32 v3, $0x3  }
0x10e: {  	v3 =	vand.u32 $0x7, v3;
	v4 =	vand.u32 $0xFFFFFFC0, v50  }
0x10f: {  	v3 =	vor.u32 v3, v4  }
0x110: {  	v4 =	vperm.xlane v3, v0;
	_ =	sdelay $0x1  }
0x111: {  	v4 =	vadd.s32 v1, v4;
	_ =	sdelay $0x4  }
0x112: {  	[tilespmem:s10], [sflag:$0x3] =	stream.indirect_vreg.gather [hbm4b:s1+s3], $0x80, v4, vm0, $0xb8;
	[tilespmem:$0x18180] =	vst v63  }
0x113: {  	s17 =	simm.s32 $0x10980;
	v3 =	vperm.xlane v3, v2  }
0x114: {  	[tilespmem:s17], [sflag:$0x3] =	stream.indirect_vreg.gather [hbm4b:s5+s3], $0x80, v4, vm0, $0xb8;
	[tilespmem:$0x18180] =	vst v63  }
0x115: {  	v3 =	vadd.s32 v1, v3;
	s17 =	simm.s32 $0x11180  }
0x116: {  	[tilespmem:s17], [sflag:$0x3] =	stream.indirect_vreg.gather [hbm4b:s6+s3], $0x80, v4, vm0, $0xb8;
	[tilespmem:$0x18180] =	vst v63  }
0x117: {  	s17 =	simm.s32 $0x11980  }
0x118: {  	[tilespmem:s17], [sflag:$0x3] =	stream.indirect_vreg.gather [hbm4b:s7+s3], $0x80, v4, vm0, $0xb8;
	[tilespmem:$0x18180] =	vst v63  }
0x119: {  	s17 =	simm.s32 $0x12180  }
0x11a: {  	[tilespmem:s17], [sflag:$0x3] =	stream.indirect_vreg.gather [hbm4b:s1+s3], $0x80, v3, vm0, $0xb8;
	[tilespmem:$0x18180] =	vst v63  }
0x11b: {  	s17 =	simm.s32 $0x12980  }
0x11c: {  	[tilespmem:s17], [sflag:$0x3] =	stream.indirect_vreg.gather [hbm4b:s5+s3], $0x80, v3, vm0, $0xb8;
	[tilespmem:$0x18180] =	vst v63  }
0x11d: {  	s17 =	simm.s32 $0x13180  }
0x11e: {  	[tilespmem:s17], [sflag:$0x3] =	stream.indirect_vreg.gather [hbm4b:s6+s3], $0x80, v3, vm0, $0xb8;
	[tilespmem:$0x18180] =	vst v63  }
0x11f: {  	s17 =	simm.s32 $0x13980  }
0x120: {  	[tilespmem:s17], [sflag:$0x3] =	stream.indirect_vreg.gather [hbm4b:s7+s3], $0x80, v3, vm0, $0xb8;
	[tilespmem:$0x18180] =	vst v63  }
0x121: {  	v3 =	vld [tilespmem:$0xB0];
	_ =	sdelay $0x4  }
0x122: {  	v51 =	vshll.u32 v3, $0x3  }
0x123: {  	v3 =	vand.u32 $0x7, v3;
	v4 =	vand.u32 $0xFFFFFFC0, v51  }
0x124: {  	v3 =	vor.u32 v3, v4  }
0x125: {  	v4 =	vperm.xlane v3, v0;
	_ =	sdelay $0x1  }
0x126: {  	v4 =	vadd.s32 v1, v4;
	_ =	sdelay $0x3  }
0x127: {  	s17 =	simm.s32 $0x14180  }
0x128: {  	[tilespmem:s17], [sflag:$0x3] =	stream.indirect_vreg.gather [hbm4b:s1+s3], $0x80, v4, vm0, $0xb8;
	[tilespmem:$0x18180] =	vst v63  }
0x129: {  	v3 =	vperm.xlane v3, v2;
	s17 =	simm.s32 $0x14980  }
0x12a: {  	[tilespmem:s17], [sflag:$0x3] =	stream.indirect_vreg.gather [hbm4b:s5+s3], $0x80, v4, vm0, $0xb8;
	[tilespmem:$0x18180] =	vst v63  }
0x12b: {  	v3 =	vadd.s32 v1, v3;
	s17 =	simm.s32 $0x15180  }
0x12c: {  	[tilespmem:s17], [sflag:$0x3] =	stream.indirect_vreg.gather [hbm4b:s6+s3], $0x80, v4, vm0, $0xb8;
	[tilespmem:$0x18180] =	vst v63  }
0x12d: {  	s17 =	simm.s32 $0x15980  }
0x12e: {  	[tilespmem:s17], [sflag:$0x3] =	stream.indirect_vreg.gather [hbm4b:s7+s3], $0x80, v4, vm0, $0xb8;
	[tilespmem:$0x18180] =	vst v63  }
0x12f: {  	s17 =	simm.s32 $0x16180  }
0x130: {  	[tilespmem:s17], [sflag:$0x3] =	stream.indirect_vreg.gather [hbm4b:s1+s3], $0x80, v3, vm0, $0xb8;
	[tilespmem:$0x18180] =	vst v63  }
0x131: {  	s17 =	simm.s32 $0x16980  }
0x132: {  	[tilespmem:s17], [sflag:$0x3] =	stream.indirect_vreg.gather [hbm4b:s5+s3], $0x80, v3, vm0, $0xb8;
	[tilespmem:$0x18180] =	vst v63  }
0x133: {  	s17 =	simm.s32 $0x17180  }
0x134: {  	[tilespmem:s17], [sflag:$0x3] =	stream.indirect_vreg.gather [hbm4b:s6+s3], $0x80, v3, vm0, $0xb8;
	[tilespmem:$0x18180] =	vst v63  }
0x135: {  	s17 =	simm.s32 $0x17980  }
0x136: {  	[tilespmem:s17], [sflag:$0x3] =	stream.indirect_vreg.gather [hbm4b:s7+s3], $0x80, v3, vm0, $0xb8;
	[tilespmem:$0x18180] =	vst v63  }
0x137: {  	_ =	swait.ge [sflag:s12], $0x8000  }
0x138: {  	[sflag:s12] =	ssyncset.done $0x0  }
0x139: {  	s4 =	simm.s32 $0x8180;
	s2 =	rddreg [dreg:$0x8];
	[sflag:s12] =	ssyncadd.s32 $0xFFFF8000  }
0x13a: {  	[hbm4b:s2+s3] =	stream.linear.scatter [tilespmem:s4], [sflag:$0x5], $0x8000, $0x38;
	[tilespmem:$0x18180] =	vst v63  }
0x13b: {  	_ =	swait.ge [sflag:s13], $0x8000  }
0x13c: {  	[sflag:s13] =	ssyncset.done $0x0  }
0x13d: {  	[sflag:s13] =	ssyncadd.s32 $0xFFFF8000  }
0x13e: {  	v3 =	vld [tilespmem:$0xC0];
	_ =	sdelay $0x4  }
0x13f: {  	v52 =	vshll.u32 v3, $0x3  }
0x140: {  	v3 =	vand.u32 $0x7, v3;
	v4 =	vand.u32 $0xFFFFFFC0, v52  }
0x141: {  	v3 =	vor.u32 v3, v4  }
0x142: {  	v4 =	vperm.xlane v3, v0;
	_ =	sdelay $0x1  }
0x143: {  	v4 =	vadd.s32 v1, v4;
	_ =	sdelay $0x3  }
0x144: {  	s0 =	simm.s32 $0x180  }
0x145: {  	[tilespmem:s0], [sflag:$0x1] =	stream.indirect_vreg.gather [hbm4b:s1+s3], $0x80, v4, vm0, $0xb8;
	[tilespmem:$0x18180] =	vst v63  }
0x146: {  	s17 =	simm.s32 $0x980;
	v3 =	vperm.xlane v3, v2  }
0x147: {  	[tilespmem:s17], [sflag:$0x1] =	stream.indirect_vreg.gather [hbm4b:s5+s3], $0x80, v4, vm0, $0xb8;
	[tilespmem:$0x18180] =	vst v63  }
0x148: {  	s4 =	simm.s32 $0x1180;
	v3 =	vadd.s32 v1, v3  }
0x149: {  	[tilespmem:s4], [sflag:$0x1] =	stream.indirect_vreg.gather [hbm4b:s6+s3], $0x80, v4, vm0, $0xb8;
	[tilespmem:$0x18180] =	vst v63  }
0x14a: {  	s17 =	simm.s32 $0x1980  }
0x14b: {  	[tilespmem:s17], [sflag:$0x1] =	stream.indirect_vreg.gather [hbm4b:s7+s3], $0x80, v4, vm0, $0xb8;
	[tilespmem:$0x18180] =	vst v63  }
0x14c: {  	s4 =	simm.s32 $0x2180  }
0x14d: {  	[tilespmem:s4], [sflag:$0x1] =	stream.indirect_vreg.gather [hbm4b:s1+s3], $0x80, v3, vm0, $0xb8;
	[tilespmem:$0x18180] =	vst v63  }
0x14e: {  	s17 =	simm.s32 $0x2980  }
0x14f: {  	[tilespmem:s17], [sflag:$0x1] =	stream.indirect_vreg.gather [hbm4b:s5+s3], $0x80, v3, vm0, $0xb8;
	[tilespmem:$0x18180] =	vst v63  }
0x150: {  	s4 =	simm.s32 $0x3180  }
0x151: {  	[tilespmem:s4], [sflag:$0x1] =	stream.indirect_vreg.gather [hbm4b:s6+s3], $0x80, v3, vm0, $0xb8;
	[tilespmem:$0x18180] =	vst v63  }
0x152: {  	s17 =	simm.s32 $0x3980  }
0x153: {  	[tilespmem:s17], [sflag:$0x1] =	stream.indirect_vreg.gather [hbm4b:s7+s3], $0x80, v3, vm0, $0xb8;
	[tilespmem:$0x18180] =	vst v63  }
0x154: {  	v3 =	vld [tilespmem:$0xD0];
	_ =	sdelay $0x4  }
0x155: {  	v53 =	vshll.u32 v3, $0x3  }
0x156: {  	v3 =	vand.u32 $0x7, v3;
	v4 =	vand.u32 $0xFFFFFFC0, v53  }
0x157: {  	v3 =	vor.u32 v3, v4  }
0x158: {  	v4 =	vperm.xlane v3, v0;
	_ =	sdelay $0x1  }
0x159: {  	v4 =	vadd.s32 v1, v4;
	_ =	sdelay $0x3  }
0x15a: {  	s4 =	simm.s32 $0x4180  }
0x15b: {  	[tilespmem:s4], [sflag:$0x1] =	stream.indirect_vreg.gather [hbm4b:s1+s3], $0x80, v4, vm0, $0xb8;
	[tilespmem:$0x18180] =	vst v63  }
0x15c: {  	s17 =	simm.s32 $0x4980;
	v3 =	vperm.xlane v3, v2  }
0x15d: {  	[tilespmem:s17], [sflag:$0x1] =	stream.indirect_vreg.gather [hbm4b:s5+s3], $0x80, v4, vm0, $0xb8;
	[tilespmem:$0x18180] =	vst v63  }
0x15e: {  	v3 =	vadd.s32 v1, v3  }
0x15f: {  	[tilespmem:s31], [sflag:$0x1] =	stream.indirect_vreg.gather [hbm4b:s6+s3], $0x80, v4, vm0, $0xb8;
	[tilespmem:$0x18180] =	vst v63  }
0x160: {  	_ = 	snop  }
0x161: {  	[tilespmem:s21], [sflag:$0x1] =	stream.indirect_vreg.gather [hbm4b:s7+s3], $0x80, v4, vm0, $0xb8;
	[tilespmem:$0x18180] =	vst v63  }
0x162: {  	_ = 	snop  }
0x163: {  	[tilespmem:s22], [sflag:$0x1] =	stream.indirect_vreg.gather [hbm4b:s1+s3], $0x80, v3, vm0, $0xb8;
	[tilespmem:$0x18180] =	vst v63  }
0x164: {  	_ = 	snop  }
0x165: {  	[tilespmem:s23], [sflag:$0x1] =	stream.indirect_vreg.gather [hbm4b:s5+s3], $0x80, v3, vm0, $0xb8;
	[tilespmem:$0x18180] =	vst v63  }
0x166: {  	_ = 	snop  }
0x167: {  	[tilespmem:s25], [sflag:$0x1] =	stream.indirect_vreg.gather [hbm4b:s6+s3], $0x80, v3, vm0, $0xb8;
	[tilespmem:$0x18180] =	vst v63  }
0x168: {  	_ = 	snop  }
0x169: {  	[tilespmem:s20], [sflag:$0x1] =	stream.indirect_vreg.gather [hbm4b:s7+s3], $0x80, v3, vm0, $0xb8;
	[tilespmem:$0x18180] =	vst v63  }
0x16a: {  	_ =	swait.ge [sflag:s14], $0x8000  }
0x16b: {  	[sflag:s14] =	ssyncset.done $0x0  }
0x16c: {  	s4 =	rddreg [dreg:$0x9];
	[sflag:s14] =	ssyncadd.s32 $0xFFFF8000  }
0x16d: {  	[hbm4b:s4+s3] =	stream.linear.scatter [tilespmem:s10], [sflag:$0x6], $0x8000, $0x38;
	[tilespmem:$0x18180] =	vst v63  }
0x16e: {  	_ =	swait.ge [sflag:s15], $0x8000  }
0x16f: {  	[sflag:s15] =	ssyncset.done $0x0  }
0x170: {  	[sflag:s15] =	ssyncadd.s32 $0xFFFF8000  }
0x171: {  	v3 =	vld [tilespmem:$0xE0];
	_ =	sdelay $0x4  }
0x172: {  	v54 =	vshll.u32 v3, $0x3  }
0x173: {  	v3 =	vand.u32 $0x7, v3;
	v4 =	vand.u32 $0xFFFFFFC0, v54  }
0x174: {  	v3 =	vor.u32 v3, v4  }
0x175: {  	v4 =	vperm.xlane v3, v0;
	_ =	sdelay $0x1  }
0x176: {  	v4 =	vadd.s32 v1, v4;
	_ =	sdelay $0x3  }
0x177: {  	s2 =	simm.s32 $0x8180  }
0x178: {  	[tilespmem:s2], [sflag:$0x2] =	stream.indirect_vreg.gather [hbm4b:s1+s3], $0x80, v4, vm0, $0xb8;
	[tilespmem:$0x18180] =	vst v63  }
0x179: {  	s17 =	simm.s32 $0x8980;
	v3 =	vperm.xlane v3, v2  }
0x17a: {  	[tilespmem:s17], [sflag:$0x2] =	stream.indirect_vreg.gather [hbm4b:s5+s3], $0x80, v4, vm0, $0xb8;
	[tilespmem:$0x18180] =	vst v63  }
0x17b: {  	v3 =	vadd.s32 v1, v3  }
0x17c: {  	[tilespmem:s19], [sflag:$0x2] =	stream.indirect_vreg.gather [hbm4b:s6+s3], $0x80, v4, vm0, $0xb8;
	[tilespmem:$0x18180] =	vst v63  }
0x17d: {  	_ = 	snop  }
0x17e: {  	[tilespmem:s26], [sflag:$0x2] =	stream.indirect_vreg.gather [hbm4b:s7+s3], $0x80, v4, vm0, $0xb8;
	[tilespmem:$0x18180] =	vst v63  }
0x17f: {  	s23 =	simm.s32 $0xA180  }
0x180: {  	[tilespmem:s23], [sflag:$0x2] =	stream.indirect_vreg.gather [hbm4b:s1+s3], $0x80, v3, vm0, $0xb8;
	[tilespmem:$0x18180] =	vst v63  }
0x181: {  	_ = 	snop  }
0x182: {  	[tilespmem:s9], [sflag:$0x2] =	stream.indirect_vreg.gather [hbm4b:s5+s3], $0x80, v3, vm0, $0xb8;
	[tilespmem:$0x18180] =	vst v63  }
0x183: {  	s26 =	simm.s32 $0xB180  }
0x184: {  	[tilespmem:s26], [sflag:$0x2] =	stream.indirect_vreg.gather [hbm4b:s6+s3], $0x80, v3, vm0, $0xb8;
	[tilespmem:$0x18180] =	vst v63  }
0x185: {  	s2 =	simm.s32 $0xB980  }
0x186: {  	[tilespmem:s2], [sflag:$0x2] =	stream.indirect_vreg.gather [hbm4b:s7+s3], $0x80, v3, vm0, $0xb8;
	[tilespmem:$0x18180] =	vst v63  }
0x187: {  	v3 =	vld [tilespmem:$0xF0];
	_ =	sdelay $0x4  }
0x188: {  	v55 =	vshll.u32 v3, $0x3  }
0x189: {  	v3 =	vand.u32 $0x7, v3;
	v4 =	vand.u32 $0xFFFFFFC0, v55  }
0x18a: {  	v3 =	vor.u32 v3, v4  }
0x18b: {  	v4 =	vperm.xlane v3, v0;
	_ =	sdelay $0x1  }
0x18c: {  	v4 =	vadd.s32 v1, v4;
	_ =	sdelay $0x3  }
0x18d: {  	s4 =	simm.s32 $0xC180  }
0x18e: {  	[tilespmem:s4], [sflag:$0x2] =	stream.indirect_vreg.gather [hbm4b:s1+s3], $0x80, v4, vm0, $0xb8;
	[tilespmem:$0x18180] =	vst v63  }
0x18f: {  	s9 =	simm.s32 $0xC980;
	v3 =	vperm.xlane v3, v2  }
0x190: {  	[tilespmem:s9], [sflag:$0x2] =	stream.indirect_vreg.gather [hbm4b:s5+s3], $0x80, v4, vm0, $0xb8;
	[tilespmem:$0x18180] =	vst v63  }
0x191: {  	v3 =	vadd.s32 v1, v3  }
0x192: {  	[tilespmem:s11], [sflag:$0x2] =	stream.indirect_vreg.gather [hbm4b:s6+s3], $0x80, v4, vm0, $0xb8;
	[tilespmem:$0x18180] =	vst v63  }
0x193: {  	_ = 	snop  }
0x194: {  	[tilespmem:s24], [sflag:$0x2] =	stream.indirect_vreg.gather [hbm4b:s7+s3], $0x80, v4, vm0, $0xb8;
	[tilespmem:$0x18180] =	vst v63  }
0x195: {  	_ = 	snop  }
0x196: {  	[tilespmem:s28], [sflag:$0x2] =	stream.indirect_vreg.gather [hbm4b:s1+s3], $0x80, v3, vm0, $0xb8;
	[tilespmem:$0x18180] =	vst v63  }
0x197: {  	_ = 	snop  }
0x198: {  	[tilespmem:s29], [sflag:$0x2] =	stream.indirect_vreg.gather [hbm4b:s5+s3], $0x80, v3, vm0, $0xb8;
	[tilespmem:$0x18180] =	vst v63  }
0x199: {  	_ = 	snop  }
0x19a: {  	[tilespmem:s30], [sflag:$0x2] =	stream.indirect_vreg.gather [hbm4b:s6+s3], $0x80, v3, vm0, $0xb8;
	[tilespmem:$0x18180] =	vst v63  }
0x19b: {  	s17 =	simm.s32 $0xF980  }
0x19c: {  	[tilespmem:s17], [sflag:$0x2] =	stream.indirect_vreg.gather [hbm4b:s7+s3], $0x80, v3, vm0, $0xb8;
	[tilespmem:$0x18180] =	vst v63  }
0x19d: {  	_ =	swait.ge [sflag:s18], $0x8000  }
0x19e: {  	[sflag:s18] =	ssyncset.done $0x0  }
0x19f: {  	s2 =	simm.s32 $0x180;
	s26 =	rddreg [dreg:$0xa];
	[sflag:s18] =	ssyncadd.s32 $0xFFFF8000  }
0x1a0: {  	[hbm4b:s26+s3] =	stream.linear.scatter [tilespmem:s2], [sflag:$0x4], $0x8000, $0x38;
	[tilespmem:$0x18180] =	vst v63  }
0x1a1: {  	_ =	swait.ge [sflag:s16], $0x8000  }
0x1a2: {  	[sflag:s16] =	ssyncset.done $0x0  }
0x1a3: {  	[sflag:s16] =	ssyncadd.s32 $0xFFFF8000  }
0x1a4: {  	v3 =	vld [tilespmem:$0x100];
	_ =	sdelay $0x4  }
0x1a5: {  	v56 =	vshll.u32 v3, $0x3  }
0x1a6: {  	v3 =	vand.u32 $0x7, v3;
	v4 =	vand.u32 $0xFFFFFFC0, v56  }
0x1a7: {  	v3 =	vor.u32 v3, v4  }
0x1a8: {  	v4 =	vperm.xlane v3, v0;
	_ =	sdelay $0x1  }
0x1a9: {  	v4 =	vadd.s32 v1, v4;
	_ =	sdelay $0x4  }
0x1aa: {  	[tilespmem:s10], [sflag:$0x3] =	stream.indirect_vreg.gather [hbm4b:s1+s3], $0x80, v4, vm0, $0xb8;
	[tilespmem:$0x18180] =	vst v63  }
0x1ab: {  	s30 =	simm.s32 $0x10980;
	v3 =	vperm.xlane v3, v2  }
0x1ac: {  	[tilespmem:s30], [sflag:$0x3] =	stream.indirect_vreg.gather [hbm4b:s5+s3], $0x80, v4, vm0, $0xb8;
	[tilespmem:$0x18180] =	vst v63  }
0x1ad: {  	s26 =	simm.s32 $0x11180;
	v3 =	vadd.s32 v1, v3  }
0x1ae: {  	[tilespmem:s26], [sflag:$0x3] =	stream.indirect_vreg.gather [hbm4b:s6+s3], $0x80, v4, vm0, $0xb8;
	[tilespmem:$0x18180] =	vst v63  }
0x1af: {  	s30 =	simm.s32 $0x11980  }
0x1b0: {  	[tilespmem:s30], [sflag:$0x3] =	stream.indirect_vreg.gather [hbm4b:s7+s3], $0x80, v4, vm0, $0xb8;
	[tilespmem:$0x18180] =	vst v63  }
0x1b1: {  	s9 =	simm.s32 $0x12180  }
0x1b2: {  	[tilespmem:s9], [sflag:$0x3] =	stream.indirect_vreg.gather [hbm4b:s1+s3], $0x80, v3, vm0, $0xb8;
	[tilespmem:$0x18180] =	vst v63  }
0x1b3: {  	s4 =	simm.s32 $0x12980  }
0x1b4: {  	[tilespmem:s4], [sflag:$0x3] =	stream.indirect_vreg.gather [hbm4b:s5+s3], $0x80, v3, vm0, $0xb8;
	[tilespmem:$0x18180] =	vst v63  }
0x1b5: {  	s0 =	simm.s32 $0x13180  }
0x1b6: {  	[tilespmem:s0], [sflag:$0x3] =	stream.indirect_vreg.gather [hbm4b:s6+s3], $0x80, v3, vm0, $0xb8;
	[tilespmem:$0x18180] =	vst v63  }
0x1b7: {  	s0 =	simm.s32 $0x13980  }
0x1b8: {  	[tilespmem:s0], [sflag:$0x3] =	stream.indirect_vreg.gather [hbm4b:s7+s3], $0x80, v3, vm0, $0xb8;
	[tilespmem:$0x18180] =	vst v63  }
0x1b9: {  	v3 =	vld [tilespmem:$0x110];
	_ =	sdelay $0x4  }
0x1ba: {  	v57 =	vshll.u32 v3, $0x3  }
0x1bb: {  	v3 =	vand.u32 $0x7, v3;
	v4 =	vand.u32 $0xFFFFFFC0, v57  }
0x1bc: {  	v3 =	vor.u32 v3, v4  }
0x1bd: {  	v4 =	vperm.xlane v3, v0;
	_ =	sdelay $0x1  }
0x1be: {  	v4 =	vadd.s32 v1, v4;
	_ =	sdelay $0x3  }
0x1bf: {  	s0 =	simm.s32 $0x14180  }
0x1c0: {  	[tilespmem:s0], [sflag:$0x3] =	stream.indirect_vreg.gather [hbm4b:s1+s3], $0x80, v4, vm0, $0xb8;
	[tilespmem:$0x18180] =	vst v63  }
0x1c1: {  	v3 =	vperm.xlane v3, v2;
	s0 =	simm.s32 $0x14980  }
0x1c2: {  	[tilespmem:s0], [sflag:$0x3] =	stream.indirect_vreg.gather [hbm4b:s5+s3], $0x80, v4, vm0, $0xb8;
	[tilespmem:$0x18180] =	vst v63  }
0x1c3: {  	v3 =	vadd.s32 v1, v3;
	s0 =	simm.s32 $0x15180  }
0x1c4: {  	[tilespmem:s0], [sflag:$0x3] =	stream.indirect_vreg.gather [hbm4b:s6+s3], $0x80, v4, vm0, $0xb8;
	[tilespmem:$0x18180] =	vst v63  }
0x1c5: {  	s0 =	simm.s32 $0x15980  }
0x1c6: {  	[tilespmem:s0], [sflag:$0x3] =	stream.indirect_vreg.gather [hbm4b:s7+s3], $0x80, v4, vm0, $0xb8;
	[tilespmem:$0x18180] =	vst v63  }
0x1c7: {  	s0 =	simm.s32 $0x16180  }
0x1c8: {  	[tilespmem:s0], [sflag:$0x3] =	stream.indirect_vreg.gather [hbm4b:s1+s3], $0x80, v3, vm0, $0xb8;
	[tilespmem:$0x18180] =	vst v63  }
0x1c9: {  	s0 =	simm.s32 $0x16980  }
0x1ca: {  	[tilespmem:s0], [sflag:$0x3] =	stream.indirect_vreg.gather [hbm4b:s5+s3], $0x80, v3, vm0, $0xb8;
	[tilespmem:$0x18180] =	vst v63  }
0x1cb: {  	s0 =	simm.s32 $0x17180  }
0x1cc: {  	[tilespmem:s0], [sflag:$0x3] =	stream.indirect_vreg.gather [hbm4b:s6+s3], $0x80, v3, vm0, $0xb8;
	[tilespmem:$0x18180] =	vst v63  }
0x1cd: {  	s0 =	simm.s32 $0x17980  }
0x1ce: {  	[tilespmem:s0], [sflag:$0x3] =	stream.indirect_vreg.gather [hbm4b:s7+s3], $0x80, v3, vm0, $0xb8;
	[tilespmem:$0x18180] =	vst v63  }
0x1cf: {  	_ =	swait.ge [sflag:s12], $0x8000  }
0x1d0: {  	[sflag:s12] =	ssyncset.done $0x0  }
0x1d1: {  	s0 =	simm.s32 $0x8180;
	s17 =	rddreg [dreg:$0xb];
	[sflag:s12] =	ssyncadd.s32 $0xFFFF8000  }
0x1d2: {  	[hbm4b:s17+s3] =	stream.linear.scatter [tilespmem:s0], [sflag:$0x5], $0x8000, $0x38;
	[tilespmem:$0x18180] =	vst v63  }
0x1d3: {  	_ =	swait.ge [sflag:s13], $0x8000  }
0x1d4: {  	[sflag:s13] =	ssyncset.done $0x0  }
0x1d5: {  	[sflag:s13] =	ssyncadd.s32 $0xFFFF8000  }
0x1d6: {  	v3 =	vld [tilespmem:$0x120];
	_ =	sdelay $0x4  }
0x1d7: {  	v58 =	vshll.u32 v3, $0x3  }
0x1d8: {  	v3 =	vand.u32 $0x7, v3;
	v4 =	vand.u32 $0xFFFFFFC0, v58  }
0x1d9: {  	v3 =	vor.u32 v3, v4  }
0x1da: {  	v4 =	vperm.xlane v3, v0;
	_ =	sdelay $0x1  }
0x1db: {  	v4 =	vadd.s32 v1, v4;
	_ =	sdelay $0x4  }
0x1dc: {  	[tilespmem:s2], [sflag:$0x1] =	stream.indirect_vreg.gather [hbm4b:s1+s3], $0x80, v4, vm0, $0xb8;
	[tilespmem:$0x18180] =	vst v63  }
0x1dd: {  	s17 =	simm.s32 $0x980;
	v3 =	vperm.xlane v3, v2  }
0x1de: {  	[tilespmem:s17], [sflag:$0x1] =	stream.indirect_vreg.gather [hbm4b:s5+s3], $0x80, v4, vm0, $0xb8;
	[tilespmem:$0x18180] =	vst v63  }
0x1df: {  	v3 =	vadd.s32 v1, v3;
	s17 =	simm.s32 $0x1180  }
0x1e0: {  	[tilespmem:s17], [sflag:$0x1] =	stream.indirect_vreg.gather [hbm4b:s6+s3], $0x80, v4, vm0, $0xb8;
	[tilespmem:$0x18180] =	vst v63  }
0x1e1: {  	s17 =	simm.s32 $0x1980  }
0x1e2: {  	[tilespmem:s17], [sflag:$0x1] =	stream.indirect_vreg.gather [hbm4b:s7+s3], $0x80, v4, vm0, $0xb8;
	[tilespmem:$0x18180] =	vst v63  }
0x1e3: {  	s17 =	simm.s32 $0x2180  }
0x1e4: {  	[tilespmem:s17], [sflag:$0x1] =	stream.indirect_vreg.gather [hbm4b:s1+s3], $0x80, v3, vm0, $0xb8;
	[tilespmem:$0x18180] =	vst v63  }
0x1e5: {  	s17 =	simm.s32 $0x2980  }
0x1e6: {  	[tilespmem:s17], [sflag:$0x1] =	stream.indirect_vreg.gather [hbm4b:s5+s3], $0x80, v3, vm0, $0xb8;
	[tilespmem:$0x18180] =	vst v63  }
0x1e7: {  	s17 =	simm.s32 $0x3180  }
0x1e8: {  	[tilespmem:s17], [sflag:$0x1] =	stream.indirect_vreg.gather [hbm4b:s6+s3], $0x80, v3, vm0, $0xb8;
	[tilespmem:$0x18180] =	vst v63  }
0x1e9: {  	s17 =	simm.s32 $0x3980  }
0x1ea: {  	[tilespmem:s17], [sflag:$0x1] =	stream.indirect_vreg.gather [hbm4b:s7+s3], $0x80, v3, vm0, $0xb8;
	[tilespmem:$0x18180] =	vst v63  }
0x1eb: {  	v3 =	vld [tilespmem:$0x130];
	_ =	sdelay $0x4  }
0x1ec: {  	v59 =	vshll.u32 v3, $0x3  }
0x1ed: {  	v3 =	vand.u32 $0x7, v3;
	v4 =	vand.u32 $0xFFFFFFC0, v59  }
0x1ee: {  	v3 =	vor.u32 v3, v4  }
0x1ef: {  	v4 =	vperm.xlane v3, v0;
	_ =	sdelay $0x1  }
0x1f0: {  	v4 =	vadd.s32 v1, v4;
	_ =	sdelay $0x3  }
0x1f1: {  	s17 =	simm.s32 $0x4180  }
0x1f2: {  	[tilespmem:s17], [sflag:$0x1] =	stream.indirect_vreg.gather [hbm4b:s1+s3], $0x80, v4, vm0, $0xb8;
	[tilespmem:$0x18180] =	vst v63  }
0x1f3: {  	v3 =	vperm.xlane v3, v2;
	s17 =	simm.s32 $0x4980  }
0x1f4: {  	[tilespmem:s17], [sflag:$0x1] =	stream.indirect_vreg.gather [hbm4b:s5+s3], $0x80, v4, vm0, $0xb8;
	[tilespmem:$0x18180] =	vst v63  }
0x1f5: {  	s31 =	simm.s32 $0x5180;
	v3 =	vadd.s32 v1, v3  }
0x1f6: {  	[tilespmem:s31], [sflag:$0x1] =	stream.indirect_vreg.gather [hbm4b:s6+s3], $0x80, v4, vm0, $0xb8;
	[tilespmem:$0x18180] =	vst v63  }
0x1f7: {  	s21 =	simm.s32 $0x5980  }
0x1f8: {  	[tilespmem:s21], [sflag:$0x1] =	stream.indirect_vreg.gather [hbm4b:s7+s3], $0x80, v4, vm0, $0xb8;
	[tilespmem:$0x18180] =	vst v63  }
0x1f9: {  	s22 =	simm.s32 $0x6180  }
0x1fa: {  	[tilespmem:s22], [sflag:$0x1] =	stream.indirect_vreg.gather [hbm4b:s1+s3], $0x80, v3, vm0, $0xb8;
	[tilespmem:$0x18180] =	vst v63  }
0x1fb: {  	s31 =	simm.s32 $0x6980  }
0x1fc: {  	[tilespmem:s31], [sflag:$0x1] =	stream.indirect_vreg.gather [hbm4b:s5+s3], $0x80, v3, vm0, $0xb8;
	[tilespmem:$0x18180] =	vst v63  }
0x1fd: {  	s25 =	simm.s32 $0x7180  }
0x1fe: {  	[tilespmem:s25], [sflag:$0x1] =	stream.indirect_vreg.gather [hbm4b:s6+s3], $0x80, v3, vm0, $0xb8;
	[tilespmem:$0x18180] =	vst v63  }
0x1ff: {  	s20 =	simm.s32 $0x7980  }
0x200: {  	[tilespmem:s20], [sflag:$0x1] =	stream.indirect_vreg.gather [hbm4b:s7+s3], $0x80, v3, vm0, $0xb8;
	[tilespmem:$0x18180] =	vst v63  }
0x201: {  	_ =	swait.ge [sflag:s14], $0x8000  }
0x202: {  	[sflag:s14] =	ssyncset.done $0x0  }
0x203: {  	s21 =	rddreg [dreg:$0xc];
	[sflag:s14] =	ssyncadd.s32 $0xFFFF8000  }
0x204: {  	[hbm4b:s21+s3] =	stream.linear.scatter [tilespmem:s10], [sflag:$0x6], $0x8000, $0x38;
	[tilespmem:$0x18180] =	vst v63  }
0x205: {  	_ =	swait.ge [sflag:s15], $0x8000  }
0x206: {  	[sflag:s15] =	ssyncset.done $0x0  }
0x207: {  	[sflag:s15] =	ssyncadd.s32 $0xFFFF8000  }
0x208: {  	v3 =	vld [tilespmem:$0x140];
	_ =	sdelay $0x4  }
0x209: {  	v60 =	vshll.u32 v3, $0x3  }
0x20a: {  	v3 =	vand.u32 $0x7, v3;
	v4 =	vand.u32 $0xFFFFFFC0, v60  }
0x20b: {  	v3 =	vor.u32 v3, v4  }
0x20c: {  	v4 =	vperm.xlane v3, v0;
	_ =	sdelay $0x1  }
0x20d: {  	v4 =	vadd.s32 v1, v4;
	_ =	sdelay $0x4  }
0x20e: {  	[tilespmem:s0], [sflag:$0x2] =	stream.indirect_vreg.gather [hbm4b:s1+s3], $0x80, v4, vm0, $0xb8;
	[tilespmem:$0x18180] =	vst v63  }
0x20f: {  	s22 =	simm.s32 $0x8980;
	v3 =	vperm.xlane v3, v2  }
0x210: {  	[tilespmem:s22], [sflag:$0x2] =	stream.indirect_vreg.gather [hbm4b:s5+s3], $0x80, v4, vm0, $0xb8;
	[tilespmem:$0x18180] =	vst v63  }
0x211: {  	s19 =	simm.s32 $0x9180;
	v3 =	vadd.s32 v1, v3  }
0x212: {  	[tilespmem:s19], [sflag:$0x2] =	stream.indirect_vreg.gather [hbm4b:s6+s3], $0x80, v4, vm0, $0xb8;
	[tilespmem:$0x18180] =	vst v63  }
0x213: {  	s25 =	simm.s32 $0x9980  }
0x214: {  	[tilespmem:s25], [sflag:$0x2] =	stream.indirect_vreg.gather [hbm4b:s7+s3], $0x80, v4, vm0, $0xb8;
	[tilespmem:$0x18180] =	vst v63  }
0x215: {  	s31 =	simm.s32 $0xA180  }
0x216: {  	[tilespmem:s31], [sflag:$0x2] =	stream.indirect_vreg.gather [hbm4b:s1+s3], $0x80, v3, vm0, $0xb8;
	[tilespmem:$0x18180] =	vst v63  }
0x217: {  	s17 =	simm.s32 $0xA980  }
0x218: {  	[tilespmem:s17], [sflag:$0x2] =	stream.indirect_vreg.gather [hbm4b:s5+s3], $0x80, v3, vm0, $0xb8;
	[tilespmem:$0x18180] =	vst v63  }
0x219: {  	s19 =	simm.s32 $0xB180  }
0x21a: {  	[tilespmem:s19], [sflag:$0x2] =	stream.indirect_vreg.gather [hbm4b:s6+s3], $0x80, v3, vm0, $0xb8;
	[tilespmem:$0x18180] =	vst v63  }
0x21b: {  	s21 =	simm.s32 $0xB980  }
0x21c: {  	[tilespmem:s21], [sflag:$0x2] =	stream.indirect_vreg.gather [hbm4b:s7+s3], $0x80, v3, vm0, $0xb8;
	[tilespmem:$0x18180] =	vst v63  }
0x21d: {  	v3 =	vld [tilespmem:$0x150];
	_ =	sdelay $0x4  }
0x21e: {  	v61 =	vshll.u32 v3, $0x3  }
0x21f: {  	v3 =	vand.u32 $0x7, v3;
	v4 =	vand.u32 $0xFFFFFFC0, v61  }
0x220: {  	v3 =	vor.u32 v3, v4  }
0x221: {  	v4 =	vperm.xlane v3, v0;
	_ =	sdelay $0x1  }
0x222: {  	v4 =	vadd.s32 v1, v4;
	_ =	sdelay $0x3  }
0x223: {  	s22 =	simm.s32 $0xC180  }
0x224: {  	[tilespmem:s22], [sflag:$0x2] =	stream.indirect_vreg.gather [hbm4b:s1+s3], $0x80, v4, vm0, $0xb8;
	[tilespmem:$0x18180] =	vst v63  }
0x225: {  	s25 =	simm.s32 $0xC980;
	v3 =	vperm.xlane v3, v2  }
0x226: {  	[tilespmem:s25], [sflag:$0x2] =	stream.indirect_vreg.gather [hbm4b:s5+s3], $0x80, v4, vm0, $0xb8;
	[tilespmem:$0x18180] =	vst v63  }
0x227: {  	s11 =	simm.s32 $0xD180;
	v3 =	vadd.s32 v1, v3  }
0x228: {  	[tilespmem:s11], [sflag:$0x2] =	stream.indirect_vreg.gather [hbm4b:s6+s3], $0x80, v4, vm0, $0xb8;
	[tilespmem:$0x18180] =	vst v63  }
0x229: {  	s24 =	simm.s32 $0xD980  }
0x22a: {  	[tilespmem:s24], [sflag:$0x2] =	stream.indirect_vreg.gather [hbm4b:s7+s3], $0x80, v4, vm0, $0xb8;
	[tilespmem:$0x18180] =	vst v63  }
0x22b: {  	s23 =	simm.s32 $0xE180  }
0x22c: {  	[tilespmem:s23], [sflag:$0x2] =	stream.indirect_vreg.gather [hbm4b:s1+s3], $0x80, v3, vm0, $0xb8;
	[tilespmem:$0x18180] =	vst v63  }
0x22d: {  	s28 =	simm.s32 $0xE980  }
0x22e: {  	[tilespmem:s28], [sflag:$0x2] =	stream.indirect_vreg.gather [hbm4b:s5+s3], $0x80, v3, vm0, $0xb8;
	[tilespmem:$0x18180] =	vst v63  }
0x22f: {  	s29 =	simm.s32 $0xF180  }
0x230: {  	[tilespmem:s29], [sflag:$0x2] =	stream.indirect_vreg.gather [hbm4b:s6+s3], $0x80, v3, vm0, $0xb8;
	[tilespmem:$0x18180] =	vst v63  }
0x231: {  	s31 =	simm.s32 $0xF980  }
0x232: {  	[tilespmem:s31], [sflag:$0x2] =	stream.indirect_vreg.gather [hbm4b:s7+s3], $0x80, v3, vm0, $0xb8;
	[tilespmem:$0x18180] =	vst v63  }
0x233: {  	_ =	swait.ge [sflag:s18], $0x8000  }
0x234: {  	[sflag:s18] =	ssyncset.done $0x0  }
0x235: {  	s2 =	simm.s32 $0x180;
	s0 =	rddreg [dreg:$0xd];
	[sflag:s18] =	ssyncadd.s32 $0xFFFF8000  }
0x236: {  	[hbm4b:s0+s3] =	stream.linear.scatter [tilespmem:s2], [sflag:$0x4], $0x8000, $0x38;
	[tilespmem:$0x18180] =	vst v63  }
0x237: {  	_ =	swait.ge [sflag:s16], $0x8000  }
0x238: {  	[sflag:s16] =	ssyncset.done $0x0  }
0x239: {  	[sflag:s16] =	ssyncadd.s32 $0xFFFF8000  }
0x23a: {  	v3 =	vld [tilespmem:$0x160];
	_ =	sdelay $0x4  }
0x23b: {  	v62 =	vshll.u32 v3, $0x3  }
0x23c: {  	v3 =	vand.u32 $0x7, v3;
	v4 =	vand.u32 $0xFFFFFFC0, v62  }
0x23d: {  	v3 =	vor.u32 v3, v4  }
0x23e: {  	v4 =	vperm.xlane v3, v0;
	_ =	sdelay $0x1  }
0x23f: {  	v4 =	vadd.s32 v1, v4;
	_ =	sdelay $0x4  }
0x240: {  	[tilespmem:s10], [sflag:$0x3] =	stream.indirect_vreg.gather [hbm4b:s1+s3], $0x80, v4, vm0, $0xb8;
	[tilespmem:$0x18180] =	vst v63  }
0x241: {  	s11 =	simm.s32 $0x10980;
	v3 =	vperm.xlane v3, v2  }
0x242: {  	[tilespmem:s11], [sflag:$0x3] =	stream.indirect_vreg.gather [hbm4b:s5+s3], $0x80, v4, vm0, $0xb8;
	[tilespmem:$0x18180] =	vst v63  }
0x243: {  	v3 =	vadd.s32 v1, v3  }
0x244: {  	[tilespmem:s26], [sflag:$0x3] =	stream.indirect_vreg.gather [hbm4b:s6+s3], $0x80, v4, vm0, $0xb8;
	[tilespmem:$0x18180] =	vst v63  }
0x245: {  	_ = 	snop  }
0x246: {  	[tilespmem:s30], [sflag:$0x3] =	stream.indirect_vreg.gather [hbm4b:s7+s3], $0x80, v4, vm0, $0xb8;
	[tilespmem:$0x18180] =	vst v63  }
0x247: {  	_ = 	snop  }
0x248: {  	[tilespmem:s9], [sflag:$0x3] =	stream.indirect_vreg.gather [hbm4b:s1+s3], $0x80, v3, vm0, $0xb8;
	[tilespmem:$0x18180] =	vst v63  }
0x249: {  	_ = 	snop  }
0x24a: {  	[tilespmem:s4], [sflag:$0x3] =	stream.indirect_vreg.gather [hbm4b:s5+s3], $0x80, v3, vm0, $0xb8;
	[tilespmem:$0x18180] =	vst v63  }
0x24b: {  	s17 =	simm.s32 $0x13180  }
0x24c: {  	[tilespmem:s17], [sflag:$0x3] =	stream.indirect_vreg.gather [hbm4b:s6+s3], $0x80, v3, vm0, $0xb8;
	[tilespmem:$0x18180] =	vst v63  }
0x24d: {  	s19 =	simm.s32 $0x13980  }
0x24e: {  	[tilespmem:s19], [sflag:$0x3] =	stream.indirect_vreg.gather [hbm4b:s7+s3], $0x80, v3, vm0, $0xb8;
	[tilespmem:$0x18180] =	vst v63  }
0x24f: {  	v3 =	vld [tilespmem:$0x170];
	_ =	sdelay $0x4  }
0x250: {  	v63 =	vshll.u32 v3, $0x3  }
0x251: {  	v3 =	vand.u32 $0x7, v3;
	v4 =	vand.u32 $0xFFFFFFC0, v63  }
0x252: {  	v3 =	vor.u32 v3, v4  }
0x253: {  	v4 =	vperm.xlane v3, v0;
	_ =	sdelay $0x1  }
0x254: {  	v4 =	vadd.s32 v1, v4;
	_ =	sdelay $0x3  }
0x255: {  	s21 =	simm.s32 $0x14180  }
0x256: {  	[tilespmem:s21], [sflag:$0x3] =	stream.indirect_vreg.gather [hbm4b:s1+s3], $0x80, v4, vm0, $0xb8;
	[tilespmem:$0x18180] =	vst v63  }
0x257: {  	s22 =	simm.s32 $0x14980;
	v3 =	vperm.xlane v3, v2  }
0x258: {  	[tilespmem:s22], [sflag:$0x3] =	stream.indirect_vreg.gather [hbm4b:s5+s3], $0x80, v4, vm0, $0xb8;
	[tilespmem:$0x18180] =	vst v63  }
0x259: {  	s23 =	simm.s32 $0x15180;
	v3 =	vadd.s32 v1, v3  }
0x25a: {  	[tilespmem:s23], [sflag:$0x3] =	stream.indirect_vreg.gather [hbm4b:s6+s3], $0x80, v4, vm0, $0xb8;
	[tilespmem:$0x18180] =	vst v63  }
0x25b: {  	s24 =	simm.s32 $0x15980  }
0x25c: {  	[tilespmem:s24], [sflag:$0x3] =	stream.indirect_vreg.gather [hbm4b:s7+s3], $0x80, v4, vm0, $0xb8;
	[tilespmem:$0x18180] =	vst v63  }
0x25d: {  	s25 =	simm.s32 $0x16180  }
0x25e: {  	[tilespmem:s25], [sflag:$0x3] =	stream.indirect_vreg.gather [hbm4b:s1+s3], $0x80, v3, vm0, $0xb8;
	[tilespmem:$0x18180] =	vst v63  }
0x25f: {  	s26 =	simm.s32 $0x16980  }
0x260: {  	[tilespmem:s26], [sflag:$0x3] =	stream.indirect_vreg.gather [hbm4b:s5+s3], $0x80, v3, vm0, $0xb8;
	[tilespmem:$0x18180] =	vst v63  }
0x261: {  	s28 =	simm.s32 $0x17180  }
0x262: {  	[tilespmem:s28], [sflag:$0x3] =	stream.indirect_vreg.gather [hbm4b:s6+s3], $0x80, v3, vm0, $0xb8;
	[tilespmem:$0x18180] =	vst v63  }
0x263: {  	s29 =	simm.s32 $0x17980  }
0x264: {  	[tilespmem:s29], [sflag:$0x3] =	stream.indirect_vreg.gather [hbm4b:s7+s3], $0x80, v3, vm0, $0xb8;
	[tilespmem:$0x18180] =	vst v63  }
0x265: {  	_ =	swait.ge [sflag:s12], $0x8000  }
0x266: {  	[sflag:s12] =	ssyncset.done $0x0  }
0x267: {  	s20 =	simm.s32 $0x8180;
	s30 =	rddreg [dreg:$0xe];
	[sflag:s12] =	ssyncadd.s32 $0xFFFF8000  }
0x268: {  	[hbm4b:s30+s3] =	stream.linear.scatter [tilespmem:s20], [sflag:$0x5], $0x8000, $0x38;
	[tilespmem:$0x18180] =	vst v63  }
0x269: {  	_ =	swait.ge [sflag:s14], $0x8000  }
0x26a: {  	[sflag:s14] =	ssyncset.done $0x0  }
0x26b: {  	s31 =	rddreg [dreg:$0xf];
	[sflag:s14] =	ssyncadd.s32 $0xFFFF8000  }
0x26c: {  	[hbm4b:s31+s3] =	stream.linear.scatter [tilespmem:s10], [sflag:$0x6], $0x8000, $0x38;
	[tilespmem:$0x18180] =	vst v63  }
0x26d: {  	_ =	swait.ge [sflag:s13], $0x8000  }
0x26e: {  	[sflag:s13] =	ssyncset.done $0x0  }
0x26f: {  	[sflag:s13] =	ssyncadd.s32 $0xFFFF8000  }
0x270: {  	p0 =	sne.s32 s8, $0x1;
	_ =	swait.ge [sflag:s15], $0x8000  }
.Ltmp0:
0x271: {  	[sflag:s15] =	ssyncset.done $0x0;
	(pc) =	sbr.rel @p0 .LBB2_1-.Ltmp0, $4  }
0x272: {  	[sflag:s15] =	ssyncadd.s32 $0xFFFF8000  }
0x273: {  	_ =	swait.ge [sflag:s16], $0x8000  }
0x274: {  	[sflag:s16] =	ssyncset.done $0x0  }
0x275: {  	s8 =	sadd.s32 $0xFFFFFFFF, s8;
	[sflag:s16] =	ssyncadd.s32 $0xFFFF8000  }
0x276: {  	_ =	sfence.sel $0x180000  }
0x277: {  	[bflag:$0x0] =	sbarrier.arrive $0xFFFF  }
0x278: {  	_ =	strace $0x9000004A  }
0x279: {  	s0 =	stileid.u32;
	[bflag:$0x2] =	sbarrier.arrive $0xFFFF  }
0x27a: {  	p0 =	sne.s32 s0, $0x0;
	s0 =	rddreg [dreg:$0x3]  }
0x27b: {  	s0 =	sadd.s32 @!p0 $0x100000, s0  }
0x27c: {  	[sflag:s0] =	ssyncadd.tile.s32 @!p0 $0x1;
	_ =	shalt  }
.Lfunc_end2:
_tile_overlayer_lowered:
.L_overlay_start_2:
0x27d: {  	(tag) =	ssettag $0x2  }
0x27e: {  	s0 =	rddreg [dreg:$0x0];
	s2 =	stileid.u32  }
0x27f: {  	s1 =	rddreg [dreg:$0x1];
	p0 =	sne.s32 s2, $0x0  }
0x280: {  	s3 =	rddreg [dreg:$0x2];
	[bflag:$0x3] =	sbarrier.arrive $0xFFFF;
	s2 =	simm.s32 @!p0 $0x1C07  }
0x281: {  	[timem:s3], [sflag:s2] =	dma.local @!p0 [hbm:s0], s1  }
0x282: {  	s0 =	simm.s32 @!p0 $0x7  }
0x283: {  	_ =	swait.ge @!p0 [sflag:s0], s1  }
0x284: {  	s1 =	ssub.s32 @!p0 $0x0, s1;
	[sflag:s0] =	ssyncset.done @!p0 $0x0  }
0x285: {  	[sflag:s0] =	ssyncadd.s32 @!p0 s1  }
0x286: {  	[bflag:$0x3] =	sbarrier.arrive $0xFFFF  }
0x287: {  	_ =	shalt  }

</sc_bundles>
